<compile_context>
chip_gen: v7x
topology: tpu7x:2x2x1
jax: 0.10.2.dev20260603
libtpu: 0.0.44.dev20260713+nightly
codegen_flags: <defaults>
</compile_context>

<pallas_src>
import dataclasses
import functools

import jax
import jax.numpy as jnp
from jax import lax
from jax.experimental import pallas as pl
from jax.experimental.pallas import tpu as pltpu
from jax.experimental.pallas import tpu_sc as plsc

H = 128
P = 200
NC = 2
NS = 16
NW = NC * NS
W = 32
NBUF = 10
LA = 8


def _sc_embed(ids, pids, subword_table, positional_table, n):
    bpw = n // NW
    steps = bpw // W
    mesh = plsc.VectorSubcoreMesh(core_axis_name="c", subcore_axis_name="s")
    cp = pltpu.CompilerParams()
    if "needs_layout_passes" in pltpu.CompilerParams.__dataclass_fields__:
        cp = dataclasses.replace(cp, needs_layout_passes=False)

    @functools.partial(
        pl.kernel,
        mesh=mesh,
        compiler_params=cp,
        out_type=jax.ShapeDtypeStruct((n, H), jnp.float32),
        scratch_types=[
            pltpu.VMEM((bpw,), jnp.int32),
            pltpu.VMEM((bpw,), jnp.int32),
            pltpu.VMEM((NBUF, W, H), jnp.float32),
            pltpu.VMEM((P, H), jnp.float32),
            pltpu.VMEM_SHARED((P, H), jnp.float32),
            pltpu.SemaphoreType.DMA((NBUF,)),
            pltpu.SemaphoreType.DMA((NBUF,)),
            pltpu.SemaphoreType.DMA((NBUF,)),
        ],
    )
    def k(sub_hbm, pos_hbm, ids_hbm, pids_hbm, out_hbm,
          ids_v, pids_v, rows_v, stage_v, pos_sh, gsem, psem, osem):
        wid = lax.axis_index("s") * NC + lax.axis_index("c")
        base = wid * bpw

        @pl.when(lax.axis_index("s") == 0)
        def _():
            pltpu.sync_copy(pos_hbm, stage_v)
            pltpu.sync_copy(stage_v, pos_sh)

        pltpu.sync_copy(ids_hbm.at[pl.ds(base, bpw)], ids_v)
        pltpu.sync_copy(pids_hbm.at[pl.ds(base, bpw)], pids_v)

        def stage_and_gather(step, b):
            pltpu.make_async_copy(
                sub_hbm.at[ids_v.at[pl.ds(step * W, W)]], rows_v.at[b],
                gsem.at[b]).start()

        def start_posadd(step, b):
            pltpu.make_async_copy(
                sub_hbm.at[ids_v.at[pl.ds(step * W, W)]], rows_v.at[b],
                gsem.at[b]).wait()
            pltpu.async_copy(
                pos_sh.at[pids_v.at[pl.ds(step * W, W)]], rows_v.at[b],
                psem.at[b], add=True)

        def wait_posadd(step, b):
            pltpu.make_async_copy(
                pos_sh.at[pids_v.at[pl.ds(step * W, W)]], rows_v.at[b],
                psem.at[b]).wait()

        def start_writeout(step, b):
            off = base + step * W
            pltpu.make_async_copy(
                rows_v.at[b], out_hbm.at[pl.ds(off, W)], osem.at[b]).start()

        def wait_writeout(step, b):
            off = base + step * W
            pltpu.make_async_copy(
                rows_v.at[b], out_hbm.at[pl.ds(off, W)], osem.at[b]).wait()

        for s in range(LA):
            stage_and_gather(s, s)
        plsc.subcore_barrier()
        start_posadd(0, 0)

        @pl.loop(0, steps // NBUF)
        def _(i):
            for b in range(NBUF):
                s = i * NBUF + b
                b2 = (b + LA) % NBUF
                s2 = s + LA
                b1 = (b + 1) % NBUF
                s1 = s + 1

                @pl.when(s2 < steps)
                def _():
                    @pl.when(s2 >= NBUF)
                    def _():
                        wait_writeout(s2 - NBUF, b2)
                    stage_and_gather(s2, b2)

                @pl.when(s1 < steps)
                def _():
                    start_posadd(s1, b1)

                wait_posadd(s, b)
                start_writeout(s, b)

        for b in range(NBUF):
            wait_writeout(steps - NBUF + b, b)

    return k(subword_table, positional_table, ids, pids)


def kernel(input_ids, position_ids, subword_table, positional_table):
    b, s = input_ids.shape
    n = b * s
    out = _sc_embed(
        input_ids.reshape(n),
        position_ids.reshape(n),
        subword_table,
        positional_table,
        n,
    )
    return out.reshape(b, s, H)

# --- scband reference (transcript-rebuilt; emitter-appended) ---
"""Pipeline reference for scband-conve-rtembedding-66846870995559 (READ-ONLY COPY).

The authoritative reference and input builder live on the scoring server;
editing this copy changes nothing except your own understanding.
"""

import jax, jax.numpy as jnp
import numpy as np

VOCAB_SIZE = 100000
HIDDEN_SIZE = 128
MAX_SEQ_LEN = 200
BATCH = 1024
SEQ_LEN = 200


def setup_inputs(seed: int = 0) -> dict:
    key = jax.random.key(seed)
    k1, k2, k3, k4 = jax.random.split(key, 4)
    input_ids = jax.random.randint(k1, (BATCH, SEQ_LEN), 0, VOCAB_SIZE, dtype=jnp.int64 if jax.config.jax_enable_x64 else jnp.int32).astype(jnp.int32)
    position_ids = jax.random.randint(k2, (BATCH, SEQ_LEN), 0, MAX_SEQ_LEN, dtype=jnp.int32)
    subword_table = jax.random.normal(k3, (VOCAB_SIZE, HIDDEN_SIZE), dtype=jnp.float32)
    positional_table = jax.random.normal(k4, (MAX_SEQ_LEN, HIDDEN_SIZE), dtype=jnp.float32)
    return {
        "input_ids": input_ids,
        "position_ids": position_ids,
        "subword_table": subword_table,
        "positional_table": positional_table,
    }


def reference(input_ids, position_ids, subword_table, positional_table):
    # subword_embed = Embedding(vocab_size, hidden_size)(input_ids)
    subword_embed = jnp.take(subword_table, input_ids, axis=0)
    # positional_embed = Embedding(max_seq_len, hidden_size)(position_ids)
    positional_embed = jnp.take(positional_table, position_ids, axis=0)
    embedding = subword_embed + positional_embed
    return embedding

if __name__ == "__main__":
    import jax
    _d = setup_inputs()
    print(jax.jit(kernel)(*tuple(_d.values())))

</pallas_src>

<mosaic_0001>
#map = affine_map<(d0, d1) -> (0, 0)>
#map1 = affine_map<(d0, d1) -> (0)>
module attributes {stable_mosaic.version = 14 : i64} {
  func.func @k(%arg0: i32, %arg1: i32, %arg2: memref<100000x128xf32, #tpu.memory_space<hbm>>, %arg3: memref<200x128xf32, #tpu.memory_space<hbm>>, %arg4: memref<204800xi32, #tpu.memory_space<hbm>>, %arg5: memref<204800xi32, #tpu.memory_space<hbm>>, %arg6: memref<204800x128xf32, #tpu.memory_space<hbm>>, %arg7: memref<6400xi32, #tpu.memory_space<vmem>>, %arg8: memref<6400xi32, #tpu.memory_space<vmem>>, %arg9: memref<10x32x128xf32, #tpu.memory_space<vmem>>, %arg10: memref<200x128xf32, #tpu.memory_space<vmem>>, %arg11: memref<200x128xf32, #tpu.memory_space<vmem_shared>>, %arg12: memref<10x!tpu.dma_semaphore, #tpu.memory_space<semaphore_mem>>, %arg13: memref<10x!tpu.dma_semaphore, #tpu.memory_space<semaphore_mem>>, %arg14: memref<10x!tpu.dma_semaphore, #tpu.memory_space<semaphore_mem>>) attributes {dimension_semantics = [#tpu.dimension_semantics<core_parallel>, #tpu.dimension_semantics<subcore_parallel>], iteration_bounds = array<i64: 2, 16>, scalar_prefetch = 0 : i64, scratch_operands = 8 : i64, tpu.core_type = #tpu.core_type<sc_vector_subcore>, window_params = [{transform_indices = #map}, {transform_indices = #map}, {transform_indices = #map1}, {transform_indices = #map1}, {transform_indices = #map}]} {
    %mul3A = arith.constant 2 : i32
    %mul3A_0 = arith.muli %arg1, %mul3A : i32
    %add3A = arith.addi %mul3A_0, %arg0 : i32
    %mul3A_1 = arith.constant 6400 : i32
    %mul3A_2 = arith.muli %add3A, %mul3A_1 : i32
    %eq3A = arith.constant 0 : i32
    %eq3A_3 = arith.cmpi eq, %arg1, %eq3A : i32
    %convert_element_type3A = arith.extui %eq3A_3 : i1 to i32
    %cond3A = arith.constant 0 : i32
    %cond3A_4 = arith.cmpi ne, %convert_element_type3A, %cond3A : i32
    scf.if %cond3A_4 {
      "tpu.region"() ({
        %run_scoped3A = tpu.sem_alloc : memref<!tpu.dma_semaphore, #tpu.memory_space<semaphore_mem>>
        tpu.enqueue_dma source(%arg3 : memref<200x128xf32, #tpu.memory_space<hbm>>) target(%arg10 : memref<200x128xf32, #tpu.memory_space<vmem>>) target_semaphore(%run_scoped3A : memref<!tpu.dma_semaphore, #tpu.memory_space<semaphore_mem>>)
        tpu.wait_dma2 semaphore(%run_scoped3A : memref<!tpu.dma_semaphore, #tpu.memory_space<semaphore_mem>>) src(%arg3 : memref<200x128xf32, #tpu.memory_space<hbm>>) dst(%arg10 : memref<200x128xf32, #tpu.memory_space<vmem>>)
        tpu.yield
      }) : () -> ()
      "tpu.region"() ({
        %run_scoped3A = tpu.sem_alloc : memref<!tpu.dma_semaphore, #tpu.memory_space<semaphore_mem>>
        tpu.enqueue_dma source(%arg10 : memref<200x128xf32, #tpu.memory_space<vmem>>) target(%arg11 : memref<200x128xf32, #tpu.memory_space<vmem_shared>>) target_semaphore(%run_scoped3A : memref<!tpu.dma_semaphore, #tpu.memory_space<semaphore_mem>>)
        tpu.wait_dma2 semaphore(%run_scoped3A : memref<!tpu.dma_semaphore, #tpu.memory_space<semaphore_mem>>) src(%arg10 : memref<200x128xf32, #tpu.memory_space<vmem>>) dst(%arg11 : memref<200x128xf32, #tpu.memory_space<vmem_shared>>)
        tpu.yield
      }) : () -> ()
    } else {
    }
    "tpu.region"() ({
      %run_scoped3A = tpu.sem_alloc : memref<!tpu.dma_semaphore, #tpu.memory_space<semaphore_mem>>
      %dma_start3A_317 = tpu.memref_slice %arg4[%mul3A_2] : memref<204800xi32, #tpu.memory_space<hbm>> -> memref<6400xi32, #tpu.memory_space<hbm>>
      %dma_start3A_318 = tpu.memref_slice %arg4[%mul3A_2] : memref<204800xi32, #tpu.memory_space<hbm>> -> memref<6400xi32, #tpu.memory_space<hbm>>
      tpu.enqueue_dma source(%dma_start3A_318 : memref<6400xi32, #tpu.memory_space<hbm>>) target(%arg7 : memref<6400xi32, #tpu.memory_space<vmem>>) target_semaphore(%run_scoped3A : memref<!tpu.dma_semaphore, #tpu.memory_space<semaphore_mem>>)
      %dma_wait3A_319 = tpu.memref_slice %arg4[%mul3A_2] : memref<204800xi32, #tpu.memory_space<hbm>> -> memref<6400xi32, #tpu.memory_space<hbm>>
      %dma_wait3A_320 = tpu.memref_slice %arg4[%mul3A_2] : memref<204800xi32, #tpu.memory_space<hbm>> -> memref<6400xi32, #tpu.memory_space<hbm>>
      tpu.wait_dma2 semaphore(%run_scoped3A : memref<!tpu.dma_semaphore, #tpu.memory_space<semaphore_mem>>) src(%dma_wait3A_320 : memref<6400xi32, #tpu.memory_space<hbm>>) dst(%arg7 : memref<6400xi32, #tpu.memory_space<vmem>>)
      tpu.yield
    }) : () -> ()
    "tpu.region"() ({
      %run_scoped3A = tpu.sem_alloc : memref<!tpu.dma_semaphore, #tpu.memory_space<semaphore_mem>>
      %dma_start3A_317 = tpu.memref_slice %arg5[%mul3A_2] : memref<204800xi32, #tpu.memory_space<hbm>> -> memref<6400xi32, #tpu.memory_space<hbm>>
      %dma_start3A_318 = tpu.memref_slice %arg5[%mul3A_2] : memref<204800xi32, #tpu.memory_space<hbm>> -> memref<6400xi32, #tpu.memory_space<hbm>>
      tpu.enqueue_dma source(%dma_start3A_318 : memref<6400xi32, #tpu.memory_space<hbm>>) target(%arg8 : memref<6400xi32, #tpu.memory_space<vmem>>) target_semaphore(%run_scoped3A : memref<!tpu.dma_semaphore, #tpu.memory_space<semaphore_mem>>)
      %dma_wait3A_319 = tpu.memref_slice %arg5[%mul3A_2] : memref<204800xi32, #tpu.memory_space<hbm>> -> memref<6400xi32, #tpu.memory_space<hbm>>
      %dma_wait3A_320 = tpu.memref_slice %arg5[%mul3A_2] : memref<204800xi32, #tpu.memory_space<hbm>> -> memref<6400xi32, #tpu.memory_space<hbm>>
      tpu.wait_dma2 semaphore(%run_scoped3A : memref<!tpu.dma_semaphore, #tpu.memory_space<semaphore_mem>>) src(%dma_wait3A_320 : memref<6400xi32, #tpu.memory_space<hbm>>) dst(%arg8 : memref<6400xi32, #tpu.memory_space<vmem>>)
      tpu.yield
    }) : () -> ()
    %dma_start3A = arith.constant 0 : i32
    %dma_start3A_5 = arith.constant 0 : i32
    %dma_start3A_6 = arith.constant 0 : i32
    %dma_start3A_7 = arith.constant 0 : i32
    %dma_start3A_8 = tpu.memref_slice %arg9[%dma_start3A, %dma_start3A_6, %dma_start3A_7] : memref<10x32x128xf32, #tpu.memory_space<vmem>> -> memref<1x32x128xf32, #tpu.memory_space<vmem>>
    %dma_start3A_9 = tpu.memref_squeeze %dma_start3A_8 : memref<1x32x128xf32, #tpu.memory_space<vmem>> -> memref<32x128xf32, #tpu.memory_space<vmem>>
    %dma_start3A_10 = arith.constant 0 : i32
    %dma_start3A_11 = tpu.memref_slice %arg7[%dma_start3A_10] : memref<6400xi32, #tpu.memory_space<vmem>> -> memref<32xi32, #tpu.memory_space<vmem>>
    %dma_start3A_12 = arith.constant 0 : i32
    %dma_start3A_13 = arith.constant 0 : i32
    %dma_start3A_14 = tpu.memref_slice %arg2[%dma_start3A_12, %dma_start3A_13] : memref<100000x128xf32, #tpu.memory_space<hbm>> -> memref<100000x128xf32, #tpu.memory_space<hbm>>
    %dma_start3A_15 = tpu.memref_slice %arg12[%dma_start3A_5] : memref<10x!tpu.dma_semaphore, #tpu.memory_space<semaphore_mem>> -> memref<1x!tpu.dma_semaphore, #tpu.memory_space<semaphore_mem>>
    %dma_start3A_16 = tpu.memref_squeeze %dma_start3A_15 : memref<1x!tpu.dma_semaphore, #tpu.memory_space<semaphore_mem>> -> memref<!tpu.dma_semaphore, #tpu.memory_space<semaphore_mem>>
    tpu.enqueue_indirect_dma source(%dma_start3A_14 : memref<100000x128xf32, #tpu.memory_space<hbm>>) target(%dma_start3A_9 : memref<32x128xf32, #tpu.memory_space<vmem>>) offsets(%dma_start3A_11 : memref<32xi32, #tpu.memory_space<vmem>>) semaphore(%dma_start3A_16 : memref<!tpu.dma_semaphore, #tpu.memory_space<semaphore_mem>>)
    %dma_start3A_17 = arith.constant 1 : i32
    %dma_start3A_18 = arith.constant 1 : i32
    %dma_start3A_19 = arith.constant 0 : i32
    %dma_start3A_20 = arith.constant 0 : i32
    %dma_start3A_21 = tpu.memref_slice %arg9[%dma_start3A_17, %dma_start3A_19, %dma_start3A_20] : memref<10x32x128xf32, #tpu.memory_space<vmem>> -> memref<1x32x128xf32, #tpu.memory_space<vmem>>
    %dma_start3A_22 = tpu.memref_squeeze %dma_start3A_21 : memref<1x32x128xf32, #tpu.memory_space<vmem>> -> memref<32x128xf32, #tpu.memory_space<vmem>>
    %dma_start3A_23 = arith.constant 32 : i32
    %dma_start3A_24 = tpu.memref_slice %arg7[%dma_start3A_23] : memref<6400xi32, #tpu.memory_space<vmem>> -> memref<32xi32, #tpu.memory_space<vmem>>
    %dma_start3A_25 = arith.constant 0 : i32
    %dma_start3A_26 = arith.constant 0 : i32
    %dma_start3A_27 = tpu.memref_slice %arg2[%dma_start3A_25, %dma_start3A_26] : memref<100000x128xf32, #tpu.memory_space<hbm>> -> memref<100000x128xf32, #tpu.memory_space<hbm>>
    %dma_start3A_28 = tpu.memref_slice %arg12[%dma_start3A_18] : memref<10x!tpu.dma_semaphore, #tpu.memory_space<semaphore_mem>> -> memref<1x!tpu.dma_semaphore, #tpu.memory_space<semaphore_mem>>
    %dma_start3A_29 = tpu.memref_squeeze %dma_start3A_28 : memref<1x!tpu.dma_semaphore, #tpu.memory_space<semaphore_mem>> -> memref<!tpu.dma_semaphore, #tpu.memory_space<semaphore_mem>>
    tpu.enqueue_indirect_dma source(%dma_start3A_27 : memref<100000x128xf32, #tpu.memory_space<hbm>>) target(%dma_start3A_22 : memref<32x128xf32, #tpu.memory_space<vmem>>) offsets(%dma_start3A_24 : memref<32xi32, #tpu.memory_space<vmem>>) semaphore(%dma_start3A_29 : memref<!tpu.dma_semaphore, #tpu.memory_space<semaphore_mem>>)
    %dma_start3A_30 = arith.constant 2 : i32
    %dma_start3A_31 = arith.constant 2 : i32
    %dma_start3A_32 = arith.constant 0 : i32
    %dma_start3A_33 = arith.constant 0 : i32
    %dma_start3A_34 = tpu.memref_slice %arg9[%dma_start3A_30, %dma_start3A_32, %dma_start3A_33] : memref<10x32x128xf32, #tpu.memory_space<vmem>> -> memref<1x32x128xf32, #tpu.memory_space<vmem>>
    %dma_start3A_35 = tpu.memref_squeeze %dma_start3A_34 : memref<1x32x128xf32, #tpu.memory_space<vmem>> -> memref<32x128xf32, #tpu.memory_space<vmem>>
    %dma_start3A_36 = arith.constant 64 : i32
    %dma_start3A_37 = tpu.memref_slice %arg7[%dma_start3A_36] : memref<6400xi32, #tpu.memory_space<vmem>> -> memref<32xi32, #tpu.memory_space<vmem>>
    %dma_start3A_38 = arith.constant 0 : i32
    %dma_start3A_39 = arith.constant 0 : i32
    %dma_start3A_40 = tpu.memref_slice %arg2[%dma_start3A_38, %dma_start3A_39] : memref<100000x128xf32, #tpu.memory_space<hbm>> -> memref<100000x128xf32, #tpu.memory_space<hbm>>
    %dma_start3A_41 = tpu.memref_slice %arg12[%dma_start3A_31] : memref<10x!tpu.dma_semaphore, #tpu.memory_space<semaphore_mem>> -> memref<1x!tpu.dma_semaphore, #tpu.memory_space<semaphore_mem>>
    %dma_start3A_42 = tpu.memref_squeeze %dma_start3A_41 : memref<1x!tpu.dma_semaphore, #tpu.memory_space<semaphore_mem>> -> memref<!tpu.dma_semaphore, #tpu.memory_space<semaphore_mem>>
    tpu.enqueue_indirect_dma source(%dma_start3A_40 : memref<100000x128xf32, #tpu.memory_space<hbm>>) target(%dma_start3A_35 : memref<32x128xf32, #tpu.memory_space<vmem>>) offsets(%dma_start3A_37 : memref<32xi32, #tpu.memory_space<vmem>>) semaphore(%dma_start3A_42 : memref<!tpu.dma_semaphore, #tpu.memory_space<semaphore_mem>>)
    %dma_start3A_43 = arith.constant 3 : i32
    %dma_start3A_44 = arith.constant 3 : i32
    %dma_start3A_45 = arith.constant 0 : i32
    %dma_start3A_46 = arith.constant 0 : i32
    %dma_start3A_47 = tpu.memref_slice %arg9[%dma_start3A_43, %dma_start3A_45, %dma_start3A_46] : memref<10x32x128xf32, #tpu.memory_space<vmem>> -> memref<1x32x128xf32, #tpu.memory_space<vmem>>
    %dma_start3A_48 = tpu.memref_squeeze %dma_start3A_47 : memref<1x32x128xf32, #tpu.memory_space<vmem>> -> memref<32x128xf32, #tpu.memory_space<vmem>>
    %dma_start3A_49 = arith.constant 96 : i32
    %dma_start3A_50 = tpu.memref_slice %arg7[%dma_start3A_49] : memref<6400xi32, #tpu.memory_space<vmem>> -> memref<32xi32, #tpu.memory_space<vmem>>
    %dma_start3A_51 = arith.constant 0 : i32
    %dma_start3A_52 = arith.constant 0 : i32
    %dma_start3A_53 = tpu.memref_slice %arg2[%dma_start3A_51, %dma_start3A_52] : memref<100000x128xf32, #tpu.memory_space<hbm>> -> memref<100000x128xf32, #tpu.memory_space<hbm>>
    %dma_start3A_54 = tpu.memref_slice %arg12[%dma_start3A_44] : memref<10x!tpu.dma_semaphore, #tpu.memory_space<semaphore_mem>> -> memref<1x!tpu.dma_semaphore, #tpu.memory_space<semaphore_mem>>
    %dma_start3A_55 = tpu.memref_squeeze %dma_start3A_54 : memref<1x!tpu.dma_semaphore, #tpu.memory_space<semaphore_mem>> -> memref<!tpu.dma_semaphore, #tpu.memory_space<semaphore_mem>>
    tpu.enqueue_indirect_dma source(%dma_start3A_53 : memref<100000x128xf32, #tpu.memory_space<hbm>>) target(%dma_start3A_48 : memref<32x128xf32, #tpu.memory_space<vmem>>) offsets(%dma_start3A_50 : memref<32xi32, #tpu.memory_space<vmem>>) semaphore(%dma_start3A_55 : memref<!tpu.dma_semaphore, #tpu.memory_space<semaphore_mem>>)
    %dma_start3A_56 = arith.constant 4 : i32
    %dma_start3A_57 = arith.constant 4 : i32
    %dma_start3A_58 = arith.constant 0 : i32
    %dma_start3A_59 = arith.constant 0 : i32
    %dma_start3A_60 = tpu.memref_slice %arg9[%dma_start3A_56, %dma_start3A_58, %dma_start3A_59] : memref<10x32x128xf32, #tpu.memory_space<vmem>> -> memref<1x32x128xf32, #tpu.memory_space<vmem>>
    %dma_start3A_61 = tpu.memref_squeeze %dma_start3A_60 : memref<1x32x128xf32, #tpu.memory_space<vmem>> -> memref<32x128xf32, #tpu.memory_space<vmem>>
    %dma_start3A_62 = arith.constant 128 : i32
    %dma_start3A_63 = tpu.memref_slice %arg7[%dma_start3A_62] : memref<6400xi32, #tpu.memory_space<vmem>> -> memref<32xi32, #tpu.memory_space<vmem>>
    %dma_start3A_64 = arith.constant 0 : i32
    %dma_start3A_65 = arith.constant 0 : i32
    %dma_start3A_66 = tpu.memref_slice %arg2[%dma_start3A_64, %dma_start3A_65] : memref<100000x128xf32, #tpu.memory_space<hbm>> -> memref<100000x128xf32, #tpu.memory_space<hbm>>
    %dma_start3A_67 = tpu.memref_slice %arg12[%dma_start3A_57] : memref<10x!tpu.dma_semaphore, #tpu.memory_space<semaphore_mem>> -> memref<1x!tpu.dma_semaphore, #tpu.memory_space<semaphore_mem>>
    %dma_start3A_68 = tpu.memref_squeeze %dma_start3A_67 : memref<1x!tpu.dma_semaphore, #tpu.memory_space<semaphore_mem>> -> memref<!tpu.dma_semaphore, #tpu.memory_space<semaphore_mem>>
    tpu.enqueue_indirect_dma source(%dma_start3A_66 : memref<100000x128xf32, #tpu.memory_space<hbm>>) target(%dma_start3A_61 : memref<32x128xf32, #tpu.memory_space<vmem>>) offsets(%dma_start3A_63 : memref<32xi32, #tpu.memory_space<vmem>>) semaphore(%dma_start3A_68 : memref<!tpu.dma_semaphore, #tpu.memory_space<semaphore_mem>>)
    %dma_start3A_69 = arith.constant 5 : i32
    %dma_start3A_70 = arith.constant 5 : i32
    %dma_start3A_71 = arith.constant 0 : i32
    %dma_start3A_72 = arith.constant 0 : i32
    %dma_start3A_73 = tpu.memref_slice %arg9[%dma_start3A_69, %dma_start3A_71, %dma_start3A_72] : memref<10x32x128xf32, #tpu.memory_space<vmem>> -> memref<1x32x128xf32, #tpu.memory_space<vmem>>
    %dma_start3A_74 = tpu.memref_squeeze %dma_start3A_73 : memref<1x32x128xf32, #tpu.memory_space<vmem>> -> memref<32x128xf32, #tpu.memory_space<vmem>>
    %dma_start3A_75 = arith.constant 160 : i32
    %dma_start3A_76 = tpu.memref_slice %arg7[%dma_start3A_75] : memref<6400xi32, #tpu.memory_space<vmem>> -> memref<32xi32, #tpu.memory_space<vmem>>
    %dma_start3A_77 = arith.constant 0 : i32
    %dma_start3A_78 = arith.constant 0 : i32
    %dma_start3A_79 = tpu.memref_slice %arg2[%dma_start3A_77, %dma_start3A_78] : memref<100000x128xf32, #tpu.memory_space<hbm>> -> memref<100000x128xf32, #tpu.memory_space<hbm>>
    %dma_start3A_80 = tpu.memref_slice %arg12[%dma_start3A_70] : memref<10x!tpu.dma_semaphore, #tpu.memory_space<semaphore_mem>> -> memref<1x!tpu.dma_semaphore, #tpu.memory_space<semaphore_mem>>
    %dma_start3A_81 = tpu.memref_squeeze %dma_start3A_80 : memref<1x!tpu.dma_semaphore, #tpu.memory_space<semaphore_mem>> -> memref<!tpu.dma_semaphore, #tpu.memory_space<semaphore_mem>>
    tpu.enqueue_indirect_dma source(%dma_start3A_79 : memref<100000x128xf32, #tpu.memory_space<hbm>>) target(%dma_start3A_74 : memref<32x128xf32, #tpu.memory_space<vmem>>) offsets(%dma_start3A_76 : memref<32xi32, #tpu.memory_space<vmem>>) semaphore(%dma_start3A_81 : memref<!tpu.dma_semaphore, #tpu.memory_space<semaphore_mem>>)
    %dma_start3A_82 = arith.constant 6 : i32
    %dma_start3A_83 = arith.constant 6 : i32
    %dma_start3A_84 = arith.constant 0 : i32
    %dma_start3A_85 = arith.constant 0 : i32
    %dma_start3A_86 = tpu.memref_slice %arg9[%dma_start3A_82, %dma_start3A_84, %dma_start3A_85] : memref<10x32x128xf32, #tpu.memory_space<vmem>> -> memref<1x32x128xf32, #tpu.memory_space<vmem>>
    %dma_start3A_87 = tpu.memref_squeeze %dma_start3A_86 : memref<1x32x128xf32, #tpu.memory_space<vmem>> -> memref<32x128xf32, #tpu.memory_space<vmem>>
    %dma_start3A_88 = arith.constant 192 : i32
    %dma_start3A_89 = tpu.memref_slice %arg7[%dma_start3A_88] : memref<6400xi32, #tpu.memory_space<vmem>> -> memref<32xi32, #tpu.memory_space<vmem>>
    %dma_start3A_90 = arith.constant 0 : i32
    %dma_start3A_91 = arith.constant 0 : i32
    %dma_start3A_92 = tpu.memref_slice %arg2[%dma_start3A_90, %dma_start3A_91] : memref<100000x128xf32, #tpu.memory_space<hbm>> -> memref<100000x128xf32, #tpu.memory_space<hbm>>
    %dma_start3A_93 = tpu.memref_slice %arg12[%dma_start3A_83] : memref<10x!tpu.dma_semaphore, #tpu.memory_space<semaphore_mem>> -> memref<1x!tpu.dma_semaphore, #tpu.memory_space<semaphore_mem>>
    %dma_start3A_94 = tpu.memref_squeeze %dma_start3A_93 : memref<1x!tpu.dma_semaphore, #tpu.memory_space<semaphore_mem>> -> memref<!tpu.dma_semaphore, #tpu.memory_space<semaphore_mem>>
    tpu.enqueue_indirect_dma source(%dma_start3A_92 : memref<100000x128xf32, #tpu.memory_space<hbm>>) target(%dma_start3A_87 : memref<32x128xf32, #tpu.memory_space<vmem>>) offsets(%dma_start3A_89 : memref<32xi32, #tpu.memory_space<vmem>>) semaphore(%dma_start3A_94 : memref<!tpu.dma_semaphore, #tpu.memory_space<semaphore_mem>>)
    %dma_start3A_95 = arith.constant 7 : i32
    %dma_start3A_96 = arith.constant 7 : i32
    %dma_start3A_97 = arith.constant 0 : i32
    %dma_start3A_98 = arith.constant 0 : i32
    %dma_start3A_99 = tpu.memref_slice %arg9[%dma_start3A_95, %dma_start3A_97, %dma_start3A_98] : memref<10x32x128xf32, #tpu.memory_space<vmem>> -> memref<1x32x128xf32, #tpu.memory_space<vmem>>
    %dma_start3A_100 = tpu.memref_squeeze %dma_start3A_99 : memref<1x32x128xf32, #tpu.memory_space<vmem>> -> memref<32x128xf32, #tpu.memory_space<vmem>>
    %dma_start3A_101 = arith.constant 224 : i32
    %dma_start3A_102 = tpu.memref_slice %arg7[%dma_start3A_101] : memref<6400xi32, #tpu.memory_space<vmem>> -> memref<32xi32, #tpu.memory_space<vmem>>
    %dma_start3A_103 = arith.constant 0 : i32
    %dma_start3A_104 = arith.constant 0 : i32
    %dma_start3A_105 = tpu.memref_slice %arg2[%dma_start3A_103, %dma_start3A_104] : memref<100000x128xf32, #tpu.memory_space<hbm>> -> memref<100000x128xf32, #tpu.memory_space<hbm>>
    %dma_start3A_106 = tpu.memref_slice %arg12[%dma_start3A_96] : memref<10x!tpu.dma_semaphore, #tpu.memory_space<semaphore_mem>> -> memref<1x!tpu.dma_semaphore, #tpu.memory_space<semaphore_mem>>
    %dma_start3A_107 = tpu.memref_squeeze %dma_start3A_106 : memref<1x!tpu.dma_semaphore, #tpu.memory_space<semaphore_mem>> -> memref<!tpu.dma_semaphore, #tpu.memory_space<semaphore_mem>>
    tpu.enqueue_indirect_dma source(%dma_start3A_105 : memref<100000x128xf32, #tpu.memory_space<hbm>>) target(%dma_start3A_100 : memref<32x128xf32, #tpu.memory_space<vmem>>) offsets(%dma_start3A_102 : memref<32xi32, #tpu.memory_space<vmem>>) semaphore(%dma_start3A_107 : memref<!tpu.dma_semaphore, #tpu.memory_space<semaphore_mem>>)
    %barrier3A = arith.constant 0 : index
    tpu.barrier barrier_id(%barrier3A)
    %dma_wait3A = arith.constant 0 : i32
    %dma_wait3A_108 = arith.constant 0 : i32
    %dma_wait3A_109 = arith.constant 0 : i32
    %dma_wait3A_110 = arith.constant 0 : i32
    %dma_wait3A_111 = tpu.memref_slice %arg9[%dma_wait3A, %dma_wait3A_109, %dma_wait3A_110] : memref<10x32x128xf32, #tpu.memory_space<vmem>> -> memref<1x32x128xf32, #tpu.memory_space<vmem>>
    %dma_wait3A_112 = tpu.memref_squeeze %dma_wait3A_111 : memref<1x32x128xf32, #tpu.memory_space<vmem>> -> memref<32x128xf32, #tpu.memory_space<vmem>>
    %dma_wait3A_113 = arith.constant 0 : i32
    %dma_wait3A_114 = tpu.memref_slice %arg7[%dma_wait3A_113] : memref<6400xi32, #tpu.memory_space<vmem>> -> memref<32xi32, #tpu.memory_space<vmem>>
    %dma_wait3A_115 = arith.constant 0 : i32
    %dma_wait3A_116 = arith.constant 0 : i32
    %dma_wait3A_117 = tpu.memref_slice %arg2[%dma_wait3A_115, %dma_wait3A_116] : memref<100000x128xf32, #tpu.memory_space<hbm>> -> memref<100000x128xf32, #tpu.memory_space<hbm>>
    %dma_wait3A_118 = tpu.memref_slice %arg12[%dma_wait3A_108] : memref<10x!tpu.dma_semaphore, #tpu.memory_space<semaphore_mem>> -> memref<1x!tpu.dma_semaphore, #tpu.memory_space<semaphore_mem>>
    %dma_wait3A_119 = tpu.memref_squeeze %dma_wait3A_118 : memref<1x!tpu.dma_semaphore, #tpu.memory_space<semaphore_mem>> -> memref<!tpu.dma_semaphore, #tpu.memory_space<semaphore_mem>>
    tpu.wait_indirect_dma semaphore(%dma_wait3A_119 : memref<!tpu.dma_semaphore, #tpu.memory_space<semaphore_mem>>) src(%dma_wait3A_117 : memref<100000x128xf32, #tpu.memory_space<hbm>>) dst(%dma_wait3A_112 : memref<32x128xf32, #tpu.memory_space<vmem>>)
    %dma_start3A_120 = arith.constant 0 : i32
    %dma_start3A_121 = arith.constant 0 : i32
    %dma_start3A_122 = arith.constant 0 : i32
    %dma_start3A_123 = arith.constant 0 : i32
    %dma_start3A_124 = tpu.memref_slice %arg9[%dma_start3A_120, %dma_start3A_122, %dma_start3A_123] : memref<10x32x128xf32, #tpu.memory_space<vmem>> -> memref<1x32x128xf32, #tpu.memory_space<vmem>>
    %dma_start3A_125 = tpu.memref_squeeze %dma_start3A_124 : memref<1x32x128xf32, #tpu.memory_space<vmem>> -> memref<32x128xf32, #tpu.memory_space<vmem>>
    %dma_start3A_126 = arith.constant 0 : i32
    %dma_start3A_127 = tpu.memref_slice %arg8[%dma_start3A_126] : memref<6400xi32, #tpu.memory_space<vmem>> -> memref<32xi32, #tpu.memory_space<vmem>>
    %dma_start3A_128 = arith.constant 0 : i32
    %dma_start3A_129 = arith.constant 0 : i32
    %dma_start3A_130 = tpu.memref_slice %arg11[%dma_start3A_128, %dma_start3A_129] : memref<200x128xf32, #tpu.memory_space<vmem_shared>> -> memref<200x128xf32, #tpu.memory_space<vmem_shared>>
    %dma_start3A_131 = tpu.memref_slice %arg13[%dma_start3A_121] : memref<10x!tpu.dma_semaphore, #tpu.memory_space<semaphore_mem>> -> memref<1x!tpu.dma_semaphore, #tpu.memory_space<semaphore_mem>>
    %dma_start3A_132 = tpu.memref_squeeze %dma_start3A_131 : memref<1x!tpu.dma_semaphore, #tpu.memory_space<semaphore_mem>> -> memref<!tpu.dma_semaphore, #tpu.memory_space<semaphore_mem>>
    tpu.enqueue_indirect_dma source(%dma_start3A_130 : memref<200x128xf32, #tpu.memory_space<vmem_shared>>) target(%dma_start3A_125 : memref<32x128xf32, #tpu.memory_space<vmem>>) offsets(%dma_start3A_127 : memref<32xi32, #tpu.memory_space<vmem>>) semaphore(%dma_start3A_132 : memref<!tpu.dma_semaphore, #tpu.memory_space<semaphore_mem>>) {add = true}
    %scan3A = arith.constant 0 : i32
    %scan3A_133 = arith.constant 20 : i32
    %scan3A_134 = arith.addi %scan3A, %scan3A_133 : i32
    %scan3A_135 = arith.constant 1 : i32
    scf.for %scan3A_317 = %scan3A to %scan3A_134 step %scan3A_135  : i32 {
      %mul3A_318 = arith.constant 1 : i32
      %mul3A_319 = arith.muli %scan3A_317, %mul3A_318 : i32
      %add3A_320 = arith.constant 0 : i32
      %add3A_321 = arith.addi %add3A_320, %mul3A_319 : i32
      %mul3A_322 = arith.constant 10 : i32
      %mul3A_323 = arith.muli %add3A_321, %mul3A_322 : i32
      %add3A_324 = arith.constant 0 : i32
      %add3A_325 = arith.addi %mul3A_323, %add3A_324 : i32
      %add3A_326 = arith.constant 8 : i32
      %add3A_327 = arith.addi %add3A_325, %add3A_326 : i32
      %add3A_328 = arith.constant 1 : i32
      %add3A_329 = arith.addi %add3A_325, %add3A_328 : i32
      %lt3A = arith.constant 200 : i32
      %lt3A_330 = arith.cmpi slt, %add3A_327, %lt3A : i32
      %convert_element_type3A_331 = arith.extui %lt3A_330 : i1 to i32
      %cond3A_332 = arith.constant 0 : i32
      %cond3A_333 = arith.cmpi ne, %convert_element_type3A_331, %cond3A_332 : i32
      scf.if %cond3A_333 {
        %ge3A = arith.constant 10 : i32
        %ge3A_831 = arith.cmpi sge, %add3A_327, %ge3A : i32
        %convert_element_type3A_832 = arith.extui %ge3A_831 : i1 to i32
        %cond3A_833 = arith.constant 0 : i32
        %cond3A_834 = arith.cmpi ne, %convert_element_type3A_832, %cond3A_833 : i32
        scf.if %cond3A_834 {
          %sub3A = arith.constant 10 : i32
          %sub3A_849 = arith.subi %add3A_327, %sub3A : i32
          %mul3A_850 = arith.constant 32 : i32
          %mul3A_851 = arith.muli %sub3A_849, %mul3A_850 : i32
          %add3A_852 = arith.addi %mul3A_2, %mul3A_851 : i32
          %dma_wait3A_853 = arith.constant 8 : i32
          %dma_wait3A_854 = arith.constant 8 : i32
          %dma_wait3A_855 = arith.constant 0 : i32
          %dma_wait3A_856 = arith.constant 0 : i32
          %dma_wait3A_857 = tpu.memref_slice %arg9[%dma_wait3A_853, %dma_wait3A_855, %dma_wait3A_856] : memref<10x32x128xf32, #tpu.memory_space<vmem>> -> memref<1x32x128xf32, #tpu.memory_space<vmem>>
          %dma_wait3A_858 = tpu.memref_squeeze %dma_wait3A_857 : memref<1x32x128xf32, #tpu.memory_space<vmem>> -> memref<32x128xf32, #tpu.memory_space<vmem>>
          %dma_wait3A_859 = arith.constant 0 : i32
          %dma_wait3A_860 = tpu.memref_slice %arg6[%add3A_852, %dma_wait3A_859] : memref<204800x128xf32, #tpu.memory_space<hbm>> -> memref<32x128xf32, #tpu.memory_space<hbm>>
          %dma_wait3A_861 = tpu.memref_slice %arg14[%dma_wait3A_854] : memref<10x!tpu.dma_semaphore, #tpu.memory_space<semaphore_mem>> -> memref<1x!tpu.dma_semaphore, #tpu.memory_space<semaphore_mem>>
          %dma_wait3A_862 = tpu.memref_squeeze %dma_wait3A_861 : memref<1x!tpu.dma_semaphore, #tpu.memory_space<semaphore_mem>> -> memref<!tpu.dma_semaphore, #tpu.memory_space<semaphore_mem>>
          %dma_wait3A_863 = arith.constant 0 : i32
          %dma_wait3A_864 = tpu.memref_slice %arg6[%add3A_852, %dma_wait3A_863] : memref<204800x128xf32, #tpu.memory_space<hbm>> -> memref<32x128xf32, #tpu.memory_space<hbm>>
          %dma_wait3A_865 = arith.constant 0 : i32
          %dma_wait3A_866 = arith.constant 0 : i32
          %dma_wait3A_867 = tpu.memref_slice %arg9[%dma_wait3A_853, %dma_wait3A_865, %dma_wait3A_866] : memref<10x32x128xf32, #tpu.memory_space<vmem>> -> memref<1x32x128xf32, #tpu.memory_space<vmem>>
          %dma_wait3A_868 = tpu.memref_squeeze %dma_wait3A_867 : memref<1x32x128xf32, #tpu.memory_space<vmem>> -> memref<32x128xf32, #tpu.memory_space<vmem>>
          tpu.wait_dma2 semaphore(%dma_wait3A_862 : memref<!tpu.dma_semaphore, #tpu.memory_space<semaphore_mem>>) src(%dma_wait3A_868 : memref<32x128xf32, #tpu.memory_space<vmem>>) dst(%dma_wait3A_864 : memref<32x128xf32, #tpu.memory_space<hbm>>)
        } else {
        }
        %mul3A_835 = arith.constant 32 : i32
        %mul3A_836 = arith.muli %add3A_327, %mul3A_835 : i32
        %dma_start3A_837 = arith.constant 8 : i32
        %dma_start3A_838 = arith.constant 8 : i32
        %dma_start3A_839 = arith.constant 0 : i32
        %dma_start3A_840 = arith.constant 0 : i32
        %dma_start3A_841 = tpu.memref_slice %arg9[%dma_start3A_837, %dma_start3A_839, %dma_start3A_840] : memref<10x32x128xf32, #tpu.memory_space<vmem>> -> memref<1x32x128xf32, #tpu.memory_space<vmem>>
        %dma_start3A_842 = tpu.memref_squeeze %dma_start3A_841 : memref<1x32x128xf32, #tpu.memory_space<vmem>> -> memref<32x128xf32, #tpu.memory_space<vmem>>
        %dma_start3A_843 = tpu.memref_slice %arg7[%mul3A_836] : memref<6400xi32, #tpu.memory_space<vmem>> -> memref<32xi32, #tpu.memory_space<vmem>>
        %dma_start3A_844 = arith.constant 0 : i32
        %dma_start3A_845 = arith.constant 0 : i32
        %dma_start3A_846 = tpu.memref_slice %arg2[%dma_start3A_844, %dma_start3A_845] : memref<100000x128xf32, #tpu.memory_space<hbm>> -> memref<100000x128xf32, #tpu.memory_space<hbm>>
        %dma_start3A_847 = tpu.memref_slice %arg12[%dma_start3A_838] : memref<10x!tpu.dma_semaphore, #tpu.memory_space<semaphore_mem>> -> memref<1x!tpu.dma_semaphore, #tpu.memory_space<semaphore_mem>>
        %dma_start3A_848 = tpu.memref_squeeze %dma_start3A_847 : memref<1x!tpu.dma_semaphore, #tpu.memory_space<semaphore_mem>> -> memref<!tpu.dma_semaphore, #tpu.memory_space<semaphore_mem>>
        tpu.enqueue_indirect_dma source(%dma_start3A_846 : memref<100000x128xf32, #tpu.memory_space<hbm>>) target(%dma_start3A_842 : memref<32x128xf32, #tpu.memory_space<vmem>>) offsets(%dma_start3A_843 : memref<32xi32, #tpu.memory_space<vmem>>) semaphore(%dma_start3A_848 : memref<!tpu.dma_semaphore, #tpu.memory_space<semaphore_mem>>)
      } else {
      }
      %lt3A_334 = arith.constant 200 : i32
      %lt3A_335 = arith.cmpi slt, %add3A_329, %lt3A_334 : i32
      %convert_element_type3A_336 = arith.extui %lt3A_335 : i1 to i32
      %cond3A_337 = arith.constant 0 : i32
      %cond3A_338 = arith.cmpi ne, %convert_element_type3A_336, %cond3A_337 : i32
      scf.if %cond3A_338 {
        %mul3A_831 = arith.constant 32 : i32
        %mul3A_832 = arith.muli %add3A_329, %mul3A_831 : i32
        %dma_wait3A_833 = arith.constant 1 : i32
        %dma_wait3A_834 = arith.constant 1 : i32
        %dma_wait3A_835 = arith.constant 0 : i32
        %dma_wait3A_836 = arith.constant 0 : i32
        %dma_wait3A_837 = tpu.memref_slice %arg9[%dma_wait3A_833, %dma_wait3A_835, %dma_wait3A_836] : memref<10x32x128xf32, #tpu.memory_space<vmem>> -> memref<1x32x128xf32, #tpu.memory_space<vmem>>
        %dma_wait3A_838 = tpu.memref_squeeze %dma_wait3A_837 : memref<1x32x128xf32, #tpu.memory_space<vmem>> -> memref<32x128xf32, #tpu.memory_space<vmem>>
        %dma_wait3A_839 = tpu.memref_slice %arg7[%mul3A_832] : memref<6400xi32, #tpu.memory_space<vmem>> -> memref<32xi32, #tpu.memory_space<vmem>>
        %dma_wait3A_840 = arith.constant 0 : i32
        %dma_wait3A_841 = arith.constant 0 : i32
        %dma_wait3A_842 = tpu.memref_slice %arg2[%dma_wait3A_840, %dma_wait3A_841] : memref<100000x128xf32, #tpu.memory_space<hbm>> -> memref<100000x128xf32, #tpu.memory_space<hbm>>
        %dma_wait3A_843 = tpu.memref_slice %arg12[%dma_wait3A_834] : memref<10x!tpu.dma_semaphore, #tpu.memory_space<semaphore_mem>> -> memref<1x!tpu.dma_semaphore, #tpu.memory_space<semaphore_mem>>
        %dma_wait3A_844 = tpu.memref_squeeze %dma_wait3A_843 : memref<1x!tpu.dma_semaphore, #tpu.memory_space<semaphore_mem>> -> memref<!tpu.dma_semaphore, #tpu.memory_space<semaphore_mem>>
        tpu.wait_indirect_dma semaphore(%dma_wait3A_844 : memref<!tpu.dma_semaphore, #tpu.memory_space<semaphore_mem>>) src(%dma_wait3A_842 : memref<100000x128xf32, #tpu.memory_space<hbm>>) dst(%dma_wait3A_838 : memref<32x128xf32, #tpu.memory_space<vmem>>)
        %mul3A_845 = arith.constant 32 : i32
        %mul3A_846 = arith.muli %add3A_329, %mul3A_845 : i32
        %dma_start3A_847 = arith.constant 1 : i32
        %dma_start3A_848 = arith.constant 1 : i32
        %dma_start3A_849 = arith.constant 0 : i32
        %dma_start3A_850 = arith.constant 0 : i32
        %dma_start3A_851 = tpu.memref_slice %arg9[%dma_start3A_847, %dma_start3A_849, %dma_start3A_850] : memref<10x32x128xf32, #tpu.memory_space<vmem>> -> memref<1x32x128xf32, #tpu.memory_space<vmem>>
        %dma_start3A_852 = tpu.memref_squeeze %dma_start3A_851 : memref<1x32x128xf32, #tpu.memory_space<vmem>> -> memref<32x128xf32, #tpu.memory_space<vmem>>
        %dma_start3A_853 = tpu.memref_slice %arg8[%mul3A_846] : memref<6400xi32, #tpu.memory_space<vmem>> -> memref<32xi32, #tpu.memory_space<vmem>>
        %dma_start3A_854 = arith.constant 0 : i32
        %dma_start3A_855 = arith.constant 0 : i32
        %dma_start3A_856 = tpu.memref_slice %arg11[%dma_start3A_854, %dma_start3A_855] : memref<200x128xf32, #tpu.memory_space<vmem_shared>> -> memref<200x128xf32, #tpu.memory_space<vmem_shared>>
        %dma_start3A_857 = tpu.memref_slice %arg13[%dma_start3A_848] : memref<10x!tpu.dma_semaphore, #tpu.memory_space<semaphore_mem>> -> memref<1x!tpu.dma_semaphore, #tpu.memory_space<semaphore_mem>>
        %dma_start3A_858 = tpu.memref_squeeze %dma_start3A_857 : memref<1x!tpu.dma_semaphore, #tpu.memory_space<semaphore_mem>> -> memref<!tpu.dma_semaphore, #tpu.memory_space<semaphore_mem>>
        tpu.enqueue_indirect_dma source(%dma_start3A_856 : memref<200x128xf32, #tpu.memory_space<vmem_shared>>) target(%dma_start3A_852 : memref<32x128xf32, #tpu.memory_space<vmem>>) offsets(%dma_start3A_853 : memref<32xi32, #tpu.memory_space<vmem>>) semaphore(%dma_start3A_858 : memref<!tpu.dma_semaphore, #tpu.memory_space<semaphore_mem>>) {add = true}
      } else {
      }
      %mul3A_339 = arith.constant 32 : i32
      %mul3A_340 = arith.muli %add3A_325, %mul3A_339 : i32
      %dma_wait3A_341 = arith.constant 0 : i32
      %dma_wait3A_342 = arith.constant 0 : i32
      %dma_wait3A_343 = arith.constant 0 : i32
      %dma_wait3A_344 = arith.constant 0 : i32
      %dma_wait3A_345 = tpu.memref_slice %arg9[%dma_wait3A_341, %dma_wait3A_343, %dma_wait3A_344] : memref<10x32x128xf32, #tpu.memory_space<vmem>> -> memref<1x32x128xf32, #tpu.memory_space<vmem>>
      %dma_wait3A_346 = tpu.memref_squeeze %dma_wait3A_345 : memref<1x32x128xf32, #tpu.memory_space<vmem>> -> memref<32x128xf32, #tpu.memory_space<vmem>>
      %dma_wait3A_347 = tpu.memref_slice %arg8[%mul3A_340] : memref<6400xi32, #tpu.memory_space<vmem>> -> memref<32xi32, #tpu.memory_space<vmem>>
      %dma_wait3A_348 = arith.constant 0 : i32
      %dma_wait3A_349 = arith.constant 0 : i32
      %dma_wait3A_350 = tpu.memref_slice %arg11[%dma_wait3A_348, %dma_wait3A_349] : memref<200x128xf32, #tpu.memory_space<vmem_shared>> -> memref<200x128xf32, #tpu.memory_space<vmem_shared>>
      %dma_wait3A_351 = tpu.memref_slice %arg13[%dma_wait3A_342] : memref<10x!tpu.dma_semaphore, #tpu.memory_space<semaphore_mem>> -> memref<1x!tpu.dma_semaphore, #tpu.memory_space<semaphore_mem>>
      %dma_wait3A_352 = tpu.memref_squeeze %dma_wait3A_351 : memref<1x!tpu.dma_semaphore, #tpu.memory_space<semaphore_mem>> -> memref<!tpu.dma_semaphore, #tpu.memory_space<semaphore_mem>>
      tpu.wait_indirect_dma semaphore(%dma_wait3A_352 : memref<!tpu.dma_semaphore, #tpu.memory_space<semaphore_mem>>) src(%dma_wait3A_350 : memref<200x128xf32, #tpu.memory_space<vmem_shared>>) dst(%dma_wait3A_346 : memref<32x128xf32, #tpu.memory_space<vmem>>)
      %mul3A_353 = arith.constant 32 : i32
      %mul3A_354 = arith.muli %add3A_325, %mul3A_353 : i32
      %add3A_355 = arith.addi %mul3A_2, %mul3A_354 : i32
      %dma_start3A_356 = arith.constant 0 : i32
      %dma_start3A_357 = arith.constant 0 : i32
      %dma_start3A_358 = arith.constant 0 : i32
      %dma_start3A_359 = arith.constant 0 : i32
      %dma_start3A_360 = tpu.memref_slice %arg9[%dma_start3A_356, %dma_start3A_358, %dma_start3A_359] : memref<10x32x128xf32, #tpu.memory_space<vmem>> -> memref<1x32x128xf32, #tpu.memory_space<vmem>>
      %dma_start3A_361 = tpu.memref_squeeze %dma_start3A_360 : memref<1x32x128xf32, #tpu.memory_space<vmem>> -> memref<32x128xf32, #tpu.memory_space<vmem>>
      %dma_start3A_362 = arith.constant 0 : i32
      %dma_start3A_363 = tpu.memref_slice %arg6[%add3A_355, %dma_start3A_362] : memref<204800x128xf32, #tpu.memory_space<hbm>> -> memref<32x128xf32, #tpu.memory_space<hbm>>
      %dma_start3A_364 = tpu.memref_slice %arg14[%dma_start3A_357] : memref<10x!tpu.dma_semaphore, #tpu.memory_space<semaphore_mem>> -> memref<1x!tpu.dma_semaphore, #tpu.memory_space<semaphore_mem>>
      %dma_start3A_365 = tpu.memref_squeeze %dma_start3A_364 : memref<1x!tpu.dma_semaphore, #tpu.memory_space<semaphore_mem>> -> memref<!tpu.dma_semaphore, #tpu.memory_space<semaphore_mem>>
      %dma_start3A_366 = arith.constant 0 : i32
      %dma_start3A_367 = tpu.memref_slice %arg6[%add3A_355, %dma_start3A_366] : memref<204800x128xf32, #tpu.memory_space<hbm>> -> memref<32x128xf32, #tpu.memory_space<hbm>>
      %dma_start3A_368 = arith.constant 0 : i32
      %dma_start3A_369 = arith.constant 0 : i32
      %dma_start3A_370 = tpu.memref_slice %arg9[%dma_start3A_356, %dma_start3A_368, %dma_start3A_369] : memref<10x32x128xf32, #tpu.memory_space<vmem>> -> memref<1x32x128xf32, #tpu.memory_space<vmem>>
      %dma_start3A_371 = tpu.memref_squeeze %dma_start3A_370 : memref<1x32x128xf32, #tpu.memory_space<vmem>> -> memref<32x128xf32, #tpu.memory_space<vmem>>
      tpu.enqueue_dma source(%dma_start3A_371 : memref<32x128xf32, #tpu.memory_space<vmem>>) target(%dma_start3A_367 : memref<32x128xf32, #tpu.memory_space<hbm>>) target_semaphore(%dma_start3A_365 : memref<!tpu.dma_semaphore, #tpu.memory_space<semaphore_mem>>)
      %mul3A_372 = arith.constant 10 : i32
      %mul3A_373 = arith.muli %add3A_321, %mul3A_372 : i32
      %add3A_374 = arith.constant 1 : i32
      %add3A_375 = arith.addi %mul3A_373, %add3A_374 : i32
      %add3A_376 = arith.constant 8 : i32
      %add3A_377 = arith.addi %add3A_375, %add3A_376 : i32
      %add3A_378 = arith.constant 1 : i32
      %add3A_379 = arith.addi %add3A_375, %add3A_378 : i32
      %lt3A_380 = arith.constant 200 : i32
      %lt3A_381 = arith.cmpi slt, %add3A_377, %lt3A_380 : i32
      %convert_element_type3A_382 = arith.extui %lt3A_381 : i1 to i32
      %cond3A_383 = arith.constant 0 : i32
      %cond3A_384 = arith.cmpi ne, %convert_element_type3A_382, %cond3A_383 : i32
      scf.if %cond3A_384 {
        %ge3A = arith.constant 10 : i32
        %ge3A_831 = arith.cmpi sge, %add3A_377, %ge3A : i32
        %convert_element_type3A_832 = arith.extui %ge3A_831 : i1 to i32
        %cond3A_833 = arith.constant 0 : i32
        %cond3A_834 = arith.cmpi ne, %convert_element_type3A_832, %cond3A_833 : i32
        scf.if %cond3A_834 {
          %sub3A = arith.constant 10 : i32
          %sub3A_849 = arith.subi %add3A_377, %sub3A : i32
          %mul3A_850 = arith.constant 32 : i32
          %mul3A_851 = arith.muli %sub3A_849, %mul3A_850 : i32
          %add3A_852 = arith.addi %mul3A_2, %mul3A_851 : i32
          %dma_wait3A_853 = arith.constant 9 : i32
          %dma_wait3A_854 = arith.constant 9 : i32
          %dma_wait3A_855 = arith.constant 0 : i32
          %dma_wait3A_856 = arith.constant 0 : i32
          %dma_wait3A_857 = tpu.memref_slice %arg9[%dma_wait3A_853, %dma_wait3A_855, %dma_wait3A_856] : memref<10x32x128xf32, #tpu.memory_space<vmem>> -> memref<1x32x128xf32, #tpu.memory_space<vmem>>
          %dma_wait3A_858 = tpu.memref_squeeze %dma_wait3A_857 : memref<1x32x128xf32, #tpu.memory_space<vmem>> -> memref<32x128xf32, #tpu.memory_space<vmem>>
          %dma_wait3A_859 = arith.constant 0 : i32
          %dma_wait3A_860 = tpu.memref_slice %arg6[%add3A_852, %dma_wait3A_859] : memref<204800x128xf32, #tpu.memory_space<hbm>> -> memref<32x128xf32, #tpu.memory_space<hbm>>
          %dma_wait3A_861 = tpu.memref_slice %arg14[%dma_wait3A_854] : memref<10x!tpu.dma_semaphore, #tpu.memory_space<semaphore_mem>> -> memref<1x!tpu.dma_semaphore, #tpu.memory_space<semaphore_mem>>
          %dma_wait3A_862 = tpu.memref_squeeze %dma_wait3A_861 : memref<1x!tpu.dma_semaphore, #tpu.memory_space<semaphore_mem>> -> memref<!tpu.dma_semaphore, #tpu.memory_space<semaphore_mem>>
          %dma_wait3A_863 = arith.constant 0 : i32
          %dma_wait3A_864 = tpu.memref_slice %arg6[%add3A_852, %dma_wait3A_863] : memref<204800x128xf32, #tpu.memory_space<hbm>> -> memref<32x128xf32, #tpu.memory_space<hbm>>
          %dma_wait3A_865 = arith.constant 0 : i32
          %dma_wait3A_866 = arith.constant 0 : i32
          %dma_wait3A_867 = tpu.memref_slice %arg9[%dma_wait3A_853, %dma_wait3A_865, %dma_wait3A_866] : memref<10x32x128xf32, #tpu.memory_space<vmem>> -> memref<1x32x128xf32, #tpu.memory_space<vmem>>
          %dma_wait3A_868 = tpu.memref_squeeze %dma_wait3A_867 : memref<1x32x128xf32, #tpu.memory_space<vmem>> -> memref<32x128xf32, #tpu.memory_space<vmem>>
          tpu.wait_dma2 semaphore(%dma_wait3A_862 : memref<!tpu.dma_semaphore, #tpu.memory_space<semaphore_mem>>) src(%dma_wait3A_868 : memref<32x128xf32, #tpu.memory_space<vmem>>) dst(%dma_wait3A_864 : memref<32x128xf32, #tpu.memory_space<hbm>>)
        } else {
        }
        %mul3A_835 = arith.constant 32 : i32
        %mul3A_836 = arith.muli %add3A_377, %mul3A_835 : i32
        %dma_start3A_837 = arith.constant 9 : i32
        %dma_start3A_838 = arith.constant 9 : i32
        %dma_start3A_839 = arith.constant 0 : i32
        %dma_start3A_840 = arith.constant 0 : i32
        %dma_start3A_841 = tpu.memref_slice %arg9[%dma_start3A_837, %dma_start3A_839, %dma_start3A_840] : memref<10x32x128xf32, #tpu.memory_space<vmem>> -> memref<1x32x128xf32, #tpu.memory_space<vmem>>
        %dma_start3A_842 = tpu.memref_squeeze %dma_start3A_841 : memref<1x32x128xf32, #tpu.memory_space<vmem>> -> memref<32x128xf32, #tpu.memory_space<vmem>>
        %dma_start3A_843 = tpu.memref_slice %arg7[%mul3A_836] : memref<6400xi32, #tpu.memory_space<vmem>> -> memref<32xi32, #tpu.memory_space<vmem>>
        %dma_start3A_844 = arith.constant 0 : i32
        %dma_start3A_845 = arith.constant 0 : i32
        %dma_start3A_846 = tpu.memref_slice %arg2[%dma_start3A_844, %dma_start3A_845] : memref<100000x128xf32, #tpu.memory_space<hbm>> -> memref<100000x128xf32, #tpu.memory_space<hbm>>
        %dma_start3A_847 = tpu.memref_slice %arg12[%dma_start3A_838] : memref<10x!tpu.dma_semaphore, #tpu.memory_space<semaphore_mem>> -> memref<1x!tpu.dma_semaphore, #tpu.memory_space<semaphore_mem>>
        %dma_start3A_848 = tpu.memref_squeeze %dma_start3A_847 : memref<1x!tpu.dma_semaphore, #tpu.memory_space<semaphore_mem>> -> memref<!tpu.dma_semaphore, #tpu.memory_space<semaphore_mem>>
        tpu.enqueue_indirect_dma source(%dma_start3A_846 : memref<100000x128xf32, #tpu.memory_space<hbm>>) target(%dma_start3A_842 : memref<32x128xf32, #tpu.memory_space<vmem>>) offsets(%dma_start3A_843 : memref<32xi32, #tpu.memory_space<vmem>>) semaphore(%dma_start3A_848 : memref<!tpu.dma_semaphore, #tpu.memory_space<semaphore_mem>>)
      } else {
      }
      %lt3A_385 = arith.constant 200 : i32
      %lt3A_386 = arith.cmpi slt, %add3A_379, %lt3A_385 : i32
      %convert_element_type3A_387 = arith.extui %lt3A_386 : i1 to i32
      %cond3A_388 = arith.constant 0 : i32
      %cond3A_389 = arith.cmpi ne, %convert_element_type3A_387, %cond3A_388 : i32
      scf.if %cond3A_389 {
        %mul3A_831 = arith.constant 32 : i32
        %mul3A_832 = arith.muli %add3A_379, %mul3A_831 : i32
        %dma_wait3A_833 = arith.constant 2 : i32
        %dma_wait3A_834 = arith.constant 2 : i32
        %dma_wait3A_835 = arith.constant 0 : i32
        %dma_wait3A_836 = arith.constant 0 : i32
        %dma_wait3A_837 = tpu.memref_slice %arg9[%dma_wait3A_833, %dma_wait3A_835, %dma_wait3A_836] : memref<10x32x128xf32, #tpu.memory_space<vmem>> -> memref<1x32x128xf32, #tpu.memory_space<vmem>>
        %dma_wait3A_838 = tpu.memref_squeeze %dma_wait3A_837 : memref<1x32x128xf32, #tpu.memory_space<vmem>> -> memref<32x128xf32, #tpu.memory_space<vmem>>
        %dma_wait3A_839 = tpu.memref_slice %arg7[%mul3A_832] : memref<6400xi32, #tpu.memory_space<vmem>> -> memref<32xi32, #tpu.memory_space<vmem>>
        %dma_wait3A_840 = arith.constant 0 : i32
        %dma_wait3A_841 = arith.constant 0 : i32
        %dma_wait3A_842 = tpu.memref_slice %arg2[%dma_wait3A_840, %dma_wait3A_841] : memref<100000x128xf32, #tpu.memory_space<hbm>> -> memref<100000x128xf32, #tpu.memory_space<hbm>>
        %dma_wait3A_843 = tpu.memref_slice %arg12[%dma_wait3A_834] : memref<10x!tpu.dma_semaphore, #tpu.memory_space<semaphore_mem>> -> memref<1x!tpu.dma_semaphore, #tpu.memory_space<semaphore_mem>>
        %dma_wait3A_844 = tpu.memref_squeeze %dma_wait3A_843 : memref<1x!tpu.dma_semaphore, #tpu.memory_space<semaphore_mem>> -> memref<!tpu.dma_semaphore, #tpu.memory_space<semaphore_mem>>
        tpu.wait_indirect_dma semaphore(%dma_wait3A_844 : memref<!tpu.dma_semaphore, #tpu.memory_space<semaphore_mem>>) src(%dma_wait3A_842 : memref<100000x128xf32, #tpu.memory_space<hbm>>) dst(%dma_wait3A_838 : memref<32x128xf32, #tpu.memory_space<vmem>>)
        %mul3A_845 = arith.constant 32 : i32
        %mul3A_846 = arith.muli %add3A_379, %mul3A_845 : i32
        %dma_start3A_847 = arith.constant 2 : i32
        %dma_start3A_848 = arith.constant 2 : i32
        %dma_start3A_849 = arith.constant 0 : i32
        %dma_start3A_850 = arith.constant 0 : i32
        %dma_start3A_851 = tpu.memref_slice %arg9[%dma_start3A_847, %dma_start3A_849, %dma_start3A_850] : memref<10x32x128xf32, #tpu.memory_space<vmem>> -> memref<1x32x128xf32, #tpu.memory_space<vmem>>
        %dma_start3A_852 = tpu.memref_squeeze %dma_start3A_851 : memref<1x32x128xf32, #tpu.memory_space<vmem>> -> memref<32x128xf32, #tpu.memory_space<vmem>>
        %dma_start3A_853 = tpu.memref_slice %arg8[%mul3A_846] : memref<6400xi32, #tpu.memory_space<vmem>> -> memref<32xi32, #tpu.memory_space<vmem>>
        %dma_start3A_854 = arith.constant 0 : i32
        %dma_start3A_855 = arith.constant 0 : i32
        %dma_start3A_856 = tpu.memref_slice %arg11[%dma_start3A_854, %dma_start3A_855] : memref<200x128xf32, #tpu.memory_space<vmem_shared>> -> memref<200x128xf32, #tpu.memory_space<vmem_shared>>
        %dma_start3A_857 = tpu.memref_slice %arg13[%dma_start3A_848] : memref<10x!tpu.dma_semaphore, #tpu.memory_space<semaphore_mem>> -> memref<1x!tpu.dma_semaphore, #tpu.memory_space<semaphore_mem>>
        %dma_start3A_858 = tpu.memref_squeeze %dma_start3A_857 : memref<1x!tpu.dma_semaphore, #tpu.memory_space<semaphore_mem>> -> memref<!tpu.dma_semaphore, #tpu.memory_space<semaphore_mem>>
        tpu.enqueue_indirect_dma source(%dma_start3A_856 : memref<200x128xf32, #tpu.memory_space<vmem_shared>>) target(%dma_start3A_852 : memref<32x128xf32, #tpu.memory_space<vmem>>) offsets(%dma_start3A_853 : memref<32xi32, #tpu.memory_space<vmem>>) semaphore(%dma_start3A_858 : memref<!tpu.dma_semaphore, #tpu.memory_space<semaphore_mem>>) {add = true}
      } else {
      }
      %mul3A_390 = arith.constant 32 : i32
      %mul3A_391 = arith.muli %add3A_375, %mul3A_390 : i32
      %dma_wait3A_392 = arith.constant 1 : i32
      %dma_wait3A_393 = arith.constant 1 : i32
      %dma_wait3A_394 = arith.constant 0 : i32
      %dma_wait3A_395 = arith.constant 0 : i32
      %dma_wait3A_396 = tpu.memref_slice %arg9[%dma_wait3A_392, %dma_wait3A_394, %dma_wait3A_395] : memref<10x32x128xf32, #tpu.memory_space<vmem>> -> memref<1x32x128xf32, #tpu.memory_space<vmem>>
      %dma_wait3A_397 = tpu.memref_squeeze %dma_wait3A_396 : memref<1x32x128xf32, #tpu.memory_space<vmem>> -> memref<32x128xf32, #tpu.memory_space<vmem>>
      %dma_wait3A_398 = tpu.memref_slice %arg8[%mul3A_391] : memref<6400xi32, #tpu.memory_space<vmem>> -> memref<32xi32, #tpu.memory_space<vmem>>
      %dma_wait3A_399 = arith.constant 0 : i32
      %dma_wait3A_400 = arith.constant 0 : i32
      %dma_wait3A_401 = tpu.memref_slice %arg11[%dma_wait3A_399, %dma_wait3A_400] : memref<200x128xf32, #tpu.memory_space<vmem_shared>> -> memref<200x128xf32, #tpu.memory_space<vmem_shared>>
      %dma_wait3A_402 = tpu.memref_slice %arg13[%dma_wait3A_393] : memref<10x!tpu.dma_semaphore, #tpu.memory_space<semaphore_mem>> -> memref<1x!tpu.dma_semaphore, #tpu.memory_space<semaphore_mem>>
      %dma_wait3A_403 = tpu.memref_squeeze %dma_wait3A_402 : memref<1x!tpu.dma_semaphore, #tpu.memory_space<semaphore_mem>> -> memref<!tpu.dma_semaphore, #tpu.memory_space<semaphore_mem>>
      tpu.wait_indirect_dma semaphore(%dma_wait3A_403 : memref<!tpu.dma_semaphore, #tpu.memory_space<semaphore_mem>>) src(%dma_wait3A_401 : memref<200x128xf32, #tpu.memory_space<vmem_shared>>) dst(%dma_wait3A_397 : memref<32x128xf32, #tpu.memory_space<vmem>>)
      %mul3A_404 = arith.constant 32 : i32
      %mul3A_405 = arith.muli %add3A_375, %mul3A_404 : i32
      %add3A_406 = arith.addi %mul3A_2, %mul3A_405 : i32
      %dma_start3A_407 = arith.constant 1 : i32
      %dma_start3A_408 = arith.constant 1 : i32
      %dma_start3A_409 = arith.constant 0 : i32
      %dma_start3A_410 = arith.constant 0 : i32
      %dma_start3A_411 = tpu.memref_slice %arg9[%dma_start3A_407, %dma_start3A_409, %dma_start3A_410] : memref<10x32x128xf32, #tpu.memory_space<vmem>> -> memref<1x32x128xf32, #tpu.memory_space<vmem>>
      %dma_start3A_412 = tpu.memref_squeeze %dma_start3A_411 : memref<1x32x128xf32, #tpu.memory_space<vmem>> -> memref<32x128xf32, #tpu.memory_space<vmem>>
      %dma_start3A_413 = arith.constant 0 : i32
      %dma_start3A_414 = tpu.memref_slice %arg6[%add3A_406, %dma_start3A_413] : memref<204800x128xf32, #tpu.memory_space<hbm>> -> memref<32x128xf32, #tpu.memory_space<hbm>>
      %dma_start3A_415 = tpu.memref_slice %arg14[%dma_start3A_408] : memref<10x!tpu.dma_semaphore, #tpu.memory_space<semaphore_mem>> -> memref<1x!tpu.dma_semaphore, #tpu.memory_space<semaphore_mem>>
      %dma_start3A_416 = tpu.memref_squeeze %dma_start3A_415 : memref<1x!tpu.dma_semaphore, #tpu.memory_space<semaphore_mem>> -> memref<!tpu.dma_semaphore, #tpu.memory_space<semaphore_mem>>
      %dma_start3A_417 = arith.constant 0 : i32
      %dma_start3A_418 = tpu.memref_slice %arg6[%add3A_406, %dma_start3A_417] : memref<204800x128xf32, #tpu.memory_space<hbm>> -> memref<32x128xf32, #tpu.memory_space<hbm>>
      %dma_start3A_419 = arith.constant 0 : i32
      %dma_start3A_420 = arith.constant 0 : i32
      %dma_start3A_421 = tpu.memref_slice %arg9[%dma_start3A_407, %dma_start3A_419, %dma_start3A_420] : memref<10x32x128xf32, #tpu.memory_space<vmem>> -> memref<1x32x128xf32, #tpu.memory_space<vmem>>
      %dma_start3A_422 = tpu.memref_squeeze %dma_start3A_421 : memref<1x32x128xf32, #tpu.memory_space<vmem>> -> memref<32x128xf32, #tpu.memory_space<vmem>>
      tpu.enqueue_dma source(%dma_start3A_422 : memref<32x128xf32, #tpu.memory_space<vmem>>) target(%dma_start3A_418 : memref<32x128xf32, #tpu.memory_space<hbm>>) target_semaphore(%dma_start3A_416 : memref<!tpu.dma_semaphore, #tpu.memory_space<semaphore_mem>>)
      %mul3A_423 = arith.constant 10 : i32
      %mul3A_424 = arith.muli %add3A_321, %mul3A_423 : i32
      %add3A_425 = arith.constant 2 : i32
      %add3A_426 = arith.addi %mul3A_424, %add3A_425 : i32
      %add3A_427 = arith.constant 8 : i32
      %add3A_428 = arith.addi %add3A_426, %add3A_427 : i32
      %add3A_429 = arith.constant 1 : i32
      %add3A_430 = arith.addi %add3A_426, %add3A_429 : i32
      %lt3A_431 = arith.constant 200 : i32
      %lt3A_432 = arith.cmpi slt, %add3A_428, %lt3A_431 : i32
      %convert_element_type3A_433 = arith.extui %lt3A_432 : i1 to i32
      %cond3A_434 = arith.constant 0 : i32
      %cond3A_435 = arith.cmpi ne, %convert_element_type3A_433, %cond3A_434 : i32
      scf.if %cond3A_435 {
        %ge3A = arith.constant 10 : i32
        %ge3A_831 = arith.cmpi sge, %add3A_428, %ge3A : i32
        %convert_element_type3A_832 = arith.extui %ge3A_831 : i1 to i32
        %cond3A_833 = arith.constant 0 : i32
        %cond3A_834 = arith.cmpi ne, %convert_element_type3A_832, %cond3A_833 : i32
        scf.if %cond3A_834 {
          %sub3A = arith.constant 10 : i32
          %sub3A_849 = arith.subi %add3A_428, %sub3A : i32
          %mul3A_850 = arith.constant 32 : i32
          %mul3A_851 = arith.muli %sub3A_849, %mul3A_850 : i32
          %add3A_852 = arith.addi %mul3A_2, %mul3A_851 : i32
          %dma_wait3A_853 = arith.constant 0 : i32
          %dma_wait3A_854 = arith.constant 0 : i32
          %dma_wait3A_855 = arith.constant 0 : i32
          %dma_wait3A_856 = arith.constant 0 : i32
          %dma_wait3A_857 = tpu.memref_slice %arg9[%dma_wait3A_853, %dma_wait3A_855, %dma_wait3A_856] : memref<10x32x128xf32, #tpu.memory_space<vmem>> -> memref<1x32x128xf32, #tpu.memory_space<vmem>>
          %dma_wait3A_858 = tpu.memref_squeeze %dma_wait3A_857 : memref<1x32x128xf32, #tpu.memory_space<vmem>> -> memref<32x128xf32, #tpu.memory_space<vmem>>
          %dma_wait3A_859 = arith.constant 0 : i32
          %dma_wait3A_860 = tpu.memref_slice %arg6[%add3A_852, %dma_wait3A_859] : memref<204800x128xf32, #tpu.memory_space<hbm>> -> memref<32x128xf32, #tpu.memory_space<hbm>>
          %dma_wait3A_861 = tpu.memref_slice %arg14[%dma_wait3A_854] : memref<10x!tpu.dma_semaphore, #tpu.memory_space<semaphore_mem>> -> memref<1x!tpu.dma_semaphore, #tpu.memory_space<semaphore_mem>>
          %dma_wait3A_862 = tpu.memref_squeeze %dma_wait3A_861 : memref<1x!tpu.dma_semaphore, #tpu.memory_space<semaphore_mem>> -> memref<!tpu.dma_semaphore, #tpu.memory_space<semaphore_mem>>
          %dma_wait3A_863 = arith.constant 0 : i32
          %dma_wait3A_864 = tpu.memref_slice %arg6[%add3A_852, %dma_wait3A_863] : memref<204800x128xf32, #tpu.memory_space<hbm>> -> memref<32x128xf32, #tpu.memory_space<hbm>>
          %dma_wait3A_865 = arith.constant 0 : i32
          %dma_wait3A_866 = arith.constant 0 : i32
          %dma_wait3A_867 = tpu.memref_slice %arg9[%dma_wait3A_853, %dma_wait3A_865, %dma_wait3A_866] : memref<10x32x128xf32, #tpu.memory_space<vmem>> -> memref<1x32x128xf32, #tpu.memory_space<vmem>>
          %dma_wait3A_868 = tpu.memref_squeeze %dma_wait3A_867 : memref<1x32x128xf32, #tpu.memory_space<vmem>> -> memref<32x128xf32, #tpu.memory_space<vmem>>
          tpu.wait_dma2 semaphore(%dma_wait3A_862 : memref<!tpu.dma_semaphore, #tpu.memory_space<semaphore_mem>>) src(%dma_wait3A_868 : memref<32x128xf32, #tpu.memory_space<vmem>>) dst(%dma_wait3A_864 : memref<32x128xf32, #tpu.memory_space<hbm>>)
        } else {
        }
        %mul3A_835 = arith.constant 32 : i32
        %mul3A_836 = arith.muli %add3A_428, %mul3A_835 : i32
        %dma_start3A_837 = arith.constant 0 : i32
        %dma_start3A_838 = arith.constant 0 : i32
        %dma_start3A_839 = arith.constant 0 : i32
        %dma_start3A_840 = arith.constant 0 : i32
        %dma_start3A_841 = tpu.memref_slice %arg9[%dma_start3A_837, %dma_start3A_839, %dma_start3A_840] : memref<10x32x128xf32, #tpu.memory_space<vmem>> -> memref<1x32x128xf32, #tpu.memory_space<vmem>>
        %dma_start3A_842 = tpu.memref_squeeze %dma_start3A_841 : memref<1x32x128xf32, #tpu.memory_space<vmem>> -> memref<32x128xf32, #tpu.memory_space<vmem>>
        %dma_start3A_843 = tpu.memref_slice %arg7[%mul3A_836] : memref<6400xi32, #tpu.memory_space<vmem>> -> memref<32xi32, #tpu.memory_space<vmem>>
        %dma_start3A_844 = arith.constant 0 : i32
        %dma_start3A_845 = arith.constant 0 : i32
        %dma_start3A_846 = tpu.memref_slice %arg2[%dma_start3A_844, %dma_start3A_845] : memref<100000x128xf32, #tpu.memory_space<hbm>> -> memref<100000x128xf32, #tpu.memory_space<hbm>>
        %dma_start3A_847 = tpu.memref_slice %arg12[%dma_start3A_838] : memref<10x!tpu.dma_semaphore, #tpu.memory_space<semaphore_mem>> -> memref<1x!tpu.dma_semaphore, #tpu.memory_space<semaphore_mem>>
        %dma_start3A_848 = tpu.memref_squeeze %dma_start3A_847 : memref<1x!tpu.dma_semaphore, #tpu.memory_space<semaphore_mem>> -> memref<!tpu.dma_semaphore, #tpu.memory_space<semaphore_mem>>
        tpu.enqueue_indirect_dma source(%dma_start3A_846 : memref<100000x128xf32, #tpu.memory_space<hbm>>) target(%dma_start3A_842 : memref<32x128xf32, #tpu.memory_space<vmem>>) offsets(%dma_start3A_843 : memref<32xi32, #tpu.memory_space<vmem>>) semaphore(%dma_start3A_848 : memref<!tpu.dma_semaphore, #tpu.memory_space<semaphore_mem>>)
      } else {
      }
      %lt3A_436 = arith.constant 200 : i32
      %lt3A_437 = arith.cmpi slt, %add3A_430, %lt3A_436 : i32
      %convert_element_type3A_438 = arith.extui %lt3A_437 : i1 to i32
      %cond3A_439 = arith.constant 0 : i32
      %cond3A_440 = arith.cmpi ne, %convert_element_type3A_438, %cond3A_439 : i32
      scf.if %cond3A_440 {
        %mul3A_831 = arith.constant 32 : i32
        %mul3A_832 = arith.muli %add3A_430, %mul3A_831 : i32
        %dma_wait3A_833 = arith.constant 3 : i32
        %dma_wait3A_834 = arith.constant 3 : i32
        %dma_wait3A_835 = arith.constant 0 : i32
        %dma_wait3A_836 = arith.constant 0 : i32
        %dma_wait3A_837 = tpu.memref_slice %arg9[%dma_wait3A_833, %dma_wait3A_835, %dma_wait3A_836] : memref<10x32x128xf32, #tpu.memory_space<vmem>> -> memref<1x32x128xf32, #tpu.memory_space<vmem>>
        %dma_wait3A_838 = tpu.memref_squeeze %dma_wait3A_837 : memref<1x32x128xf32, #tpu.memory_space<vmem>> -> memref<32x128xf32, #tpu.memory_space<vmem>>
        %dma_wait3A_839 = tpu.memref_slice %arg7[%mul3A_832] : memref<6400xi32, #tpu.memory_space<vmem>> -> memref<32xi32, #tpu.memory_space<vmem>>
        %dma_wait3A_840 = arith.constant 0 : i32
        %dma_wait3A_841 = arith.constant 0 : i32
        %dma_wait3A_842 = tpu.memref_slice %arg2[%dma_wait3A_840, %dma_wait3A_841] : memref<100000x128xf32, #tpu.memory_space<hbm>> -> memref<100000x128xf32, #tpu.memory_space<hbm>>
        %dma_wait3A_843 = tpu.memref_slice %arg12[%dma_wait3A_834] : memref<10x!tpu.dma_semaphore, #tpu.memory_space<semaphore_mem>> -> memref<1x!tpu.dma_semaphore, #tpu.memory_space<semaphore_mem>>
        %dma_wait3A_844 = tpu.memref_squeeze %dma_wait3A_843 : memref<1x!tpu.dma_semaphore, #tpu.memory_space<semaphore_mem>> -> memref<!tpu.dma_semaphore, #tpu.memory_space<semaphore_mem>>
        tpu.wait_indirect_dma semaphore(%dma_wait3A_844 : memref<!tpu.dma_semaphore, #tpu.memory_space<semaphore_mem>>) src(%dma_wait3A_842 : memref<100000x128xf32, #tpu.memory_space<hbm>>) dst(%dma_wait3A_838 : memref<32x128xf32, #tpu.memory_space<vmem>>)
        %mul3A_845 = arith.constant 32 : i32
        %mul3A_846 = arith.muli %add3A_430, %mul3A_845 : i32
        %dma_start3A_847 = arith.constant 3 : i32
        %dma_start3A_848 = arith.constant 3 : i32
        %dma_start3A_849 = arith.constant 0 : i32
        %dma_start3A_850 = arith.constant 0 : i32
        %dma_start3A_851 = tpu.memref_slice %arg9[%dma_start3A_847, %dma_start3A_849, %dma_start3A_850] : memref<10x32x128xf32, #tpu.memory_space<vmem>> -> memref<1x32x128xf32, #tpu.memory_space<vmem>>
        %dma_start3A_852 = tpu.memref_squeeze %dma_start3A_851 : memref<1x32x128xf32, #tpu.memory_space<vmem>> -> memref<32x128xf32, #tpu.memory_space<vmem>>
        %dma_start3A_853 = tpu.memref_slice %arg8[%mul3A_846] : memref<6400xi32, #tpu.memory_space<vmem>> -> memref<32xi32, #tpu.memory_space<vmem>>
        %dma_start3A_854 = arith.constant 0 : i32
        %dma_start3A_855 = arith.constant 0 : i32
        %dma_start3A_856 = tpu.memref_slice %arg11[%dma_start3A_854, %dma_start3A_855] : memref<200x128xf32, #tpu.memory_space<vmem_shared>> -> memref<200x128xf32, #tpu.memory_space<vmem_shared>>
        %dma_start3A_857 = tpu.memref_slice %arg13[%dma_start3A_848] : memref<10x!tpu.dma_semaphore, #tpu.memory_space<semaphore_mem>> -> memref<1x!tpu.dma_semaphore, #tpu.memory_space<semaphore_mem>>
        %dma_start3A_858 = tpu.memref_squeeze %dma_start3A_857 : memref<1x!tpu.dma_semaphore, #tpu.memory_space<semaphore_mem>> -> memref<!tpu.dma_semaphore, #tpu.memory_space<semaphore_mem>>
        tpu.enqueue_indirect_dma source(%dma_start3A_856 : memref<200x128xf32, #tpu.memory_space<vmem_shared>>) target(%dma_start3A_852 : memref<32x128xf32, #tpu.memory_space<vmem>>) offsets(%dma_start3A_853 : memref<32xi32, #tpu.memory_space<vmem>>) semaphore(%dma_start3A_858 : memref<!tpu.dma_semaphore, #tpu.memory_space<semaphore_mem>>) {add = true}
      } else {
      }
      %mul3A_441 = arith.constant 32 : i32
      %mul3A_442 = arith.muli %add3A_426, %mul3A_441 : i32
      %dma_wait3A_443 = arith.constant 2 : i32
      %dma_wait3A_444 = arith.constant 2 : i32
      %dma_wait3A_445 = arith.constant 0 : i32
      %dma_wait3A_446 = arith.constant 0 : i32
      %dma_wait3A_447 = tpu.memref_slice %arg9[%dma_wait3A_443, %dma_wait3A_445, %dma_wait3A_446] : memref<10x32x128xf32, #tpu.memory_space<vmem>> -> memref<1x32x128xf32, #tpu.memory_space<vmem>>
      %dma_wait3A_448 = tpu.memref_squeeze %dma_wait3A_447 : memref<1x32x128xf32, #tpu.memory_space<vmem>> -> memref<32x128xf32, #tpu.memory_space<vmem>>
      %dma_wait3A_449 = tpu.memref_slice %arg8[%mul3A_442] : memref<6400xi32, #tpu.memory_space<vmem>> -> memref<32xi32, #tpu.memory_space<vmem>>
      %dma_wait3A_450 = arith.constant 0 : i32
      %dma_wait3A_451 = arith.constant 0 : i32
      %dma_wait3A_452 = tpu.memref_slice %arg11[%dma_wait3A_450, %dma_wait3A_451] : memref<200x128xf32, #tpu.memory_space<vmem_shared>> -> memref<200x128xf32, #tpu.memory_space<vmem_shared>>
      %dma_wait3A_453 = tpu.memref_slice %arg13[%dma_wait3A_444] : memref<10x!tpu.dma_semaphore, #tpu.memory_space<semaphore_mem>> -> memref<1x!tpu.dma_semaphore, #tpu.memory_space<semaphore_mem>>
      %dma_wait3A_454 = tpu.memref_squeeze %dma_wait3A_453 : memref<1x!tpu.dma_semaphore, #tpu.memory_space<semaphore_mem>> -> memref<!tpu.dma_semaphore, #tpu.memory_space<semaphore_mem>>
      tpu.wait_indirect_dma semaphore(%dma_wait3A_454 : memref<!tpu.dma_semaphore, #tpu.memory_space<semaphore_mem>>) src(%dma_wait3A_452 : memref<200x128xf32, #tpu.memory_space<vmem_shared>>) dst(%dma_wait3A_448 : memref<32x128xf32, #tpu.memory_space<vmem>>)
      %mul3A_455 = arith.constant 32 : i32
      %mul3A_456 = arith.muli %add3A_426, %mul3A_455 : i32
      %add3A_457 = arith.addi %mul3A_2, %mul3A_456 : i32
      %dma_start3A_458 = arith.constant 2 : i32
      %dma_start3A_459 = arith.constant 2 : i32
      %dma_start3A_460 = arith.constant 0 : i32
      %dma_start3A_461 = arith.constant 0 : i32
      %dma_start3A_462 = tpu.memref_slice %arg9[%dma_start3A_458, %dma_start3A_460, %dma_start3A_461] : memref<10x32x128xf32, #tpu.memory_space<vmem>> -> memref<1x32x128xf32, #tpu.memory_space<vmem>>
      %dma_start3A_463 = tpu.memref_squeeze %dma_start3A_462 : memref<1x32x128xf32, #tpu.memory_space<vmem>> -> memref<32x128xf32, #tpu.memory_space<vmem>>
      %dma_start3A_464 = arith.constant 0 : i32
      %dma_start3A_465 = tpu.memref_slice %arg6[%add3A_457, %dma_start3A_464] : memref<204800x128xf32, #tpu.memory_space<hbm>> -> memref<32x128xf32, #tpu.memory_space<hbm>>
      %dma_start3A_466 = tpu.memref_slice %arg14[%dma_start3A_459] : memref<10x!tpu.dma_semaphore, #tpu.memory_space<semaphore_mem>> -> memref<1x!tpu.dma_semaphore, #tpu.memory_space<semaphore_mem>>
      %dma_start3A_467 = tpu.memref_squeeze %dma_start3A_466 : memref<1x!tpu.dma_semaphore, #tpu.memory_space<semaphore_mem>> -> memref<!tpu.dma_semaphore, #tpu.memory_space<semaphore_mem>>
      %dma_start3A_468 = arith.constant 0 : i32
      %dma_start3A_469 = tpu.memref_slice %arg6[%add3A_457, %dma_start3A_468] : memref<204800x128xf32, #tpu.memory_space<hbm>> -> memref<32x128xf32, #tpu.memory_space<hbm>>
      %dma_start3A_470 = arith.constant 0 : i32
      %dma_start3A_471 = arith.constant 0 : i32
      %dma_start3A_472 = tpu.memref_slice %arg9[%dma_start3A_458, %dma_start3A_470, %dma_start3A_471] : memref<10x32x128xf32, #tpu.memory_space<vmem>> -> memref<1x32x128xf32, #tpu.memory_space<vmem>>
      %dma_start3A_473 = tpu.memref_squeeze %dma_start3A_472 : memref<1x32x128xf32, #tpu.memory_space<vmem>> -> memref<32x128xf32, #tpu.memory_space<vmem>>
      tpu.enqueue_dma source(%dma_start3A_473 : memref<32x128xf32, #tpu.memory_space<vmem>>) target(%dma_start3A_469 : memref<32x128xf32, #tpu.memory_space<hbm>>) target_semaphore(%dma_start3A_467 : memref<!tpu.dma_semaphore, #tpu.memory_space<semaphore_mem>>)
      %mul3A_474 = arith.constant 10 : i32
      %mul3A_475 = arith.muli %add3A_321, %mul3A_474 : i32
      %add3A_476 = arith.constant 3 : i32
      %add3A_477 = arith.addi %mul3A_475, %add3A_476 : i32
      %add3A_478 = arith.constant 8 : i32
      %add3A_479 = arith.addi %add3A_477, %add3A_478 : i32
      %add3A_480 = arith.constant 1 : i32
      %add3A_481 = arith.addi %add3A_477, %add3A_480 : i32
      %lt3A_482 = arith.constant 200 : i32
      %lt3A_483 = arith.cmpi slt, %add3A_479, %lt3A_482 : i32
      %convert_element_type3A_484 = arith.extui %lt3A_483 : i1 to i32
      %cond3A_485 = arith.constant 0 : i32
      %cond3A_486 = arith.cmpi ne, %convert_element_type3A_484, %cond3A_485 : i32
      scf.if %cond3A_486 {
        %ge3A = arith.constant 10 : i32
        %ge3A_831 = arith.cmpi sge, %add3A_479, %ge3A : i32
        %convert_element_type3A_832 = arith.extui %ge3A_831 : i1 to i32
        %cond3A_833 = arith.constant 0 : i32
        %cond3A_834 = arith.cmpi ne, %convert_element_type3A_832, %cond3A_833 : i32
        scf.if %cond3A_834 {
          %sub3A = arith.constant 10 : i32
          %sub3A_849 = arith.subi %add3A_479, %sub3A : i32
          %mul3A_850 = arith.constant 32 : i32
          %mul3A_851 = arith.muli %sub3A_849, %mul3A_850 : i32
          %add3A_852 = arith.addi %mul3A_2, %mul3A_851 : i32
          %dma_wait3A_853 = arith.constant 1 : i32
          %dma_wait3A_854 = arith.constant 1 : i32
          %dma_wait3A_855 = arith.constant 0 : i32
          %dma_wait3A_856 = arith.constant 0 : i32
          %dma_wait3A_857 = tpu.memref_slice %arg9[%dma_wait3A_853, %dma_wait3A_855, %dma_wait3A_856] : memref<10x32x128xf32, #tpu.memory_space<vmem>> -> memref<1x32x128xf32, #tpu.memory_space<vmem>>
          %dma_wait3A_858 = tpu.memref_squeeze %dma_wait3A_857 : memref<1x32x128xf32, #tpu.memory_space<vmem>> -> memref<32x128xf32, #tpu.memory_space<vmem>>
          %dma_wait3A_859 = arith.constant 0 : i32
          %dma_wait3A_860 = tpu.memref_slice %arg6[%add3A_852, %dma_wait3A_859] : memref<204800x128xf32, #tpu.memory_space<hbm>> -> memref<32x128xf32, #tpu.memory_space<hbm>>
          %dma_wait3A_861 = tpu.memref_slice %arg14[%dma_wait3A_854] : memref<10x!tpu.dma_semaphore, #tpu.memory_space<semaphore_mem>> -> memref<1x!tpu.dma_semaphore, #tpu.memory_space<semaphore_mem>>
          %dma_wait3A_862 = tpu.memref_squeeze %dma_wait3A_861 : memref<1x!tpu.dma_semaphore, #tpu.memory_space<semaphore_mem>> -> memref<!tpu.dma_semaphore, #tpu.memory_space<semaphore_mem>>
          %dma_wait3A_863 = arith.constant 0 : i32
          %dma_wait3A_864 = tpu.memref_slice %arg6[%add3A_852, %dma_wait3A_863] : memref<204800x128xf32, #tpu.memory_space<hbm>> -> memref<32x128xf32, #tpu.memory_space<hbm>>
          %dma_wait3A_865 = arith.constant 0 : i32
          %dma_wait3A_866 = arith.constant 0 : i32
          %dma_wait3A_867 = tpu.memref_slice %arg9[%dma_wait3A_853, %dma_wait3A_865, %dma_wait3A_866] : memref<10x32x128xf32, #tpu.memory_space<vmem>> -> memref<1x32x128xf32, #tpu.memory_space<vmem>>
          %dma_wait3A_868 = tpu.memref_squeeze %dma_wait3A_867 : memref<1x32x128xf32, #tpu.memory_space<vmem>> -> memref<32x128xf32, #tpu.memory_space<vmem>>
          tpu.wait_dma2 semaphore(%dma_wait3A_862 : memref<!tpu.dma_semaphore, #tpu.memory_space<semaphore_mem>>) src(%dma_wait3A_868 : memref<32x128xf32, #tpu.memory_space<vmem>>) dst(%dma_wait3A_864 : memref<32x128xf32, #tpu.memory_space<hbm>>)
        } else {
        }
        %mul3A_835 = arith.constant 32 : i32
        %mul3A_836 = arith.muli %add3A_479, %mul3A_835 : i32
        %dma_start3A_837 = arith.constant 1 : i32
        %dma_start3A_838 = arith.constant 1 : i32
        %dma_start3A_839 = arith.constant 0 : i32
        %dma_start3A_840 = arith.constant 0 : i32
        %dma_start3A_841 = tpu.memref_slice %arg9[%dma_start3A_837, %dma_start3A_839, %dma_start3A_840] : memref<10x32x128xf32, #tpu.memory_space<vmem>> -> memref<1x32x128xf32, #tpu.memory_space<vmem>>
        %dma_start3A_842 = tpu.memref_squeeze %dma_start3A_841 : memref<1x32x128xf32, #tpu.memory_space<vmem>> -> memref<32x128xf32, #tpu.memory_space<vmem>>
        %dma_start3A_843 = tpu.memref_slice %arg7[%mul3A_836] : memref<6400xi32, #tpu.memory_space<vmem>> -> memref<32xi32, #tpu.memory_space<vmem>>
        %dma_start3A_844 = arith.constant 0 : i32
        %dma_start3A_845 = arith.constant 0 : i32
        %dma_start3A_846 = tpu.memref_slice %arg2[%dma_start3A_844, %dma_start3A_845] : memref<100000x128xf32, #tpu.memory_space<hbm>> -> memref<100000x128xf32, #tpu.memory_space<hbm>>
        %dma_start3A_847 = tpu.memref_slice %arg12[%dma_start3A_838] : memref<10x!tpu.dma_semaphore, #tpu.memory_space<semaphore_mem>> -> memref<1x!tpu.dma_semaphore, #tpu.memory_space<semaphore_mem>>
        %dma_start3A_848 = tpu.memref_squeeze %dma_start3A_847 : memref<1x!tpu.dma_semaphore, #tpu.memory_space<semaphore_mem>> -> memref<!tpu.dma_semaphore, #tpu.memory_space<semaphore_mem>>
        tpu.enqueue_indirect_dma source(%dma_start3A_846 : memref<100000x128xf32, #tpu.memory_space<hbm>>) target(%dma_start3A_842 : memref<32x128xf32, #tpu.memory_space<vmem>>) offsets(%dma_start3A_843 : memref<32xi32, #tpu.memory_space<vmem>>) semaphore(%dma_start3A_848 : memref<!tpu.dma_semaphore, #tpu.memory_space<semaphore_mem>>)
      } else {
      }
      %lt3A_487 = arith.constant 200 : i32
      %lt3A_488 = arith.cmpi slt, %add3A_481, %lt3A_487 : i32
      %convert_element_type3A_489 = arith.extui %lt3A_488 : i1 to i32
      %cond3A_490 = arith.constant 0 : i32
      %cond3A_491 = arith.cmpi ne, %convert_element_type3A_489, %cond3A_490 : i32
      scf.if %cond3A_491 {
        %mul3A_831 = arith.constant 32 : i32
        %mul3A_832 = arith.muli %add3A_481, %mul3A_831 : i32
        %dma_wait3A_833 = arith.constant 4 : i32
        %dma_wait3A_834 = arith.constant 4 : i32
        %dma_wait3A_835 = arith.constant 0 : i32
        %dma_wait3A_836 = arith.constant 0 : i32
        %dma_wait3A_837 = tpu.memref_slice %arg9[%dma_wait3A_833, %dma_wait3A_835, %dma_wait3A_836] : memref<10x32x128xf32, #tpu.memory_space<vmem>> -> memref<1x32x128xf32, #tpu.memory_space<vmem>>
        %dma_wait3A_838 = tpu.memref_squeeze %dma_wait3A_837 : memref<1x32x128xf32, #tpu.memory_space<vmem>> -> memref<32x128xf32, #tpu.memory_space<vmem>>
        %dma_wait3A_839 = tpu.memref_slice %arg7[%mul3A_832] : memref<6400xi32, #tpu.memory_space<vmem>> -> memref<32xi32, #tpu.memory_space<vmem>>
        %dma_wait3A_840 = arith.constant 0 : i32
        %dma_wait3A_841 = arith.constant 0 : i32
        %dma_wait3A_842 = tpu.memref_slice %arg2[%dma_wait3A_840, %dma_wait3A_841] : memref<100000x128xf32, #tpu.memory_space<hbm>> -> memref<100000x128xf32, #tpu.memory_space<hbm>>
        %dma_wait3A_843 = tpu.memref_slice %arg12[%dma_wait3A_834] : memref<10x!tpu.dma_semaphore, #tpu.memory_space<semaphore_mem>> -> memref<1x!tpu.dma_semaphore, #tpu.memory_space<semaphore_mem>>
        %dma_wait3A_844 = tpu.memref_squeeze %dma_wait3A_843 : memref<1x!tpu.dma_semaphore, #tpu.memory_space<semaphore_mem>> -> memref<!tpu.dma_semaphore, #tpu.memory_space<semaphore_mem>>
        tpu.wait_indirect_dma semaphore(%dma_wait3A_844 : memref<!tpu.dma_semaphore, #tpu.memory_space<semaphore_mem>>) src(%dma_wait3A_842 : memref<100000x128xf32, #tpu.memory_space<hbm>>) dst(%dma_wait3A_838 : memref<32x128xf32, #tpu.memory_space<vmem>>)
        %mul3A_845 = arith.constant 32 : i32
        %mul3A_846 = arith.muli %add3A_481, %mul3A_845 : i32
        %dma_start3A_847 = arith.constant 4 : i32
        %dma_start3A_848 = arith.constant 4 : i32
        %dma_start3A_849 = arith.constant 0 : i32
        %dma_start3A_850 = arith.constant 0 : i32
        %dma_start3A_851 = tpu.memref_slice %arg9[%dma_start3A_847, %dma_start3A_849, %dma_start3A_850] : memref<10x32x128xf32, #tpu.memory_space<vmem>> -> memref<1x32x128xf32, #tpu.memory_space<vmem>>
        %dma_start3A_852 = tpu.memref_squeeze %dma_start3A_851 : memref<1x32x128xf32, #tpu.memory_space<vmem>> -> memref<32x128xf32, #tpu.memory_space<vmem>>
        %dma_start3A_853 = tpu.memref_slice %arg8[%mul3A_846] : memref<6400xi32, #tpu.memory_space<vmem>> -> memref<32xi32, #tpu.memory_space<vmem>>
        %dma_start3A_854 = arith.constant 0 : i32
        %dma_start3A_855 = arith.constant 0 : i32
        %dma_start3A_856 = tpu.memref_slice %arg11[%dma_start3A_854, %dma_start3A_855] : memref<200x128xf32, #tpu.memory_space<vmem_shared>> -> memref<200x128xf32, #tpu.memory_space<vmem_shared>>
        %dma_start3A_857 = tpu.memref_slice %arg13[%dma_start3A_848] : memref<10x!tpu.dma_semaphore, #tpu.memory_space<semaphore_mem>> -> memref<1x!tpu.dma_semaphore, #tpu.memory_space<semaphore_mem>>
        %dma_start3A_858 = tpu.memref_squeeze %dma_start3A_857 : memref<1x!tpu.dma_semaphore, #tpu.memory_space<semaphore_mem>> -> memref<!tpu.dma_semaphore, #tpu.memory_space<semaphore_mem>>
        tpu.enqueue_indirect_dma source(%dma_start3A_856 : memref<200x128xf32, #tpu.memory_space<vmem_shared>>) target(%dma_start3A_852 : memref<32x128xf32, #tpu.memory_space<vmem>>) offsets(%dma_start3A_853 : memref<32xi32, #tpu.memory_space<vmem>>) semaphore(%dma_start3A_858 : memref<!tpu.dma_semaphore, #tpu.memory_space<semaphore_mem>>) {add = true}
      } else {
      }
      %mul3A_492 = arith.constant 32 : i32
      %mul3A_493 = arith.muli %add3A_477, %mul3A_492 : i32
      %dma_wait3A_494 = arith.constant 3 : i32
      %dma_wait3A_495 = arith.constant 3 : i32
      %dma_wait3A_496 = arith.constant 0 : i32
      %dma_wait3A_497 = arith.constant 0 : i32
      %dma_wait3A_498 = tpu.memref_slice %arg9[%dma_wait3A_494, %dma_wait3A_496, %dma_wait3A_497] : memref<10x32x128xf32, #tpu.memory_space<vmem>> -> memref<1x32x128xf32, #tpu.memory_space<vmem>>
      %dma_wait3A_499 = tpu.memref_squeeze %dma_wait3A_498 : memref<1x32x128xf32, #tpu.memory_space<vmem>> -> memref<32x128xf32, #tpu.memory_space<vmem>>
      %dma_wait3A_500 = tpu.memref_slice %arg8[%mul3A_493] : memref<6400xi32, #tpu.memory_space<vmem>> -> memref<32xi32, #tpu.memory_space<vmem>>
      %dma_wait3A_501 = arith.constant 0 : i32
      %dma_wait3A_502 = arith.constant 0 : i32
      %dma_wait3A_503 = tpu.memref_slice %arg11[%dma_wait3A_501, %dma_wait3A_502] : memref<200x128xf32, #tpu.memory_space<vmem_shared>> -> memref<200x128xf32, #tpu.memory_space<vmem_shared>>
      %dma_wait3A_504 = tpu.memref_slice %arg13[%dma_wait3A_495] : memref<10x!tpu.dma_semaphore, #tpu.memory_space<semaphore_mem>> -> memref<1x!tpu.dma_semaphore, #tpu.memory_space<semaphore_mem>>
      %dma_wait3A_505 = tpu.memref_squeeze %dma_wait3A_504 : memref<1x!tpu.dma_semaphore, #tpu.memory_space<semaphore_mem>> -> memref<!tpu.dma_semaphore, #tpu.memory_space<semaphore_mem>>
      tpu.wait_indirect_dma semaphore(%dma_wait3A_505 : memref<!tpu.dma_semaphore, #tpu.memory_space<semaphore_mem>>) src(%dma_wait3A_503 : memref<200x128xf32, #tpu.memory_space<vmem_shared>>) dst(%dma_wait3A_499 : memref<32x128xf32, #tpu.memory_space<vmem>>)
      %mul3A_506 = arith.constant 32 : i32
      %mul3A_507 = arith.muli %add3A_477, %mul3A_506 : i32
      %add3A_508 = arith.addi %mul3A_2, %mul3A_507 : i32
      %dma_start3A_509 = arith.constant 3 : i32
      %dma_start3A_510 = arith.constant 3 : i32
      %dma_start3A_511 = arith.constant 0 : i32
      %dma_start3A_512 = arith.constant 0 : i32
      %dma_start3A_513 = tpu.memref_slice %arg9[%dma_start3A_509, %dma_start3A_511, %dma_start3A_512] : memref<10x32x128xf32, #tpu.memory_space<vmem>> -> memref<1x32x128xf32, #tpu.memory_space<vmem>>
      %dma_start3A_514 = tpu.memref_squeeze %dma_start3A_513 : memref<1x32x128xf32, #tpu.memory_space<vmem>> -> memref<32x128xf32, #tpu.memory_space<vmem>>
      %dma_start3A_515 = arith.constant 0 : i32
      %dma_start3A_516 = tpu.memref_slice %arg6[%add3A_508, %dma_start3A_515] : memref<204800x128xf32, #tpu.memory_space<hbm>> -> memref<32x128xf32, #tpu.memory_space<hbm>>
      %dma_start3A_517 = tpu.memref_slice %arg14[%dma_start3A_510] : memref<10x!tpu.dma_semaphore, #tpu.memory_space<semaphore_mem>> -> memref<1x!tpu.dma_semaphore, #tpu.memory_space<semaphore_mem>>
      %dma_start3A_518 = tpu.memref_squeeze %dma_start3A_517 : memref<1x!tpu.dma_semaphore, #tpu.memory_space<semaphore_mem>> -> memref<!tpu.dma_semaphore, #tpu.memory_space<semaphore_mem>>
      %dma_start3A_519 = arith.constant 0 : i32
      %dma_start3A_520 = tpu.memref_slice %arg6[%add3A_508, %dma_start3A_519] : memref<204800x128xf32, #tpu.memory_space<hbm>> -> memref<32x128xf32, #tpu.memory_space<hbm>>
      %dma_start3A_521 = arith.constant 0 : i32
      %dma_start3A_522 = arith.constant 0 : i32
      %dma_start3A_523 = tpu.memref_slice %arg9[%dma_start3A_509, %dma_start3A_521, %dma_start3A_522] : memref<10x32x128xf32, #tpu.memory_space<vmem>> -> memref<1x32x128xf32, #tpu.memory_space<vmem>>
      %dma_start3A_524 = tpu.memref_squeeze %dma_start3A_523 : memref<1x32x128xf32, #tpu.memory_space<vmem>> -> memref<32x128xf32, #tpu.memory_space<vmem>>
      tpu.enqueue_dma source(%dma_start3A_524 : memref<32x128xf32, #tpu.memory_space<vmem>>) target(%dma_start3A_520 : memref<32x128xf32, #tpu.memory_space<hbm>>) target_semaphore(%dma_start3A_518 : memref<!tpu.dma_semaphore, #tpu.memory_space<semaphore_mem>>)
      %mul3A_525 = arith.constant 10 : i32
      %mul3A_526 = arith.muli %add3A_321, %mul3A_525 : i32
      %add3A_527 = arith.constant 4 : i32
      %add3A_528 = arith.addi %mul3A_526, %add3A_527 : i32
      %add3A_529 = arith.constant 8 : i32
      %add3A_530 = arith.addi %add3A_528, %add3A_529 : i32
      %add3A_531 = arith.constant 1 : i32
      %add3A_532 = arith.addi %add3A_528, %add3A_531 : i32
      %lt3A_533 = arith.constant 200 : i32
      %lt3A_534 = arith.cmpi slt, %add3A_530, %lt3A_533 : i32
      %convert_element_type3A_535 = arith.extui %lt3A_534 : i1 to i32
      %cond3A_536 = arith.constant 0 : i32
      %cond3A_537 = arith.cmpi ne, %convert_element_type3A_535, %cond3A_536 : i32
      scf.if %cond3A_537 {
        %ge3A = arith.constant 10 : i32
        %ge3A_831 = arith.cmpi sge, %add3A_530, %ge3A : i32
        %convert_element_type3A_832 = arith.extui %ge3A_831 : i1 to i32
        %cond3A_833 = arith.constant 0 : i32
        %cond3A_834 = arith.cmpi ne, %convert_element_type3A_832, %cond3A_833 : i32
        scf.if %cond3A_834 {
          %sub3A = arith.constant 10 : i32
          %sub3A_849 = arith.subi %add3A_530, %sub3A : i32
          %mul3A_850 = arith.constant 32 : i32
          %mul3A_851 = arith.muli %sub3A_849, %mul3A_850 : i32
          %add3A_852 = arith.addi %mul3A_2, %mul3A_851 : i32
          %dma_wait3A_853 = arith.constant 2 : i32
          %dma_wait3A_854 = arith.constant 2 : i32
          %dma_wait3A_855 = arith.constant 0 : i32
          %dma_wait3A_856 = arith.constant 0 : i32
          %dma_wait3A_857 = tpu.memref_slice %arg9[%dma_wait3A_853, %dma_wait3A_855, %dma_wait3A_856] : memref<10x32x128xf32, #tpu.memory_space<vmem>> -> memref<1x32x128xf32, #tpu.memory_space<vmem>>
          %dma_wait3A_858 = tpu.memref_squeeze %dma_wait3A_857 : memref<1x32x128xf32, #tpu.memory_space<vmem>> -> memref<32x128xf32, #tpu.memory_space<vmem>>
          %dma_wait3A_859 = arith.constant 0 : i32
          %dma_wait3A_860 = tpu.memref_slice %arg6[%add3A_852, %dma_wait3A_859] : memref<204800x128xf32, #tpu.memory_space<hbm>> -> memref<32x128xf32, #tpu.memory_space<hbm>>
          %dma_wait3A_861 = tpu.memref_slice %arg14[%dma_wait3A_854] : memref<10x!tpu.dma_semaphore, #tpu.memory_space<semaphore_mem>> -> memref<1x!tpu.dma_semaphore, #tpu.memory_space<semaphore_mem>>
          %dma_wait3A_862 = tpu.memref_squeeze %dma_wait3A_861 : memref<1x!tpu.dma_semaphore, #tpu.memory_space<semaphore_mem>> -> memref<!tpu.dma_semaphore, #tpu.memory_space<semaphore_mem>>
          %dma_wait3A_863 = arith.constant 0 : i32
          %dma_wait3A_864 = tpu.memref_slice %arg6[%add3A_852, %dma_wait3A_863] : memref<204800x128xf32, #tpu.memory_space<hbm>> -> memref<32x128xf32, #tpu.memory_space<hbm>>
          %dma_wait3A_865 = arith.constant 0 : i32
          %dma_wait3A_866 = arith.constant 0 : i32
          %dma_wait3A_867 = tpu.memref_slice %arg9[%dma_wait3A_853, %dma_wait3A_865, %dma_wait3A_866] : memref<10x32x128xf32, #tpu.memory_space<vmem>> -> memref<1x32x128xf32, #tpu.memory_space<vmem>>
          %dma_wait3A_868 = tpu.memref_squeeze %dma_wait3A_867 : memref<1x32x128xf32, #tpu.memory_space<vmem>> -> memref<32x128xf32, #tpu.memory_space<vmem>>
          tpu.wait_dma2 semaphore(%dma_wait3A_862 : memref<!tpu.dma_semaphore, #tpu.memory_space<semaphore_mem>>) src(%dma_wait3A_868 : memref<32x128xf32, #tpu.memory_space<vmem>>) dst(%dma_wait3A_864 : memref<32x128xf32, #tpu.memory_space<hbm>>)
        } else {
        }
        %mul3A_835 = arith.constant 32 : i32
        %mul3A_836 = arith.muli %add3A_530, %mul3A_835 : i32
        %dma_start3A_837 = arith.constant 2 : i32
        %dma_start3A_838 = arith.constant 2 : i32
        %dma_start3A_839 = arith.constant 0 : i32
        %dma_start3A_840 = arith.constant 0 : i32
        %dma_start3A_841 = tpu.memref_slice %arg9[%dma_start3A_837, %dma_start3A_839, %dma_start3A_840] : memref<10x32x128xf32, #tpu.memory_space<vmem>> -> memref<1x32x128xf32, #tpu.memory_space<vmem>>
        %dma_start3A_842 = tpu.memref_squeeze %dma_start3A_841 : memref<1x32x128xf32, #tpu.memory_space<vmem>> -> memref<32x128xf32, #tpu.memory_space<vmem>>
        %dma_start3A_843 = tpu.memref_slice %arg7[%mul3A_836] : memref<6400xi32, #tpu.memory_space<vmem>> -> memref<32xi32, #tpu.memory_space<vmem>>
        %dma_start3A_844 = arith.constant 0 : i32
        %dma_start3A_845 = arith.constant 0 : i32
        %dma_start3A_846 = tpu.memref_slice %arg2[%dma_start3A_844, %dma_start3A_845] : memref<100000x128xf32, #tpu.memory_space<hbm>> -> memref<100000x128xf32, #tpu.memory_space<hbm>>
        %dma_start3A_847 = tpu.memref_slice %arg12[%dma_start3A_838] : memref<10x!tpu.dma_semaphore, #tpu.memory_space<semaphore_mem>> -> memref<1x!tpu.dma_semaphore, #tpu.memory_space<semaphore_mem>>
        %dma_start3A_848 = tpu.memref_squeeze %dma_start3A_847 : memref<1x!tpu.dma_semaphore, #tpu.memory_space<semaphore_mem>> -> memref<!tpu.dma_semaphore, #tpu.memory_space<semaphore_mem>>
        tpu.enqueue_indirect_dma source(%dma_start3A_846 : memref<100000x128xf32, #tpu.memory_space<hbm>>) target(%dma_start3A_842 : memref<32x128xf32, #tpu.memory_space<vmem>>) offsets(%dma_start3A_843 : memref<32xi32, #tpu.memory_space<vmem>>) semaphore(%dma_start3A_848 : memref<!tpu.dma_semaphore, #tpu.memory_space<semaphore_mem>>)
      } else {
      }
      %lt3A_538 = arith.constant 200 : i32
      %lt3A_539 = arith.cmpi slt, %add3A_532, %lt3A_538 : i32
      %convert_element_type3A_540 = arith.extui %lt3A_539 : i1 to i32
      %cond3A_541 = arith.constant 0 : i32
      %cond3A_542 = arith.cmpi ne, %convert_element_type3A_540, %cond3A_541 : i32
      scf.if %cond3A_542 {
        %mul3A_831 = arith.constant 32 : i32
        %mul3A_832 = arith.muli %add3A_532, %mul3A_831 : i32
        %dma_wait3A_833 = arith.constant 5 : i32
        %dma_wait3A_834 = arith.constant 5 : i32
        %dma_wait3A_835 = arith.constant 0 : i32
        %dma_wait3A_836 = arith.constant 0 : i32
        %dma_wait3A_837 = tpu.memref_slice %arg9[%dma_wait3A_833, %dma_wait3A_835, %dma_wait3A_836] : memref<10x32x128xf32, #tpu.memory_space<vmem>> -> memref<1x32x128xf32, #tpu.memory_space<vmem>>
        %dma_wait3A_838 = tpu.memref_squeeze %dma_wait3A_837 : memref<1x32x128xf32, #tpu.memory_space<vmem>> -> memref<32x128xf32, #tpu.memory_space<vmem>>
        %dma_wait3A_839 = tpu.memref_slice %arg7[%mul3A_832] : memref<6400xi32, #tpu.memory_space<vmem>> -> memref<32xi32, #tpu.memory_space<vmem>>
        %dma_wait3A_840 = arith.constant 0 : i32
        %dma_wait3A_841 = arith.constant 0 : i32
        %dma_wait3A_842 = tpu.memref_slice %arg2[%dma_wait3A_840, %dma_wait3A_841] : memref<100000x128xf32, #tpu.memory_space<hbm>> -> memref<100000x128xf32, #tpu.memory_space<hbm>>
        %dma_wait3A_843 = tpu.memref_slice %arg12[%dma_wait3A_834] : memref<10x!tpu.dma_semaphore, #tpu.memory_space<semaphore_mem>> -> memref<1x!tpu.dma_semaphore, #tpu.memory_space<semaphore_mem>>
        %dma_wait3A_844 = tpu.memref_squeeze %dma_wait3A_843 : memref<1x!tpu.dma_semaphore, #tpu.memory_space<semaphore_mem>> -> memref<!tpu.dma_semaphore, #tpu.memory_space<semaphore_mem>>
        tpu.wait_indirect_dma semaphore(%dma_wait3A_844 : memref<!tpu.dma_semaphore, #tpu.memory_space<semaphore_mem>>) src(%dma_wait3A_842 : memref<100000x128xf32, #tpu.memory_space<hbm>>) dst(%dma_wait3A_838 : memref<32x128xf32, #tpu.memory_space<vmem>>)
        %mul3A_845 = arith.constant 32 : i32
        %mul3A_846 = arith.muli %add3A_532, %mul3A_845 : i32
        %dma_start3A_847 = arith.constant 5 : i32
        %dma_start3A_848 = arith.constant 5 : i32
        %dma_start3A_849 = arith.constant 0 : i32
        %dma_start3A_850 = arith.constant 0 : i32
        %dma_start3A_851 = tpu.memref_slice %arg9[%dma_start3A_847, %dma_start3A_849, %dma_start3A_850] : memref<10x32x128xf32, #tpu.memory_space<vmem>> -> memref<1x32x128xf32, #tpu.memory_space<vmem>>
        %dma_start3A_852 = tpu.memref_squeeze %dma_start3A_851 : memref<1x32x128xf32, #tpu.memory_space<vmem>> -> memref<32x128xf32, #tpu.memory_space<vmem>>
        %dma_start3A_853 = tpu.memref_slice %arg8[%mul3A_846] : memref<6400xi32, #tpu.memory_space<vmem>> -> memref<32xi32, #tpu.memory_space<vmem>>
        %dma_start3A_854 = arith.constant 0 : i32
        %dma_start3A_855 = arith.constant 0 : i32
        %dma_start3A_856 = tpu.memref_slice %arg11[%dma_start3A_854, %dma_start3A_855] : memref<200x128xf32, #tpu.memory_space<vmem_shared>> -> memref<200x128xf32, #tpu.memory_space<vmem_shared>>
        %dma_start3A_857 = tpu.memref_slice %arg13[%dma_start3A_848] : memref<10x!tpu.dma_semaphore, #tpu.memory_space<semaphore_mem>> -> memref<1x!tpu.dma_semaphore, #tpu.memory_space<semaphore_mem>>
        %dma_start3A_858 = tpu.memref_squeeze %dma_start3A_857 : memref<1x!tpu.dma_semaphore, #tpu.memory_space<semaphore_mem>> -> memref<!tpu.dma_semaphore, #tpu.memory_space<semaphore_mem>>
        tpu.enqueue_indirect_dma source(%dma_start3A_856 : memref<200x128xf32, #tpu.memory_space<vmem_shared>>) target(%dma_start3A_852 : memref<32x128xf32, #tpu.memory_space<vmem>>) offsets(%dma_start3A_853 : memref<32xi32, #tpu.memory_space<vmem>>) semaphore(%dma_start3A_858 : memref<!tpu.dma_semaphore, #tpu.memory_space<semaphore_mem>>) {add = true}
      } else {
      }
      %mul3A_543 = arith.constant 32 : i32
      %mul3A_544 = arith.muli %add3A_528, %mul3A_543 : i32
      %dma_wait3A_545 = arith.constant 4 : i32
      %dma_wait3A_546 = arith.constant 4 : i32
      %dma_wait3A_547 = arith.constant 0 : i32
      %dma_wait3A_548 = arith.constant 0 : i32
      %dma_wait3A_549 = tpu.memref_slice %arg9[%dma_wait3A_545, %dma_wait3A_547, %dma_wait3A_548] : memref<10x32x128xf32, #tpu.memory_space<vmem>> -> memref<1x32x128xf32, #tpu.memory_space<vmem>>
      %dma_wait3A_550 = tpu.memref_squeeze %dma_wait3A_549 : memref<1x32x128xf32, #tpu.memory_space<vmem>> -> memref<32x128xf32, #tpu.memory_space<vmem>>
      %dma_wait3A_551 = tpu.memref_slice %arg8[%mul3A_544] : memref<6400xi32, #tpu.memory_space<vmem>> -> memref<32xi32, #tpu.memory_space<vmem>>
      %dma_wait3A_552 = arith.constant 0 : i32
      %dma_wait3A_553 = arith.constant 0 : i32
      %dma_wait3A_554 = tpu.memref_slice %arg11[%dma_wait3A_552, %dma_wait3A_553] : memref<200x128xf32, #tpu.memory_space<vmem_shared>> -> memref<200x128xf32, #tpu.memory_space<vmem_shared>>
      %dma_wait3A_555 = tpu.memref_slice %arg13[%dma_wait3A_546] : memref<10x!tpu.dma_semaphore, #tpu.memory_space<semaphore_mem>> -> memref<1x!tpu.dma_semaphore, #tpu.memory_space<semaphore_mem>>
      %dma_wait3A_556 = tpu.memref_squeeze %dma_wait3A_555 : memref<1x!tpu.dma_semaphore, #tpu.memory_space<semaphore_mem>> -> memref<!tpu.dma_semaphore, #tpu.memory_space<semaphore_mem>>
      tpu.wait_indirect_dma semaphore(%dma_wait3A_556 : memref<!tpu.dma_semaphore, #tpu.memory_space<semaphore_mem>>) src(%dma_wait3A_554 : memref<200x128xf32, #tpu.memory_space<vmem_shared>>) dst(%dma_wait3A_550 : memref<32x128xf32, #tpu.memory_space<vmem>>)
      %mul3A_557 = arith.constant 32 : i32
      %mul3A_558 = arith.muli %add3A_528, %mul3A_557 : i32
      %add3A_559 = arith.addi %mul3A_2, %mul3A_558 : i32
      %dma_start3A_560 = arith.constant 4 : i32
      %dma_start3A_561 = arith.constant 4 : i32
      %dma_start3A_562 = arith.constant 0 : i32
      %dma_start3A_563 = arith.constant 0 : i32
      %dma_start3A_564 = tpu.memref_slice %arg9[%dma_start3A_560, %dma_start3A_562, %dma_start3A_563] : memref<10x32x128xf32, #tpu.memory_space<vmem>> -> memref<1x32x128xf32, #tpu.memory_space<vmem>>
      %dma_start3A_565 = tpu.memref_squeeze %dma_start3A_564 : memref<1x32x128xf32, #tpu.memory_space<vmem>> -> memref<32x128xf32, #tpu.memory_space<vmem>>
      %dma_start3A_566 = arith.constant 0 : i32
      %dma_start3A_567 = tpu.memref_slice %arg6[%add3A_559, %dma_start3A_566] : memref<204800x128xf32, #tpu.memory_space<hbm>> -> memref<32x128xf32, #tpu.memory_space<hbm>>
      %dma_start3A_568 = tpu.memref_slice %arg14[%dma_start3A_561] : memref<10x!tpu.dma_semaphore, #tpu.memory_space<semaphore_mem>> -> memref<1x!tpu.dma_semaphore, #tpu.memory_space<semaphore_mem>>
      %dma_start3A_569 = tpu.memref_squeeze %dma_start3A_568 : memref<1x!tpu.dma_semaphore, #tpu.memory_space<semaphore_mem>> -> memref<!tpu.dma_semaphore, #tpu.memory_space<semaphore_mem>>
      %dma_start3A_570 = arith.constant 0 : i32
      %dma_start3A_571 = tpu.memref_slice %arg6[%add3A_559, %dma_start3A_570] : memref<204800x128xf32, #tpu.memory_space<hbm>> -> memref<32x128xf32, #tpu.memory_space<hbm>>
      %dma_start3A_572 = arith.constant 0 : i32
      %dma_start3A_573 = arith.constant 0 : i32
      %dma_start3A_574 = tpu.memref_slice %arg9[%dma_start3A_560, %dma_start3A_572, %dma_start3A_573] : memref<10x32x128xf32, #tpu.memory_space<vmem>> -> memref<1x32x128xf32, #tpu.memory_space<vmem>>
      %dma_start3A_575 = tpu.memref_squeeze %dma_start3A_574 : memref<1x32x128xf32, #tpu.memory_space<vmem>> -> memref<32x128xf32, #tpu.memory_space<vmem>>
      tpu.enqueue_dma source(%dma_start3A_575 : memref<32x128xf32, #tpu.memory_space<vmem>>) target(%dma_start3A_571 : memref<32x128xf32, #tpu.memory_space<hbm>>) target_semaphore(%dma_start3A_569 : memref<!tpu.dma_semaphore, #tpu.memory_space<semaphore_mem>>)
      %mul3A_576 = arith.constant 10 : i32
      %mul3A_577 = arith.muli %add3A_321, %mul3A_576 : i32
      %add3A_578 = arith.constant 5 : i32
      %add3A_579 = arith.addi %mul3A_577, %add3A_578 : i32
      %add3A_580 = arith.constant 8 : i32
      %add3A_581 = arith.addi %add3A_579, %add3A_580 : i32
      %add3A_582 = arith.constant 1 : i32
      %add3A_583 = arith.addi %add3A_579, %add3A_582 : i32
      %lt3A_584 = arith.constant 200 : i32
      %lt3A_585 = arith.cmpi slt, %add3A_581, %lt3A_584 : i32
      %convert_element_type3A_586 = arith.extui %lt3A_585 : i1 to i32
      %cond3A_587 = arith.constant 0 : i32
      %cond3A_588 = arith.cmpi ne, %convert_element_type3A_586, %cond3A_587 : i32
      scf.if %cond3A_588 {
        %ge3A = arith.constant 10 : i32
        %ge3A_831 = arith.cmpi sge, %add3A_581, %ge3A : i32
        %convert_element_type3A_832 = arith.extui %ge3A_831 : i1 to i32
        %cond3A_833 = arith.constant 0 : i32
        %cond3A_834 = arith.cmpi ne, %convert_element_type3A_832, %cond3A_833 : i32
        scf.if %cond3A_834 {
          %sub3A = arith.constant 10 : i32
          %sub3A_849 = arith.subi %add3A_581, %sub3A : i32
          %mul3A_850 = arith.constant 32 : i32
          %mul3A_851 = arith.muli %sub3A_849, %mul3A_850 : i32
          %add3A_852 = arith.addi %mul3A_2, %mul3A_851 : i32
          %dma_wait3A_853 = arith.constant 3 : i32
          %dma_wait3A_854 = arith.constant 3 : i32
          %dma_wait3A_855 = arith.constant 0 : i32
          %dma_wait3A_856 = arith.constant 0 : i32
          %dma_wait3A_857 = tpu.memref_slice %arg9[%dma_wait3A_853, %dma_wait3A_855, %dma_wait3A_856] : memref<10x32x128xf32, #tpu.memory_space<vmem>> -> memref<1x32x128xf32, #tpu.memory_space<vmem>>
          %dma_wait3A_858 = tpu.memref_squeeze %dma_wait3A_857 : memref<1x32x128xf32, #tpu.memory_space<vmem>> -> memref<32x128xf32, #tpu.memory_space<vmem>>
          %dma_wait3A_859 = arith.constant 0 : i32
          %dma_wait3A_860 = tpu.memref_slice %arg6[%add3A_852, %dma_wait3A_859] : memref<204800x128xf32, #tpu.memory_space<hbm>> -> memref<32x128xf32, #tpu.memory_space<hbm>>
          %dma_wait3A_861 = tpu.memref_slice %arg14[%dma_wait3A_854] : memref<10x!tpu.dma_semaphore, #tpu.memory_space<semaphore_mem>> -> memref<1x!tpu.dma_semaphore, #tpu.memory_space<semaphore_mem>>
          %dma_wait3A_862 = tpu.memref_squeeze %dma_wait3A_861 : memref<1x!tpu.dma_semaphore, #tpu.memory_space<semaphore_mem>> -> memref<!tpu.dma_semaphore, #tpu.memory_space<semaphore_mem>>
          %dma_wait3A_863 = arith.constant 0 : i32
          %dma_wait3A_864 = tpu.memref_slice %arg6[%add3A_852, %dma_wait3A_863] : memref<204800x128xf32, #tpu.memory_space<hbm>> -> memref<32x128xf32, #tpu.memory_space<hbm>>
          %dma_wait3A_865 = arith.constant 0 : i32
          %dma_wait3A_866 = arith.constant 0 : i32
          %dma_wait3A_867 = tpu.memref_slice %arg9[%dma_wait3A_853, %dma_wait3A_865, %dma_wait3A_866] : memref<10x32x128xf32, #tpu.memory_space<vmem>> -> memref<1x32x128xf32, #tpu.memory_space<vmem>>
          %dma_wait3A_868 = tpu.memref_squeeze %dma_wait3A_867 : memref<1x32x128xf32, #tpu.memory_space<vmem>> -> memref<32x128xf32, #tpu.memory_space<vmem>>
          tpu.wait_dma2 semaphore(%dma_wait3A_862 : memref<!tpu.dma_semaphore, #tpu.memory_space<semaphore_mem>>) src(%dma_wait3A_868 : memref<32x128xf32, #tpu.memory_space<vmem>>) dst(%dma_wait3A_864 : memref<32x128xf32, #tpu.memory_space<hbm>>)
        } else {
        }
        %mul3A_835 = arith.constant 32 : i32
        %mul3A_836 = arith.muli %add3A_581, %mul3A_835 : i32
        %dma_start3A_837 = arith.constant 3 : i32
        %dma_start3A_838 = arith.constant 3 : i32
        %dma_start3A_839 = arith.constant 0 : i32
        %dma_start3A_840 = arith.constant 0 : i32
        %dma_start3A_841 = tpu.memref_slice %arg9[%dma_start3A_837, %dma_start3A_839, %dma_start3A_840] : memref<10x32x128xf32, #tpu.memory_space<vmem>> -> memref<1x32x128xf32, #tpu.memory_space<vmem>>
        %dma_start3A_842 = tpu.memref_squeeze %dma_start3A_841 : memref<1x32x128xf32, #tpu.memory_space<vmem>> -> memref<32x128xf32, #tpu.memory_space<vmem>>
        %dma_start3A_843 = tpu.memref_slice %arg7[%mul3A_836] : memref<6400xi32, #tpu.memory_space<vmem>> -> memref<32xi32, #tpu.memory_space<vmem>>
        %dma_start3A_844 = arith.constant 0 : i32
        %dma_start3A_845 = arith.constant 0 : i32
        %dma_start3A_846 = tpu.memref_slice %arg2[%dma_start3A_844, %dma_start3A_845] : memref<100000x128xf32, #tpu.memory_space<hbm>> -> memref<100000x128xf32, #tpu.memory_space<hbm>>
        %dma_start3A_847 = tpu.memref_slice %arg12[%dma_start3A_838] : memref<10x!tpu.dma_semaphore, #tpu.memory_space<semaphore_mem>> -> memref<1x!tpu.dma_semaphore, #tpu.memory_space<semaphore_mem>>
        %dma_start3A_848 = tpu.memref_squeeze %dma_start3A_847 : memref<1x!tpu.dma_semaphore, #tpu.memory_space<semaphore_mem>> -> memref<!tpu.dma_semaphore, #tpu.memory_space<semaphore_mem>>
        tpu.enqueue_indirect_dma source(%dma_start3A_846 : memref<100000x128xf32, #tpu.memory_space<hbm>>) target(%dma_start3A_842 : memref<32x128xf32, #tpu.memory_space<vmem>>) offsets(%dma_start3A_843 : memref<32xi32, #tpu.memory_space<vmem>>) semaphore(%dma_start3A_848 : memref<!tpu.dma_semaphore, #tpu.memory_space<semaphore_mem>>)
      } else {
      }
      %lt3A_589 = arith.constant 200 : i32
      %lt3A_590 = arith.cmpi slt, %add3A_583, %lt3A_589 : i32
      %convert_element_type3A_591 = arith.extui %lt3A_590 : i1 to i32
      %cond3A_592 = arith.constant 0 : i32
      %cond3A_593 = arith.cmpi ne, %convert_element_type3A_591, %cond3A_592 : i32
      scf.if %cond3A_593 {
        %mul3A_831 = arith.constant 32 : i32
        %mul3A_832 = arith.muli %add3A_583, %mul3A_831 : i32
        %dma_wait3A_833 = arith.constant 6 : i32
        %dma_wait3A_834 = arith.constant 6 : i32
        %dma_wait3A_835 = arith.constant 0 : i32
        %dma_wait3A_836 = arith.constant 0 : i32
        %dma_wait3A_837 = tpu.memref_slice %arg9[%dma_wait3A_833, %dma_wait3A_835, %dma_wait3A_836] : memref<10x32x128xf32, #tpu.memory_space<vmem>> -> memref<1x32x128xf32, #tpu.memory_space<vmem>>
        %dma_wait3A_838 = tpu.memref_squeeze %dma_wait3A_837 : memref<1x32x128xf32, #tpu.memory_space<vmem>> -> memref<32x128xf32, #tpu.memory_space<vmem>>
        %dma_wait3A_839 = tpu.memref_slice %arg7[%mul3A_832] : memref<6400xi32, #tpu.memory_space<vmem>> -> memref<32xi32, #tpu.memory_space<vmem>>
        %dma_wait3A_840 = arith.constant 0 : i32
        %dma_wait3A_841 = arith.constant 0 : i32
        %dma_wait3A_842 = tpu.memref_slice %arg2[%dma_wait3A_840, %dma_wait3A_841] : memref<100000x128xf32, #tpu.memory_space<hbm>> -> memref<100000x128xf32, #tpu.memory_space<hbm>>
        %dma_wait3A_843 = tpu.memref_slice %arg12[%dma_wait3A_834] : memref<10x!tpu.dma_semaphore, #tpu.memory_space<semaphore_mem>> -> memref<1x!tpu.dma_semaphore, #tpu.memory_space<semaphore_mem>>
        %dma_wait3A_844 = tpu.memref_squeeze %dma_wait3A_843 : memref<1x!tpu.dma_semaphore, #tpu.memory_space<semaphore_mem>> -> memref<!tpu.dma_semaphore, #tpu.memory_space<semaphore_mem>>
        tpu.wait_indirect_dma semaphore(%dma_wait3A_844 : memref<!tpu.dma_semaphore, #tpu.memory_space<semaphore_mem>>) src(%dma_wait3A_842 : memref<100000x128xf32, #tpu.memory_space<hbm>>) dst(%dma_wait3A_838 : memref<32x128xf32, #tpu.memory_space<vmem>>)
        %mul3A_845 = arith.constant 32 : i32
        %mul3A_846 = arith.muli %add3A_583, %mul3A_845 : i32
        %dma_start3A_847 = arith.constant 6 : i32
        %dma_start3A_848 = arith.constant 6 : i32
        %dma_start3A_849 = arith.constant 0 : i32
        %dma_start3A_850 = arith.constant 0 : i32
        %dma_start3A_851 = tpu.memref_slice %arg9[%dma_start3A_847, %dma_start3A_849, %dma_start3A_850] : memref<10x32x128xf32, #tpu.memory_space<vmem>> -> memref<1x32x128xf32, #tpu.memory_space<vmem>>
        %dma_start3A_852 = tpu.memref_squeeze %dma_start3A_851 : memref<1x32x128xf32, #tpu.memory_space<vmem>> -> memref<32x128xf32, #tpu.memory_space<vmem>>
        %dma_start3A_853 = tpu.memref_slice %arg8[%mul3A_846] : memref<6400xi32, #tpu.memory_space<vmem>> -> memref<32xi32, #tpu.memory_space<vmem>>
        %dma_start3A_854 = arith.constant 0 : i32
        %dma_start3A_855 = arith.constant 0 : i32
        %dma_start3A_856 = tpu.memref_slice %arg11[%dma_start3A_854, %dma_start3A_855] : memref<200x128xf32, #tpu.memory_space<vmem_shared>> -> memref<200x128xf32, #tpu.memory_space<vmem_shared>>
        %dma_start3A_857 = tpu.memref_slice %arg13[%dma_start3A_848] : memref<10x!tpu.dma_semaphore, #tpu.memory_space<semaphore_mem>> -> memref<1x!tpu.dma_semaphore, #tpu.memory_space<semaphore_mem>>
        %dma_start3A_858 = tpu.memref_squeeze %dma_start3A_857 : memref<1x!tpu.dma_semaphore, #tpu.memory_space<semaphore_mem>> -> memref<!tpu.dma_semaphore, #tpu.memory_space<semaphore_mem>>
        tpu.enqueue_indirect_dma source(%dma_start3A_856 : memref<200x128xf32, #tpu.memory_space<vmem_shared>>) target(%dma_start3A_852 : memref<32x128xf32, #tpu.memory_space<vmem>>) offsets(%dma_start3A_853 : memref<32xi32, #tpu.memory_space<vmem>>) semaphore(%dma_start3A_858 : memref<!tpu.dma_semaphore, #tpu.memory_space<semaphore_mem>>) {add = true}
      } else {
      }
      %mul3A_594 = arith.constant 32 : i32
      %mul3A_595 = arith.muli %add3A_579, %mul3A_594 : i32
      %dma_wait3A_596 = arith.constant 5 : i32
      %dma_wait3A_597 = arith.constant 5 : i32
      %dma_wait3A_598 = arith.constant 0 : i32
      %dma_wait3A_599 = arith.constant 0 : i32
      %dma_wait3A_600 = tpu.memref_slice %arg9[%dma_wait3A_596, %dma_wait3A_598, %dma_wait3A_599] : memref<10x32x128xf32, #tpu.memory_space<vmem>> -> memref<1x32x128xf32, #tpu.memory_space<vmem>>
      %dma_wait3A_601 = tpu.memref_squeeze %dma_wait3A_600 : memref<1x32x128xf32, #tpu.memory_space<vmem>> -> memref<32x128xf32, #tpu.memory_space<vmem>>
      %dma_wait3A_602 = tpu.memref_slice %arg8[%mul3A_595] : memref<6400xi32, #tpu.memory_space<vmem>> -> memref<32xi32, #tpu.memory_space<vmem>>
      %dma_wait3A_603 = arith.constant 0 : i32
      %dma_wait3A_604 = arith.constant 0 : i32
      %dma_wait3A_605 = tpu.memref_slice %arg11[%dma_wait3A_603, %dma_wait3A_604] : memref<200x128xf32, #tpu.memory_space<vmem_shared>> -> memref<200x128xf32, #tpu.memory_space<vmem_shared>>
      %dma_wait3A_606 = tpu.memref_slice %arg13[%dma_wait3A_597] : memref<10x!tpu.dma_semaphore, #tpu.memory_space<semaphore_mem>> -> memref<1x!tpu.dma_semaphore, #tpu.memory_space<semaphore_mem>>
      %dma_wait3A_607 = tpu.memref_squeeze %dma_wait3A_606 : memref<1x!tpu.dma_semaphore, #tpu.memory_space<semaphore_mem>> -> memref<!tpu.dma_semaphore, #tpu.memory_space<semaphore_mem>>
      tpu.wait_indirect_dma semaphore(%dma_wait3A_607 : memref<!tpu.dma_semaphore, #tpu.memory_space<semaphore_mem>>) src(%dma_wait3A_605 : memref<200x128xf32, #tpu.memory_space<vmem_shared>>) dst(%dma_wait3A_601 : memref<32x128xf32, #tpu.memory_space<vmem>>)
      %mul3A_608 = arith.constant 32 : i32
      %mul3A_609 = arith.muli %add3A_579, %mul3A_608 : i32
      %add3A_610 = arith.addi %mul3A_2, %mul3A_609 : i32
      %dma_start3A_611 = arith.constant 5 : i32
      %dma_start3A_612 = arith.constant 5 : i32
      %dma_start3A_613 = arith.constant 0 : i32
      %dma_start3A_614 = arith.constant 0 : i32
      %dma_start3A_615 = tpu.memref_slice %arg9[%dma_start3A_611, %dma_start3A_613, %dma_start3A_614] : memref<10x32x128xf32, #tpu.memory_space<vmem>> -> memref<1x32x128xf32, #tpu.memory_space<vmem>>
      %dma_start3A_616 = tpu.memref_squeeze %dma_start3A_615 : memref<1x32x128xf32, #tpu.memory_space<vmem>> -> memref<32x128xf32, #tpu.memory_space<vmem>>
      %dma_start3A_617 = arith.constant 0 : i32
      %dma_start3A_618 = tpu.memref_slice %arg6[%add3A_610, %dma_start3A_617] : memref<204800x128xf32, #tpu.memory_space<hbm>> -> memref<32x128xf32, #tpu.memory_space<hbm>>
      %dma_start3A_619 = tpu.memref_slice %arg14[%dma_start3A_612] : memref<10x!tpu.dma_semaphore, #tpu.memory_space<semaphore_mem>> -> memref<1x!tpu.dma_semaphore, #tpu.memory_space<semaphore_mem>>
      %dma_start3A_620 = tpu.memref_squeeze %dma_start3A_619 : memref<1x!tpu.dma_semaphore, #tpu.memory_space<semaphore_mem>> -> memref<!tpu.dma_semaphore, #tpu.memory_space<semaphore_mem>>
      %dma_start3A_621 = arith.constant 0 : i32
      %dma_start3A_622 = tpu.memref_slice %arg6[%add3A_610, %dma_start3A_621] : memref<204800x128xf32, #tpu.memory_space<hbm>> -> memref<32x128xf32, #tpu.memory_space<hbm>>
      %dma_start3A_623 = arith.constant 0 : i32
      %dma_start3A_624 = arith.constant 0 : i32
      %dma_start3A_625 = tpu.memref_slice %arg9[%dma_start3A_611, %dma_start3A_623, %dma_start3A_624] : memref<10x32x128xf32, #tpu.memory_space<vmem>> -> memref<1x32x128xf32, #tpu.memory_space<vmem>>
      %dma_start3A_626 = tpu.memref_squeeze %dma_start3A_625 : memref<1x32x128xf32, #tpu.memory_space<vmem>> -> memref<32x128xf32, #tpu.memory_space<vmem>>
      tpu.enqueue_dma source(%dma_start3A_626 : memref<32x128xf32, #tpu.memory_space<vmem>>) target(%dma_start3A_622 : memref<32x128xf32, #tpu.memory_space<hbm>>) target_semaphore(%dma_start3A_620 : memref<!tpu.dma_semaphore, #tpu.memory_space<semaphore_mem>>)
      %mul3A_627 = arith.constant 10 : i32
      %mul3A_628 = arith.muli %add3A_321, %mul3A_627 : i32
      %add3A_629 = arith.constant 6 : i32
      %add3A_630 = arith.addi %mul3A_628, %add3A_629 : i32
      %add3A_631 = arith.constant 8 : i32
      %add3A_632 = arith.addi %add3A_630, %add3A_631 : i32
      %add3A_633 = arith.constant 1 : i32
      %add3A_634 = arith.addi %add3A_630, %add3A_633 : i32
      %lt3A_635 = arith.constant 200 : i32
      %lt3A_636 = arith.cmpi slt, %add3A_632, %lt3A_635 : i32
      %convert_element_type3A_637 = arith.extui %lt3A_636 : i1 to i32
      %cond3A_638 = arith.constant 0 : i32
      %cond3A_639 = arith.cmpi ne, %convert_element_type3A_637, %cond3A_638 : i32
      scf.if %cond3A_639 {
        %ge3A = arith.constant 10 : i32
        %ge3A_831 = arith.cmpi sge, %add3A_632, %ge3A : i32
        %convert_element_type3A_832 = arith.extui %ge3A_831 : i1 to i32
        %cond3A_833 = arith.constant 0 : i32
        %cond3A_834 = arith.cmpi ne, %convert_element_type3A_832, %cond3A_833 : i32
        scf.if %cond3A_834 {
          %sub3A = arith.constant 10 : i32
          %sub3A_849 = arith.subi %add3A_632, %sub3A : i32
          %mul3A_850 = arith.constant 32 : i32
          %mul3A_851 = arith.muli %sub3A_849, %mul3A_850 : i32
          %add3A_852 = arith.addi %mul3A_2, %mul3A_851 : i32
          %dma_wait3A_853 = arith.constant 4 : i32
          %dma_wait3A_854 = arith.constant 4 : i32
          %dma_wait3A_855 = arith.constant 0 : i32
          %dma_wait3A_856 = arith.constant 0 : i32
          %dma_wait3A_857 = tpu.memref_slice %arg9[%dma_wait3A_853, %dma_wait3A_855, %dma_wait3A_856] : memref<10x32x128xf32, #tpu.memory_space<vmem>> -> memref<1x32x128xf32, #tpu.memory_space<vmem>>
          %dma_wait3A_858 = tpu.memref_squeeze %dma_wait3A_857 : memref<1x32x128xf32, #tpu.memory_space<vmem>> -> memref<32x128xf32, #tpu.memory_space<vmem>>
          %dma_wait3A_859 = arith.constant 0 : i32
          %dma_wait3A_860 = tpu.memref_slice %arg6[%add3A_852, %dma_wait3A_859] : memref<204800x128xf32, #tpu.memory_space<hbm>> -> memref<32x128xf32, #tpu.memory_space<hbm>>
          %dma_wait3A_861 = tpu.memref_slice %arg14[%dma_wait3A_854] : memref<10x!tpu.dma_semaphore, #tpu.memory_space<semaphore_mem>> -> memref<1x!tpu.dma_semaphore, #tpu.memory_space<semaphore_mem>>
          %dma_wait3A_862 = tpu.memref_squeeze %dma_wait3A_861 : memref<1x!tpu.dma_semaphore, #tpu.memory_space<semaphore_mem>> -> memref<!tpu.dma_semaphore, #tpu.memory_space<semaphore_mem>>
          %dma_wait3A_863 = arith.constant 0 : i32
          %dma_wait3A_864 = tpu.memref_slice %arg6[%add3A_852, %dma_wait3A_863] : memref<204800x128xf32, #tpu.memory_space<hbm>> -> memref<32x128xf32, #tpu.memory_space<hbm>>
          %dma_wait3A_865 = arith.constant 0 : i32
          %dma_wait3A_866 = arith.constant 0 : i32
          %dma_wait3A_867 = tpu.memref_slice %arg9[%dma_wait3A_853, %dma_wait3A_865, %dma_wait3A_866] : memref<10x32x128xf32, #tpu.memory_space<vmem>> -> memref<1x32x128xf32, #tpu.memory_space<vmem>>
          %dma_wait3A_868 = tpu.memref_squeeze %dma_wait3A_867 : memref<1x32x128xf32, #tpu.memory_space<vmem>> -> memref<32x128xf32, #tpu.memory_space<vmem>>
          tpu.wait_dma2 semaphore(%dma_wait3A_862 : memref<!tpu.dma_semaphore, #tpu.memory_space<semaphore_mem>>) src(%dma_wait3A_868 : memref<32x128xf32, #tpu.memory_space<vmem>>) dst(%dma_wait3A_864 : memref<32x128xf32, #tpu.memory_space<hbm>>)
        } else {
        }
        %mul3A_835 = arith.constant 32 : i32
        %mul3A_836 = arith.muli %add3A_632, %mul3A_835 : i32
        %dma_start3A_837 = arith.constant 4 : i32
        %dma_start3A_838 = arith.constant 4 : i32
        %dma_start3A_839 = arith.constant 0 : i32
        %dma_start3A_840 = arith.constant 0 : i32
        %dma_start3A_841 = tpu.memref_slice %arg9[%dma_start3A_837, %dma_start3A_839, %dma_start3A_840] : memref<10x32x128xf32, #tpu.memory_space<vmem>> -> memref<1x32x128xf32, #tpu.memory_space<vmem>>
        %dma_start3A_842 = tpu.memref_squeeze %dma_start3A_841 : memref<1x32x128xf32, #tpu.memory_space<vmem>> -> memref<32x128xf32, #tpu.memory_space<vmem>>
        %dma_start3A_843 = tpu.memref_slice %arg7[%mul3A_836] : memref<6400xi32, #tpu.memory_space<vmem>> -> memref<32xi32, #tpu.memory_space<vmem>>
        %dma_start3A_844 = arith.constant 0 : i32
        %dma_start3A_845 = arith.constant 0 : i32
        %dma_start3A_846 = tpu.memref_slice %arg2[%dma_start3A_844, %dma_start3A_845] : memref<100000x128xf32, #tpu.memory_space<hbm>> -> memref<100000x128xf32, #tpu.memory_space<hbm>>
        %dma_start3A_847 = tpu.memref_slice %arg12[%dma_start3A_838] : memref<10x!tpu.dma_semaphore, #tpu.memory_space<semaphore_mem>> -> memref<1x!tpu.dma_semaphore, #tpu.memory_space<semaphore_mem>>
        %dma_start3A_848 = tpu.memref_squeeze %dma_start3A_847 : memref<1x!tpu.dma_semaphore, #tpu.memory_space<semaphore_mem>> -> memref<!tpu.dma_semaphore, #tpu.memory_space<semaphore_mem>>
        tpu.enqueue_indirect_dma source(%dma_start3A_846 : memref<100000x128xf32, #tpu.memory_space<hbm>>) target(%dma_start3A_842 : memref<32x128xf32, #tpu.memory_space<vmem>>) offsets(%dma_start3A_843 : memref<32xi32, #tpu.memory_space<vmem>>) semaphore(%dma_start3A_848 : memref<!tpu.dma_semaphore, #tpu.memory_space<semaphore_mem>>)
      } else {
      }
      %lt3A_640 = arith.constant 200 : i32
      %lt3A_641 = arith.cmpi slt, %add3A_634, %lt3A_640 : i32
      %convert_element_type3A_642 = arith.extui %lt3A_641 : i1 to i32
      %cond3A_643 = arith.constant 0 : i32
      %cond3A_644 = arith.cmpi ne, %convert_element_type3A_642, %cond3A_643 : i32
      scf.if %cond3A_644 {
        %mul3A_831 = arith.constant 32 : i32
        %mul3A_832 = arith.muli %add3A_634, %mul3A_831 : i32
        %dma_wait3A_833 = arith.constant 7 : i32
        %dma_wait3A_834 = arith.constant 7 : i32
        %dma_wait3A_835 = arith.constant 0 : i32
        %dma_wait3A_836 = arith.constant 0 : i32
        %dma_wait3A_837 = tpu.memref_slice %arg9[%dma_wait3A_833, %dma_wait3A_835, %dma_wait3A_836] : memref<10x32x128xf32, #tpu.memory_space<vmem>> -> memref<1x32x128xf32, #tpu.memory_space<vmem>>
        %dma_wait3A_838 = tpu.memref_squeeze %dma_wait3A_837 : memref<1x32x128xf32, #tpu.memory_space<vmem>> -> memref<32x128xf32, #tpu.memory_space<vmem>>
        %dma_wait3A_839 = tpu.memref_slice %arg7[%mul3A_832] : memref<6400xi32, #tpu.memory_space<vmem>> -> memref<32xi32, #tpu.memory_space<vmem>>
        %dma_wait3A_840 = arith.constant 0 : i32
        %dma_wait3A_841 = arith.constant 0 : i32
        %dma_wait3A_842 = tpu.memref_slice %arg2[%dma_wait3A_840, %dma_wait3A_841] : memref<100000x128xf32, #tpu.memory_space<hbm>> -> memref<100000x128xf32, #tpu.memory_space<hbm>>
        %dma_wait3A_843 = tpu.memref_slice %arg12[%dma_wait3A_834] : memref<10x!tpu.dma_semaphore, #tpu.memory_space<semaphore_mem>> -> memref<1x!tpu.dma_semaphore, #tpu.memory_space<semaphore_mem>>
        %dma_wait3A_844 = tpu.memref_squeeze %dma_wait3A_843 : memref<1x!tpu.dma_semaphore, #tpu.memory_space<semaphore_mem>> -> memref<!tpu.dma_semaphore, #tpu.memory_space<semaphore_mem>>
        tpu.wait_indirect_dma semaphore(%dma_wait3A_844 : memref<!tpu.dma_semaphore, #tpu.memory_space<semaphore_mem>>) src(%dma_wait3A_842 : memref<100000x128xf32, #tpu.memory_space<hbm>>) dst(%dma_wait3A_838 : memref<32x128xf32, #tpu.memory_space<vmem>>)
        %mul3A_845 = arith.constant 32 : i32
        %mul3A_846 = arith.muli %add3A_634, %mul3A_845 : i32
        %dma_start3A_847 = arith.constant 7 : i32
        %dma_start3A_848 = arith.constant 7 : i32
        %dma_start3A_849 = arith.constant 0 : i32
        %dma_start3A_850 = arith.constant 0 : i32
        %dma_start3A_851 = tpu.memref_slice %arg9[%dma_start3A_847, %dma_start3A_849, %dma_start3A_850] : memref<10x32x128xf32, #tpu.memory_space<vmem>> -> memref<1x32x128xf32, #tpu.memory_space<vmem>>
        %dma_start3A_852 = tpu.memref_squeeze %dma_start3A_851 : memref<1x32x128xf32, #tpu.memory_space<vmem>> -> memref<32x128xf32, #tpu.memory_space<vmem>>
        %dma_start3A_853 = tpu.memref_slice %arg8[%mul3A_846] : memref<6400xi32, #tpu.memory_space<vmem>> -> memref<32xi32, #tpu.memory_space<vmem>>
        %dma_start3A_854 = arith.constant 0 : i32
        %dma_start3A_855 = arith.constant 0 : i32
        %dma_start3A_856 = tpu.memref_slice %arg11[%dma_start3A_854, %dma_start3A_855] : memref<200x128xf32, #tpu.memory_space<vmem_shared>> -> memref<200x128xf32, #tpu.memory_space<vmem_shared>>
        %dma_start3A_857 = tpu.memref_slice %arg13[%dma_start3A_848] : memref<10x!tpu.dma_semaphore, #tpu.memory_space<semaphore_mem>> -> memref<1x!tpu.dma_semaphore, #tpu.memory_space<semaphore_mem>>
        %dma_start3A_858 = tpu.memref_squeeze %dma_start3A_857 : memref<1x!tpu.dma_semaphore, #tpu.memory_space<semaphore_mem>> -> memref<!tpu.dma_semaphore, #tpu.memory_space<semaphore_mem>>
        tpu.enqueue_indirect_dma source(%dma_start3A_856 : memref<200x128xf32, #tpu.memory_space<vmem_shared>>) target(%dma_start3A_852 : memref<32x128xf32, #tpu.memory_space<vmem>>) offsets(%dma_start3A_853 : memref<32xi32, #tpu.memory_space<vmem>>) semaphore(%dma_start3A_858 : memref<!tpu.dma_semaphore, #tpu.memory_space<semaphore_mem>>) {add = true}
      } else {
      }
      %mul3A_645 = arith.constant 32 : i32
      %mul3A_646 = arith.muli %add3A_630, %mul3A_645 : i32
      %dma_wait3A_647 = arith.constant 6 : i32
      %dma_wait3A_648 = arith.constant 6 : i32
      %dma_wait3A_649 = arith.constant 0 : i32
      %dma_wait3A_650 = arith.constant 0 : i32
      %dma_wait3A_651 = tpu.memref_slice %arg9[%dma_wait3A_647, %dma_wait3A_649, %dma_wait3A_650] : memref<10x32x128xf32, #tpu.memory_space<vmem>> -> memref<1x32x128xf32, #tpu.memory_space<vmem>>
      %dma_wait3A_652 = tpu.memref_squeeze %dma_wait3A_651 : memref<1x32x128xf32, #tpu.memory_space<vmem>> -> memref<32x128xf32, #tpu.memory_space<vmem>>
      %dma_wait3A_653 = tpu.memref_slice %arg8[%mul3A_646] : memref<6400xi32, #tpu.memory_space<vmem>> -> memref<32xi32, #tpu.memory_space<vmem>>
      %dma_wait3A_654 = arith.constant 0 : i32
      %dma_wait3A_655 = arith.constant 0 : i32
      %dma_wait3A_656 = tpu.memref_slice %arg11[%dma_wait3A_654, %dma_wait3A_655] : memref<200x128xf32, #tpu.memory_space<vmem_shared>> -> memref<200x128xf32, #tpu.memory_space<vmem_shared>>
      %dma_wait3A_657 = tpu.memref_slice %arg13[%dma_wait3A_648] : memref<10x!tpu.dma_semaphore, #tpu.memory_space<semaphore_mem>> -> memref<1x!tpu.dma_semaphore, #tpu.memory_space<semaphore_mem>>
      %dma_wait3A_658 = tpu.memref_squeeze %dma_wait3A_657 : memref<1x!tpu.dma_semaphore, #tpu.memory_space<semaphore_mem>> -> memref<!tpu.dma_semaphore, #tpu.memory_space<semaphore_mem>>
      tpu.wait_indirect_dma semaphore(%dma_wait3A_658 : memref<!tpu.dma_semaphore, #tpu.memory_space<semaphore_mem>>) src(%dma_wait3A_656 : memref<200x128xf32, #tpu.memory_space<vmem_shared>>) dst(%dma_wait3A_652 : memref<32x128xf32, #tpu.memory_space<vmem>>)
      %mul3A_659 = arith.constant 32 : i32
      %mul3A_660 = arith.muli %add3A_630, %mul3A_659 : i32
      %add3A_661 = arith.addi %mul3A_2, %mul3A_660 : i32
      %dma_start3A_662 = arith.constant 6 : i32
      %dma_start3A_663 = arith.constant 6 : i32
      %dma_start3A_664 = arith.constant 0 : i32
      %dma_start3A_665 = arith.constant 0 : i32
      %dma_start3A_666 = tpu.memref_slice %arg9[%dma_start3A_662, %dma_start3A_664, %dma_start3A_665] : memref<10x32x128xf32, #tpu.memory_space<vmem>> -> memref<1x32x128xf32, #tpu.memory_space<vmem>>
      %dma_start3A_667 = tpu.memref_squeeze %dma_start3A_666 : memref<1x32x128xf32, #tpu.memory_space<vmem>> -> memref<32x128xf32, #tpu.memory_space<vmem>>
      %dma_start3A_668 = arith.constant 0 : i32
      %dma_start3A_669 = tpu.memref_slice %arg6[%add3A_661, %dma_start3A_668] : memref<204800x128xf32, #tpu.memory_space<hbm>> -> memref<32x128xf32, #tpu.memory_space<hbm>>
      %dma_start3A_670 = tpu.memref_slice %arg14[%dma_start3A_663] : memref<10x!tpu.dma_semaphore, #tpu.memory_space<semaphore_mem>> -> memref<1x!tpu.dma_semaphore, #tpu.memory_space<semaphore_mem>>
      %dma_start3A_671 = tpu.memref_squeeze %dma_start3A_670 : memref<1x!tpu.dma_semaphore, #tpu.memory_space<semaphore_mem>> -> memref<!tpu.dma_semaphore, #tpu.memory_space<semaphore_mem>>
      %dma_start3A_672 = arith.constant 0 : i32
      %dma_start3A_673 = tpu.memref_slice %arg6[%add3A_661, %dma_start3A_672] : memref<204800x128xf32, #tpu.memory_space<hbm>> -> memref<32x128xf32, #tpu.memory_space<hbm>>
      %dma_start3A_674 = arith.constant 0 : i32
      %dma_start3A_675 = arith.constant 0 : i32
      %dma_start3A_676 = tpu.memref_slice %arg9[%dma_start3A_662, %dma_start3A_674, %dma_start3A_675] : memref<10x32x128xf32, #tpu.memory_space<vmem>> -> memref<1x32x128xf32, #tpu.memory_space<vmem>>
      %dma_start3A_677 = tpu.memref_squeeze %dma_start3A_676 : memref<1x32x128xf32, #tpu.memory_space<vmem>> -> memref<32x128xf32, #tpu.memory_space<vmem>>
      tpu.enqueue_dma source(%dma_start3A_677 : memref<32x128xf32, #tpu.memory_space<vmem>>) target(%dma_start3A_673 : memref<32x128xf32, #tpu.memory_space<hbm>>) target_semaphore(%dma_start3A_671 : memref<!tpu.dma_semaphore, #tpu.memory_space<semaphore_mem>>)
      %mul3A_678 = arith.constant 10 : i32
      %mul3A_679 = arith.muli %add3A_321, %mul3A_678 : i32
      %add3A_680 = arith.constant 7 : i32
      %add3A_681 = arith.addi %mul3A_679, %add3A_680 : i32
      %add3A_682 = arith.constant 8 : i32
      %add3A_683 = arith.addi %add3A_681, %add3A_682 : i32
      %add3A_684 = arith.constant 1 : i32
      %add3A_685 = arith.addi %add3A_681, %add3A_684 : i32
      %lt3A_686 = arith.constant 200 : i32
      %lt3A_687 = arith.cmpi slt, %add3A_683, %lt3A_686 : i32
      %convert_element_type3A_688 = arith.extui %lt3A_687 : i1 to i32
      %cond3A_689 = arith.constant 0 : i32
      %cond3A_690 = arith.cmpi ne, %convert_element_type3A_688, %cond3A_689 : i32
      scf.if %cond3A_690 {
        %ge3A = arith.constant 10 : i32
        %ge3A_831 = arith.cmpi sge, %add3A_683, %ge3A : i32
        %convert_element_type3A_832 = arith.extui %ge3A_831 : i1 to i32
        %cond3A_833 = arith.constant 0 : i32
        %cond3A_834 = arith.cmpi ne, %convert_element_type3A_832, %cond3A_833 : i32
        scf.if %cond3A_834 {
          %sub3A = arith.constant 10 : i32
          %sub3A_849 = arith.subi %add3A_683, %sub3A : i32
          %mul3A_850 = arith.constant 32 : i32
          %mul3A_851 = arith.muli %sub3A_849, %mul3A_850 : i32
          %add3A_852 = arith.addi %mul3A_2, %mul3A_851 : i32
          %dma_wait3A_853 = arith.constant 5 : i32
          %dma_wait3A_854 = arith.constant 5 : i32
          %dma_wait3A_855 = arith.constant 0 : i32
          %dma_wait3A_856 = arith.constant 0 : i32
          %dma_wait3A_857 = tpu.memref_slice %arg9[%dma_wait3A_853, %dma_wait3A_855, %dma_wait3A_856] : memref<10x32x128xf32, #tpu.memory_space<vmem>> -> memref<1x32x128xf32, #tpu.memory_space<vmem>>
          %dma_wait3A_858 = tpu.memref_squeeze %dma_wait3A_857 : memref<1x32x128xf32, #tpu.memory_space<vmem>> -> memref<32x128xf32, #tpu.memory_space<vmem>>
          %dma_wait3A_859 = arith.constant 0 : i32
          %dma_wait3A_860 = tpu.memref_slice %arg6[%add3A_852, %dma_wait3A_859] : memref<204800x128xf32, #tpu.memory_space<hbm>> -> memref<32x128xf32, #tpu.memory_space<hbm>>
          %dma_wait3A_861 = tpu.memref_slice %arg14[%dma_wait3A_854] : memref<10x!tpu.dma_semaphore, #tpu.memory_space<semaphore_mem>> -> memref<1x!tpu.dma_semaphore, #tpu.memory_space<semaphore_mem>>
          %dma_wait3A_862 = tpu.memref_squeeze %dma_wait3A_861 : memref<1x!tpu.dma_semaphore, #tpu.memory_space<semaphore_mem>> -> memref<!tpu.dma_semaphore, #tpu.memory_space<semaphore_mem>>
          %dma_wait3A_863 = arith.constant 0 : i32
          %dma_wait3A_864 = tpu.memref_slice %arg6[%add3A_852, %dma_wait3A_863] : memref<204800x128xf32, #tpu.memory_space<hbm>> -> memref<32x128xf32, #tpu.memory_space<hbm>>
          %dma_wait3A_865 = arith.constant 0 : i32
          %dma_wait3A_866 = arith.constant 0 : i32
          %dma_wait3A_867 = tpu.memref_slice %arg9[%dma_wait3A_853, %dma_wait3A_865, %dma_wait3A_866] : memref<10x32x128xf32, #tpu.memory_space<vmem>> -> memref<1x32x128xf32, #tpu.memory_space<vmem>>
          %dma_wait3A_868 = tpu.memref_squeeze %dma_wait3A_867 : memref<1x32x128xf32, #tpu.memory_space<vmem>> -> memref<32x128xf32, #tpu.memory_space<vmem>>
          tpu.wait_dma2 semaphore(%dma_wait3A_862 : memref<!tpu.dma_semaphore, #tpu.memory_space<semaphore_mem>>) src(%dma_wait3A_868 : memref<32x128xf32, #tpu.memory_space<vmem>>) dst(%dma_wait3A_864 : memref<32x128xf32, #tpu.memory_space<hbm>>)
        } else {
        }
        %mul3A_835 = arith.constant 32 : i32
        %mul3A_836 = arith.muli %add3A_683, %mul3A_835 : i32
        %dma_start3A_837 = arith.constant 5 : i32
        %dma_start3A_838 = arith.constant 5 : i32
        %dma_start3A_839 = arith.constant 0 : i32
        %dma_start3A_840 = arith.constant 0 : i32
        %dma_start3A_841 = tpu.memref_slice %arg9[%dma_start3A_837, %dma_start3A_839, %dma_start3A_840] : memref<10x32x128xf32, #tpu.memory_space<vmem>> -> memref<1x32x128xf32, #tpu.memory_space<vmem>>
        %dma_start3A_842 = tpu.memref_squeeze %dma_start3A_841 : memref<1x32x128xf32, #tpu.memory_space<vmem>> -> memref<32x128xf32, #tpu.memory_space<vmem>>
        %dma_start3A_843 = tpu.memref_slice %arg7[%mul3A_836] : memref<6400xi32, #tpu.memory_space<vmem>> -> memref<32xi32, #tpu.memory_space<vmem>>
        %dma_start3A_844 = arith.constant 0 : i32
        %dma_start3A_845 = arith.constant 0 : i32
        %dma_start3A_846 = tpu.memref_slice %arg2[%dma_start3A_844, %dma_start3A_845] : memref<100000x128xf32, #tpu.memory_space<hbm>> -> memref<100000x128xf32, #tpu.memory_space<hbm>>
        %dma_start3A_847 = tpu.memref_slice %arg12[%dma_start3A_838] : memref<10x!tpu.dma_semaphore, #tpu.memory_space<semaphore_mem>> -> memref<1x!tpu.dma_semaphore, #tpu.memory_space<semaphore_mem>>
        %dma_start3A_848 = tpu.memref_squeeze %dma_start3A_847 : memref<1x!tpu.dma_semaphore, #tpu.memory_space<semaphore_mem>> -> memref<!tpu.dma_semaphore, #tpu.memory_space<semaphore_mem>>
        tpu.enqueue_indirect_dma source(%dma_start3A_846 : memref<100000x128xf32, #tpu.memory_space<hbm>>) target(%dma_start3A_842 : memref<32x128xf32, #tpu.memory_space<vmem>>) offsets(%dma_start3A_843 : memref<32xi32, #tpu.memory_space<vmem>>) semaphore(%dma_start3A_848 : memref<!tpu.dma_semaphore, #tpu.memory_space<semaphore_mem>>)
      } else {
      }
      %lt3A_691 = arith.constant 200 : i32
      %lt3A_692 = arith.cmpi slt, %add3A_685, %lt3A_691 : i32
      %convert_element_type3A_693 = arith.extui %lt3A_692 : i1 to i32
      %cond3A_694 = arith.constant 0 : i32
      %cond3A_695 = arith.cmpi ne, %convert_element_type3A_693, %cond3A_694 : i32
      scf.if %cond3A_695 {
        %mul3A_831 = arith.constant 32 : i32
        %mul3A_832 = arith.muli %add3A_685, %mul3A_831 : i32
        %dma_wait3A_833 = arith.constant 8 : i32
        %dma_wait3A_834 = arith.constant 8 : i32
        %dma_wait3A_835 = arith.constant 0 : i32
        %dma_wait3A_836 = arith.constant 0 : i32
        %dma_wait3A_837 = tpu.memref_slice %arg9[%dma_wait3A_833, %dma_wait3A_835, %dma_wait3A_836] : memref<10x32x128xf32, #tpu.memory_space<vmem>> -> memref<1x32x128xf32, #tpu.memory_space<vmem>>
        %dma_wait3A_838 = tpu.memref_squeeze %dma_wait3A_837 : memref<1x32x128xf32, #tpu.memory_space<vmem>> -> memref<32x128xf32, #tpu.memory_space<vmem>>
        %dma_wait3A_839 = tpu.memref_slice %arg7[%mul3A_832] : memref<6400xi32, #tpu.memory_space<vmem>> -> memref<32xi32, #tpu.memory_space<vmem>>
        %dma_wait3A_840 = arith.constant 0 : i32
        %dma_wait3A_841 = arith.constant 0 : i32
        %dma_wait3A_842 = tpu.memref_slice %arg2[%dma_wait3A_840, %dma_wait3A_841] : memref<100000x128xf32, #tpu.memory_space<hbm>> -> memref<100000x128xf32, #tpu.memory_space<hbm>>
        %dma_wait3A_843 = tpu.memref_slice %arg12[%dma_wait3A_834] : memref<10x!tpu.dma_semaphore, #tpu.memory_space<semaphore_mem>> -> memref<1x!tpu.dma_semaphore, #tpu.memory_space<semaphore_mem>>
        %dma_wait3A_844 = tpu.memref_squeeze %dma_wait3A_843 : memref<1x!tpu.dma_semaphore, #tpu.memory_space<semaphore_mem>> -> memref<!tpu.dma_semaphore, #tpu.memory_space<semaphore_mem>>
        tpu.wait_indirect_dma semaphore(%dma_wait3A_844 : memref<!tpu.dma_semaphore, #tpu.memory_space<semaphore_mem>>) src(%dma_wait3A_842 : memref<100000x128xf32, #tpu.memory_space<hbm>>) dst(%dma_wait3A_838 : memref<32x128xf32, #tpu.memory_space<vmem>>)
        %mul3A_845 = arith.constant 32 : i32
        %mul3A_846 = arith.muli %add3A_685, %mul3A_845 : i32
        %dma_start3A_847 = arith.constant 8 : i32
        %dma_start3A_848 = arith.constant 8 : i32
        %dma_start3A_849 = arith.constant 0 : i32
        %dma_start3A_850 = arith.constant 0 : i32
        %dma_start3A_851 = tpu.memref_slice %arg9[%dma_start3A_847, %dma_start3A_849, %dma_start3A_850] : memref<10x32x128xf32, #tpu.memory_space<vmem>> -> memref<1x32x128xf32, #tpu.memory_space<vmem>>
        %dma_start3A_852 = tpu.memref_squeeze %dma_start3A_851 : memref<1x32x128xf32, #tpu.memory_space<vmem>> -> memref<32x128xf32, #tpu.memory_space<vmem>>
        %dma_start3A_853 = tpu.memref_slice %arg8[%mul3A_846] : memref<6400xi32, #tpu.memory_space<vmem>> -> memref<32xi32, #tpu.memory_space<vmem>>
        %dma_start3A_854 = arith.constant 0 : i32
        %dma_start3A_855 = arith.constant 0 : i32
        %dma_start3A_856 = tpu.memref_slice %arg11[%dma_start3A_854, %dma_start3A_855] : memref<200x128xf32, #tpu.memory_space<vmem_shared>> -> memref<200x128xf32, #tpu.memory_space<vmem_shared>>
        %dma_start3A_857 = tpu.memref_slice %arg13[%dma_start3A_848] : memref<10x!tpu.dma_semaphore, #tpu.memory_space<semaphore_mem>> -> memref<1x!tpu.dma_semaphore, #tpu.memory_space<semaphore_mem>>
        %dma_start3A_858 = tpu.memref_squeeze %dma_start3A_857 : memref<1x!tpu.dma_semaphore, #tpu.memory_space<semaphore_mem>> -> memref<!tpu.dma_semaphore, #tpu.memory_space<semaphore_mem>>
        tpu.enqueue_indirect_dma source(%dma_start3A_856 : memref<200x128xf32, #tpu.memory_space<vmem_shared>>) target(%dma_start3A_852 : memref<32x128xf32, #tpu.memory_space<vmem>>) offsets(%dma_start3A_853 : memref<32xi32, #tpu.memory_space<vmem>>) semaphore(%dma_start3A_858 : memref<!tpu.dma_semaphore, #tpu.memory_space<semaphore_mem>>) {add = true}
      } else {
      }
      %mul3A_696 = arith.constant 32 : i32
      %mul3A_697 = arith.muli %add3A_681, %mul3A_696 : i32
      %dma_wait3A_698 = arith.constant 7 : i32
      %dma_wait3A_699 = arith.constant 7 : i32
      %dma_wait3A_700 = arith.constant 0 : i32
      %dma_wait3A_701 = arith.constant 0 : i32
      %dma_wait3A_702 = tpu.memref_slice %arg9[%dma_wait3A_698, %dma_wait3A_700, %dma_wait3A_701] : memref<10x32x128xf32, #tpu.memory_space<vmem>> -> memref<1x32x128xf32, #tpu.memory_space<vmem>>
      %dma_wait3A_703 = tpu.memref_squeeze %dma_wait3A_702 : memref<1x32x128xf32, #tpu.memory_space<vmem>> -> memref<32x128xf32, #tpu.memory_space<vmem>>
      %dma_wait3A_704 = tpu.memref_slice %arg8[%mul3A_697] : memref<6400xi32, #tpu.memory_space<vmem>> -> memref<32xi32, #tpu.memory_space<vmem>>
      %dma_wait3A_705 = arith.constant 0 : i32
      %dma_wait3A_706 = arith.constant 0 : i32
      %dma_wait3A_707 = tpu.memref_slice %arg11[%dma_wait3A_705, %dma_wait3A_706] : memref<200x128xf32, #tpu.memory_space<vmem_shared>> -> memref<200x128xf32, #tpu.memory_space<vmem_shared>>
      %dma_wait3A_708 = tpu.memref_slice %arg13[%dma_wait3A_699] : memref<10x!tpu.dma_semaphore, #tpu.memory_space<semaphore_mem>> -> memref<1x!tpu.dma_semaphore, #tpu.memory_space<semaphore_mem>>
      %dma_wait3A_709 = tpu.memref_squeeze %dma_wait3A_708 : memref<1x!tpu.dma_semaphore, #tpu.memory_space<semaphore_mem>> -> memref<!tpu.dma_semaphore, #tpu.memory_space<semaphore_mem>>
      tpu.wait_indirect_dma semaphore(%dma_wait3A_709 : memref<!tpu.dma_semaphore, #tpu.memory_space<semaphore_mem>>) src(%dma_wait3A_707 : memref<200x128xf32, #tpu.memory_space<vmem_shared>>) dst(%dma_wait3A_703 : memref<32x128xf32, #tpu.memory_space<vmem>>)
      %mul3A_710 = arith.constant 32 : i32
      %mul3A_711 = arith.muli %add3A_681, %mul3A_710 : i32
      %add3A_712 = arith.addi %mul3A_2, %mul3A_711 : i32
      %dma_start3A_713 = arith.constant 7 : i32
      %dma_start3A_714 = arith.constant 7 : i32
      %dma_start3A_715 = arith.constant 0 : i32
      %dma_start3A_716 = arith.constant 0 : i32
      %dma_start3A_717 = tpu.memref_slice %arg9[%dma_start3A_713, %dma_start3A_715, %dma_start3A_716] : memref<10x32x128xf32, #tpu.memory_space<vmem>> -> memref<1x32x128xf32, #tpu.memory_space<vmem>>
      %dma_start3A_718 = tpu.memref_squeeze %dma_start3A_717 : memref<1x32x128xf32, #tpu.memory_space<vmem>> -> memref<32x128xf32, #tpu.memory_space<vmem>>
      %dma_start3A_719 = arith.constant 0 : i32
      %dma_start3A_720 = tpu.memref_slice %arg6[%add3A_712, %dma_start3A_719] : memref<204800x128xf32, #tpu.memory_space<hbm>> -> memref<32x128xf32, #tpu.memory_space<hbm>>
      %dma_start3A_721 = tpu.memref_slice %arg14[%dma_start3A_714] : memref<10x!tpu.dma_semaphore, #tpu.memory_space<semaphore_mem>> -> memref<1x!tpu.dma_semaphore, #tpu.memory_space<semaphore_mem>>
      %dma_start3A_722 = tpu.memref_squeeze %dma_start3A_721 : memref<1x!tpu.dma_semaphore, #tpu.memory_space<semaphore_mem>> -> memref<!tpu.dma_semaphore, #tpu.memory_space<semaphore_mem>>
      %dma_start3A_723 = arith.constant 0 : i32
      %dma_start3A_724 = tpu.memref_slice %arg6[%add3A_712, %dma_start3A_723] : memref<204800x128xf32, #tpu.memory_space<hbm>> -> memref<32x128xf32, #tpu.memory_space<hbm>>
      %dma_start3A_725 = arith.constant 0 : i32
      %dma_start3A_726 = arith.constant 0 : i32
      %dma_start3A_727 = tpu.memref_slice %arg9[%dma_start3A_713, %dma_start3A_725, %dma_start3A_726] : memref<10x32x128xf32, #tpu.memory_space<vmem>> -> memref<1x32x128xf32, #tpu.memory_space<vmem>>
      %dma_start3A_728 = tpu.memref_squeeze %dma_start3A_727 : memref<1x32x128xf32, #tpu.memory_space<vmem>> -> memref<32x128xf32, #tpu.memory_space<vmem>>
      tpu.enqueue_dma source(%dma_start3A_728 : memref<32x128xf32, #tpu.memory_space<vmem>>) target(%dma_start3A_724 : memref<32x128xf32, #tpu.memory_space<hbm>>) target_semaphore(%dma_start3A_722 : memref<!tpu.dma_semaphore, #tpu.memory_space<semaphore_mem>>)
      %mul3A_729 = arith.constant 10 : i32
      %mul3A_730 = arith.muli %add3A_321, %mul3A_729 : i32
      %add3A_731 = arith.constant 8 : i32
      %add3A_732 = arith.addi %mul3A_730, %add3A_731 : i32
      %add3A_733 = arith.constant 8 : i32
      %add3A_734 = arith.addi %add3A_732, %add3A_733 : i32
      %add3A_735 = arith.constant 1 : i32
      %add3A_736 = arith.addi %add3A_732, %add3A_735 : i32
      %lt3A_737 = arith.constant 200 : i32
      %lt3A_738 = arith.cmpi slt, %add3A_734, %lt3A_737 : i32
      %convert_element_type3A_739 = arith.extui %lt3A_738 : i1 to i32
      %cond3A_740 = arith.constant 0 : i32
      %cond3A_741 = arith.cmpi ne, %convert_element_type3A_739, %cond3A_740 : i32
      scf.if %cond3A_741 {
        %ge3A = arith.constant 10 : i32
        %ge3A_831 = arith.cmpi sge, %add3A_734, %ge3A : i32
        %convert_element_type3A_832 = arith.extui %ge3A_831 : i1 to i32
        %cond3A_833 = arith.constant 0 : i32
        %cond3A_834 = arith.cmpi ne, %convert_element_type3A_832, %cond3A_833 : i32
        scf.if %cond3A_834 {
          %sub3A = arith.constant 10 : i32
          %sub3A_849 = arith.subi %add3A_734, %sub3A : i32
          %mul3A_850 = arith.constant 32 : i32
          %mul3A_851 = arith.muli %sub3A_849, %mul3A_850 : i32
          %add3A_852 = arith.addi %mul3A_2, %mul3A_851 : i32
          %dma_wait3A_853 = arith.constant 6 : i32
          %dma_wait3A_854 = arith.constant 6 : i32
          %dma_wait3A_855 = arith.constant 0 : i32
          %dma_wait3A_856 = arith.constant 0 : i32
          %dma_wait3A_857 = tpu.memref_slice %arg9[%dma_wait3A_853, %dma_wait3A_855, %dma_wait3A_856] : memref<10x32x128xf32, #tpu.memory_space<vmem>> -> memref<1x32x128xf32, #tpu.memory_space<vmem>>
          %dma_wait3A_858 = tpu.memref_squeeze %dma_wait3A_857 : memref<1x32x128xf32, #tpu.memory_space<vmem>> -> memref<32x128xf32, #tpu.memory_space<vmem>>
          %dma_wait3A_859 = arith.constant 0 : i32
          %dma_wait3A_860 = tpu.memref_slice %arg6[%add3A_852, %dma_wait3A_859] : memref<204800x128xf32, #tpu.memory_space<hbm>> -> memref<32x128xf32, #tpu.memory_space<hbm>>
          %dma_wait3A_861 = tpu.memref_slice %arg14[%dma_wait3A_854] : memref<10x!tpu.dma_semaphore, #tpu.memory_space<semaphore_mem>> -> memref<1x!tpu.dma_semaphore, #tpu.memory_space<semaphore_mem>>
          %dma_wait3A_862 = tpu.memref_squeeze %dma_wait3A_861 : memref<1x!tpu.dma_semaphore, #tpu.memory_space<semaphore_mem>> -> memref<!tpu.dma_semaphore, #tpu.memory_space<semaphore_mem>>
          %dma_wait3A_863 = arith.constant 0 : i32
          %dma_wait3A_864 = tpu.memref_slice %arg6[%add3A_852, %dma_wait3A_863] : memref<204800x128xf32, #tpu.memory_space<hbm>> -> memref<32x128xf32, #tpu.memory_space<hbm>>
          %dma_wait3A_865 = arith.constant 0 : i32
          %dma_wait3A_866 = arith.constant 0 : i32
          %dma_wait3A_867 = tpu.memref_slice %arg9[%dma_wait3A_853, %dma_wait3A_865, %dma_wait3A_866] : memref<10x32x128xf32, #tpu.memory_space<vmem>> -> memref<1x32x128xf32, #tpu.memory_space<vmem>>
          %dma_wait3A_868 = tpu.memref_squeeze %dma_wait3A_867 : memref<1x32x128xf32, #tpu.memory_space<vmem>> -> memref<32x128xf32, #tpu.memory_space<vmem>>
          tpu.wait_dma2 semaphore(%dma_wait3A_862 : memref<!tpu.dma_semaphore, #tpu.memory_space<semaphore_mem>>) src(%dma_wait3A_868 : memref<32x128xf32, #tpu.memory_space<vmem>>) dst(%dma_wait3A_864 : memref<32x128xf32, #tpu.memory_space<hbm>>)
        } else {
        }
        %mul3A_835 = arith.constant 32 : i32
        %mul3A_836 = arith.muli %add3A_734, %mul3A_835 : i32
        %dma_start3A_837 = arith.constant 6 : i32
        %dma_start3A_838 = arith.constant 6 : i32
        %dma_start3A_839 = arith.constant 0 : i32
        %dma_start3A_840 = arith.constant 0 : i32
        %dma_start3A_841 = tpu.memref_slice %arg9[%dma_start3A_837, %dma_start3A_839, %dma_start3A_840] : memref<10x32x128xf32, #tpu.memory_space<vmem>> -> memref<1x32x128xf32, #tpu.memory_space<vmem>>
        %dma_start3A_842 = tpu.memref_squeeze %dma_start3A_841 : memref<1x32x128xf32, #tpu.memory_space<vmem>> -> memref<32x128xf32, #tpu.memory_space<vmem>>
        %dma_start3A_843 = tpu.memref_slice %arg7[%mul3A_836] : memref<6400xi32, #tpu.memory_space<vmem>> -> memref<32xi32, #tpu.memory_space<vmem>>
        %dma_start3A_844 = arith.constant 0 : i32
        %dma_start3A_845 = arith.constant 0 : i32
        %dma_start3A_846 = tpu.memref_slice %arg2[%dma_start3A_844, %dma_start3A_845] : memref<100000x128xf32, #tpu.memory_space<hbm>> -> memref<100000x128xf32, #tpu.memory_space<hbm>>
        %dma_start3A_847 = tpu.memref_slice %arg12[%dma_start3A_838] : memref<10x!tpu.dma_semaphore, #tpu.memory_space<semaphore_mem>> -> memref<1x!tpu.dma_semaphore, #tpu.memory_space<semaphore_mem>>
        %dma_start3A_848 = tpu.memref_squeeze %dma_start3A_847 : memref<1x!tpu.dma_semaphore, #tpu.memory_space<semaphore_mem>> -> memref<!tpu.dma_semaphore, #tpu.memory_space<semaphore_mem>>
        tpu.enqueue_indirect_dma source(%dma_start3A_846 : memref<100000x128xf32, #tpu.memory_space<hbm>>) target(%dma_start3A_842 : memref<32x128xf32, #tpu.memory_space<vmem>>) offsets(%dma_start3A_843 : memref<32xi32, #tpu.memory_space<vmem>>) semaphore(%dma_start3A_848 : memref<!tpu.dma_semaphore, #tpu.memory_space<semaphore_mem>>)
      } else {
      }
      %lt3A_742 = arith.constant 200 : i32
      %lt3A_743 = arith.cmpi slt, %add3A_736, %lt3A_742 : i32
      %convert_element_type3A_744 = arith.extui %lt3A_743 : i1 to i32
      %cond3A_745 = arith.constant 0 : i32
      %cond3A_746 = arith.cmpi ne, %convert_element_type3A_744, %cond3A_745 : i32
      scf.if %cond3A_746 {
        %mul3A_831 = arith.constant 32 : i32
        %mul3A_832 = arith.muli %add3A_736, %mul3A_831 : i32
        %dma_wait3A_833 = arith.constant 9 : i32
        %dma_wait3A_834 = arith.constant 9 : i32
        %dma_wait3A_835 = arith.constant 0 : i32
        %dma_wait3A_836 = arith.constant 0 : i32
        %dma_wait3A_837 = tpu.memref_slice %arg9[%dma_wait3A_833, %dma_wait3A_835, %dma_wait3A_836] : memref<10x32x128xf32, #tpu.memory_space<vmem>> -> memref<1x32x128xf32, #tpu.memory_space<vmem>>
        %dma_wait3A_838 = tpu.memref_squeeze %dma_wait3A_837 : memref<1x32x128xf32, #tpu.memory_space<vmem>> -> memref<32x128xf32, #tpu.memory_space<vmem>>
        %dma_wait3A_839 = tpu.memref_slice %arg7[%mul3A_832] : memref<6400xi32, #tpu.memory_space<vmem>> -> memref<32xi32, #tpu.memory_space<vmem>>
        %dma_wait3A_840 = arith.constant 0 : i32
        %dma_wait3A_841 = arith.constant 0 : i32
        %dma_wait3A_842 = tpu.memref_slice %arg2[%dma_wait3A_840, %dma_wait3A_841] : memref<100000x128xf32, #tpu.memory_space<hbm>> -> memref<100000x128xf32, #tpu.memory_space<hbm>>
        %dma_wait3A_843 = tpu.memref_slice %arg12[%dma_wait3A_834] : memref<10x!tpu.dma_semaphore, #tpu.memory_space<semaphore_mem>> -> memref<1x!tpu.dma_semaphore, #tpu.memory_space<semaphore_mem>>
        %dma_wait3A_844 = tpu.memref_squeeze %dma_wait3A_843 : memref<1x!tpu.dma_semaphore, #tpu.memory_space<semaphore_mem>> -> memref<!tpu.dma_semaphore, #tpu.memory_space<semaphore_mem>>
        tpu.wait_indirect_dma semaphore(%dma_wait3A_844 : memref<!tpu.dma_semaphore, #tpu.memory_space<semaphore_mem>>) src(%dma_wait3A_842 : memref<100000x128xf32, #tpu.memory_space<hbm>>) dst(%dma_wait3A_838 : memref<32x128xf32, #tpu.memory_space<vmem>>)
        %mul3A_845 = arith.constant 32 : i32
        %mul3A_846 = arith.muli %add3A_736, %mul3A_845 : i32
        %dma_start3A_847 = arith.constant 9 : i32
        %dma_start3A_848 = arith.constant 9 : i32
        %dma_start3A_849 = arith.constant 0 : i32
        %dma_start3A_850 = arith.constant 0 : i32
        %dma_start3A_851 = tpu.memref_slice %arg9[%dma_start3A_847, %dma_start3A_849, %dma_start3A_850] : memref<10x32x128xf32, #tpu.memory_space<vmem>> -> memref<1x32x128xf32, #tpu.memory_space<vmem>>
        %dma_start3A_852 = tpu.memref_squeeze %dma_start3A_851 : memref<1x32x128xf32, #tpu.memory_space<vmem>> -> memref<32x128xf32, #tpu.memory_space<vmem>>
        %dma_start3A_853 = tpu.memref_slice %arg8[%mul3A_846] : memref<6400xi32, #tpu.memory_space<vmem>> -> memref<32xi32, #tpu.memory_space<vmem>>
        %dma_start3A_854 = arith.constant 0 : i32
        %dma_start3A_855 = arith.constant 0 : i32
        %dma_start3A_856 = tpu.memref_slice %arg11[%dma_start3A_854, %dma_start3A_855] : memref<200x128xf32, #tpu.memory_space<vmem_shared>> -> memref<200x128xf32, #tpu.memory_space<vmem_shared>>
        %dma_start3A_857 = tpu.memref_slice %arg13[%dma_start3A_848] : memref<10x!tpu.dma_semaphore, #tpu.memory_space<semaphore_mem>> -> memref<1x!tpu.dma_semaphore, #tpu.memory_space<semaphore_mem>>
        %dma_start3A_858 = tpu.memref_squeeze %dma_start3A_857 : memref<1x!tpu.dma_semaphore, #tpu.memory_space<semaphore_mem>> -> memref<!tpu.dma_semaphore, #tpu.memory_space<semaphore_mem>>
        tpu.enqueue_indirect_dma source(%dma_start3A_856 : memref<200x128xf32, #tpu.memory_space<vmem_shared>>) target(%dma_start3A_852 : memref<32x128xf32, #tpu.memory_space<vmem>>) offsets(%dma_start3A_853 : memref<32xi32, #tpu.memory_space<vmem>>) semaphore(%dma_start3A_858 : memref<!tpu.dma_semaphore, #tpu.memory_space<semaphore_mem>>) {add = true}
      } else {
      }
      %mul3A_747 = arith.constant 32 : i32
      %mul3A_748 = arith.muli %add3A_732, %mul3A_747 : i32
      %dma_wait3A_749 = arith.constant 8 : i32
      %dma_wait3A_750 = arith.constant 8 : i32
      %dma_wait3A_751 = arith.constant 0 : i32
      %dma_wait3A_752 = arith.constant 0 : i32
      %dma_wait3A_753 = tpu.memref_slice %arg9[%dma_wait3A_749, %dma_wait3A_751, %dma_wait3A_752] : memref<10x32x128xf32, #tpu.memory_space<vmem>> -> memref<1x32x128xf32, #tpu.memory_space<vmem>>
      %dma_wait3A_754 = tpu.memref_squeeze %dma_wait3A_753 : memref<1x32x128xf32, #tpu.memory_space<vmem>> -> memref<32x128xf32, #tpu.memory_space<vmem>>
      %dma_wait3A_755 = tpu.memref_slice %arg8[%mul3A_748] : memref<6400xi32, #tpu.memory_space<vmem>> -> memref<32xi32, #tpu.memory_space<vmem>>
      %dma_wait3A_756 = arith.constant 0 : i32
      %dma_wait3A_757 = arith.constant 0 : i32
      %dma_wait3A_758 = tpu.memref_slice %arg11[%dma_wait3A_756, %dma_wait3A_757] : memref<200x128xf32, #tpu.memory_space<vmem_shared>> -> memref<200x128xf32, #tpu.memory_space<vmem_shared>>
      %dma_wait3A_759 = tpu.memref_slice %arg13[%dma_wait3A_750] : memref<10x!tpu.dma_semaphore, #tpu.memory_space<semaphore_mem>> -> memref<1x!tpu.dma_semaphore, #tpu.memory_space<semaphore_mem>>
      %dma_wait3A_760 = tpu.memref_squeeze %dma_wait3A_759 : memref<1x!tpu.dma_semaphore, #tpu.memory_space<semaphore_mem>> -> memref<!tpu.dma_semaphore, #tpu.memory_space<semaphore_mem>>
      tpu.wait_indirect_dma semaphore(%dma_wait3A_760 : memref<!tpu.dma_semaphore, #tpu.memory_space<semaphore_mem>>) src(%dma_wait3A_758 : memref<200x128xf32, #tpu.memory_space<vmem_shared>>) dst(%dma_wait3A_754 : memref<32x128xf32, #tpu.memory_space<vmem>>)
      %mul3A_761 = arith.constant 32 : i32
      %mul3A_762 = arith.muli %add3A_732, %mul3A_761 : i32
      %add3A_763 = arith.addi %mul3A_2, %mul3A_762 : i32
      %dma_start3A_764 = arith.constant 8 : i32
      %dma_start3A_765 = arith.constant 8 : i32
      %dma_start3A_766 = arith.constant 0 : i32
      %dma_start3A_767 = arith.constant 0 : i32
      %dma_start3A_768 = tpu.memref_slice %arg9[%dma_start3A_764, %dma_start3A_766, %dma_start3A_767] : memref<10x32x128xf32, #tpu.memory_space<vmem>> -> memref<1x32x128xf32, #tpu.memory_space<vmem>>
      %dma_start3A_769 = tpu.memref_squeeze %dma_start3A_768 : memref<1x32x128xf32, #tpu.memory_space<vmem>> -> memref<32x128xf32, #tpu.memory_space<vmem>>
      %dma_start3A_770 = arith.constant 0 : i32
      %dma_start3A_771 = tpu.memref_slice %arg6[%add3A_763, %dma_start3A_770] : memref<204800x128xf32, #tpu.memory_space<hbm>> -> memref<32x128xf32, #tpu.memory_space<hbm>>
      %dma_start3A_772 = tpu.memref_slice %arg14[%dma_start3A_765] : memref<10x!tpu.dma_semaphore, #tpu.memory_space<semaphore_mem>> -> memref<1x!tpu.dma_semaphore, #tpu.memory_space<semaphore_mem>>
      %dma_start3A_773 = tpu.memref_squeeze %dma_start3A_772 : memref<1x!tpu.dma_semaphore, #tpu.memory_space<semaphore_mem>> -> memref<!tpu.dma_semaphore, #tpu.memory_space<semaphore_mem>>
      %dma_start3A_774 = arith.constant 0 : i32
      %dma_start3A_775 = tpu.memref_slice %arg6[%add3A_763, %dma_start3A_774] : memref<204800x128xf32, #tpu.memory_space<hbm>> -> memref<32x128xf32, #tpu.memory_space<hbm>>
      %dma_start3A_776 = arith.constant 0 : i32
      %dma_start3A_777 = arith.constant 0 : i32
      %dma_start3A_778 = tpu.memref_slice %arg9[%dma_start3A_764, %dma_start3A_776, %dma_start3A_777] : memref<10x32x128xf32, #tpu.memory_space<vmem>> -> memref<1x32x128xf32, #tpu.memory_space<vmem>>
      %dma_start3A_779 = tpu.memref_squeeze %dma_start3A_778 : memref<1x32x128xf32, #tpu.memory_space<vmem>> -> memref<32x128xf32, #tpu.memory_space<vmem>>
      tpu.enqueue_dma source(%dma_start3A_779 : memref<32x128xf32, #tpu.memory_space<vmem>>) target(%dma_start3A_775 : memref<32x128xf32, #tpu.memory_space<hbm>>) target_semaphore(%dma_start3A_773 : memref<!tpu.dma_semaphore, #tpu.memory_space<semaphore_mem>>)
      %mul3A_780 = arith.constant 10 : i32
      %mul3A_781 = arith.muli %add3A_321, %mul3A_780 : i32
      %add3A_782 = arith.constant 9 : i32
      %add3A_783 = arith.addi %mul3A_781, %add3A_782 : i32
      %add3A_784 = arith.constant 8 : i32
      %add3A_785 = arith.addi %add3A_783, %add3A_784 : i32
      %add3A_786 = arith.constant 1 : i32
      %add3A_787 = arith.addi %add3A_783, %add3A_786 : i32
      %lt3A_788 = arith.constant 200 : i32
      %lt3A_789 = arith.cmpi slt, %add3A_785, %lt3A_788 : i32
      %convert_element_type3A_790 = arith.extui %lt3A_789 : i1 to i32
      %cond3A_791 = arith.constant 0 : i32
      %cond3A_792 = arith.cmpi ne, %convert_element_type3A_790, %cond3A_791 : i32
      scf.if %cond3A_792 {
        %ge3A = arith.constant 10 : i32
        %ge3A_831 = arith.cmpi sge, %add3A_785, %ge3A : i32
        %convert_element_type3A_832 = arith.extui %ge3A_831 : i1 to i32
        %cond3A_833 = arith.constant 0 : i32
        %cond3A_834 = arith.cmpi ne, %convert_element_type3A_832, %cond3A_833 : i32
        scf.if %cond3A_834 {
          %sub3A = arith.constant 10 : i32
          %sub3A_849 = arith.subi %add3A_785, %sub3A : i32
          %mul3A_850 = arith.constant 32 : i32
          %mul3A_851 = arith.muli %sub3A_849, %mul3A_850 : i32
          %add3A_852 = arith.addi %mul3A_2, %mul3A_851 : i32
          %dma_wait3A_853 = arith.constant 7 : i32
          %dma_wait3A_854 = arith.constant 7 : i32
          %dma_wait3A_855 = arith.constant 0 : i32
          %dma_wait3A_856 = arith.constant 0 : i32
          %dma_wait3A_857 = tpu.memref_slice %arg9[%dma_wait3A_853, %dma_wait3A_855, %dma_wait3A_856] : memref<10x32x128xf32, #tpu.memory_space<vmem>> -> memref<1x32x128xf32, #tpu.memory_space<vmem>>
          %dma_wait3A_858 = tpu.memref_squeeze %dma_wait3A_857 : memref<1x32x128xf32, #tpu.memory_space<vmem>> -> memref<32x128xf32, #tpu.memory_space<vmem>>
          %dma_wait3A_859 = arith.constant 0 : i32
          %dma_wait3A_860 = tpu.memref_slice %arg6[%add3A_852, %dma_wait3A_859] : memref<204800x128xf32, #tpu.memory_space<hbm>> -> memref<32x128xf32, #tpu.memory_space<hbm>>
          %dma_wait3A_861 = tpu.memref_slice %arg14[%dma_wait3A_854] : memref<10x!tpu.dma_semaphore, #tpu.memory_space<semaphore_mem>> -> memref<1x!tpu.dma_semaphore, #tpu.memory_space<semaphore_mem>>
          %dma_wait3A_862 = tpu.memref_squeeze %dma_wait3A_861 : memref<1x!tpu.dma_semaphore, #tpu.memory_space<semaphore_mem>> -> memref<!tpu.dma_semaphore, #tpu.memory_space<semaphore_mem>>
          %dma_wait3A_863 = arith.constant 0 : i32
          %dma_wait3A_864 = tpu.memref_slice %arg6[%add3A_852, %dma_wait3A_863] : memref<204800x128xf32, #tpu.memory_space<hbm>> -> memref<32x128xf32, #tpu.memory_space<hbm>>
          %dma_wait3A_865 = arith.constant 0 : i32
          %dma_wait3A_866 = arith.constant 0 : i32
          %dma_wait3A_867 = tpu.memref_slice %arg9[%dma_wait3A_853, %dma_wait3A_865, %dma_wait3A_866] : memref<10x32x128xf32, #tpu.memory_space<vmem>> -> memref<1x32x128xf32, #tpu.memory_space<vmem>>
          %dma_wait3A_868 = tpu.memref_squeeze %dma_wait3A_867 : memref<1x32x128xf32, #tpu.memory_space<vmem>> -> memref<32x128xf32, #tpu.memory_space<vmem>>
          tpu.wait_dma2 semaphore(%dma_wait3A_862 : memref<!tpu.dma_semaphore, #tpu.memory_space<semaphore_mem>>) src(%dma_wait3A_868 : memref<32x128xf32, #tpu.memory_space<vmem>>) dst(%dma_wait3A_864 : memref<32x128xf32, #tpu.memory_space<hbm>>)
        } else {
        }
        %mul3A_835 = arith.constant 32 : i32
        %mul3A_836 = arith.muli %add3A_785, %mul3A_835 : i32
        %dma_start3A_837 = arith.constant 7 : i32
        %dma_start3A_838 = arith.constant 7 : i32
        %dma_start3A_839 = arith.constant 0 : i32
        %dma_start3A_840 = arith.constant 0 : i32
        %dma_start3A_841 = tpu.memref_slice %arg9[%dma_start3A_837, %dma_start3A_839, %dma_start3A_840] : memref<10x32x128xf32, #tpu.memory_space<vmem>> -> memref<1x32x128xf32, #tpu.memory_space<vmem>>
        %dma_start3A_842 = tpu.memref_squeeze %dma_start3A_841 : memref<1x32x128xf32, #tpu.memory_space<vmem>> -> memref<32x128xf32, #tpu.memory_space<vmem>>
        %dma_start3A_843 = tpu.memref_slice %arg7[%mul3A_836] : memref<6400xi32, #tpu.memory_space<vmem>> -> memref<32xi32, #tpu.memory_space<vmem>>
        %dma_start3A_844 = arith.constant 0 : i32
        %dma_start3A_845 = arith.constant 0 : i32
        %dma_start3A_846 = tpu.memref_slice %arg2[%dma_start3A_844, %dma_start3A_845] : memref<100000x128xf32, #tpu.memory_space<hbm>> -> memref<100000x128xf32, #tpu.memory_space<hbm>>
        %dma_start3A_847 = tpu.memref_slice %arg12[%dma_start3A_838] : memref<10x!tpu.dma_semaphore, #tpu.memory_space<semaphore_mem>> -> memref<1x!tpu.dma_semaphore, #tpu.memory_space<semaphore_mem>>
        %dma_start3A_848 = tpu.memref_squeeze %dma_start3A_847 : memref<1x!tpu.dma_semaphore, #tpu.memory_space<semaphore_mem>> -> memref<!tpu.dma_semaphore, #tpu.memory_space<semaphore_mem>>
        tpu.enqueue_indirect_dma source(%dma_start3A_846 : memref<100000x128xf32, #tpu.memory_space<hbm>>) target(%dma_start3A_842 : memref<32x128xf32, #tpu.memory_space<vmem>>) offsets(%dma_start3A_843 : memref<32xi32, #tpu.memory_space<vmem>>) semaphore(%dma_start3A_848 : memref<!tpu.dma_semaphore, #tpu.memory_space<semaphore_mem>>)
      } else {
      }
      %lt3A_793 = arith.constant 200 : i32
      %lt3A_794 = arith.cmpi slt, %add3A_787, %lt3A_793 : i32
      %convert_element_type3A_795 = arith.extui %lt3A_794 : i1 to i32
      %cond3A_796 = arith.constant 0 : i32
      %cond3A_797 = arith.cmpi ne, %convert_element_type3A_795, %cond3A_796 : i32
      scf.if %cond3A_797 {
        %mul3A_831 = arith.constant 32 : i32
        %mul3A_832 = arith.muli %add3A_787, %mul3A_831 : i32
        %dma_wait3A_833 = arith.constant 0 : i32
        %dma_wait3A_834 = arith.constant 0 : i32
        %dma_wait3A_835 = arith.constant 0 : i32
        %dma_wait3A_836 = arith.constant 0 : i32
        %dma_wait3A_837 = tpu.memref_slice %arg9[%dma_wait3A_833, %dma_wait3A_835, %dma_wait3A_836] : memref<10x32x128xf32, #tpu.memory_space<vmem>> -> memref<1x32x128xf32, #tpu.memory_space<vmem>>
        %dma_wait3A_838 = tpu.memref_squeeze %dma_wait3A_837 : memref<1x32x128xf32, #tpu.memory_space<vmem>> -> memref<32x128xf32, #tpu.memory_space<vmem>>
        %dma_wait3A_839 = tpu.memref_slice %arg7[%mul3A_832] : memref<6400xi32, #tpu.memory_space<vmem>> -> memref<32xi32, #tpu.memory_space<vmem>>
        %dma_wait3A_840 = arith.constant 0 : i32
        %dma_wait3A_841 = arith.constant 0 : i32
        %dma_wait3A_842 = tpu.memref_slice %arg2[%dma_wait3A_840, %dma_wait3A_841] : memref<100000x128xf32, #tpu.memory_space<hbm>> -> memref<100000x128xf32, #tpu.memory_space<hbm>>
        %dma_wait3A_843 = tpu.memref_slice %arg12[%dma_wait3A_834] : memref<10x!tpu.dma_semaphore, #tpu.memory_space<semaphore_mem>> -> memref<1x!tpu.dma_semaphore, #tpu.memory_space<semaphore_mem>>
        %dma_wait3A_844 = tpu.memref_squeeze %dma_wait3A_843 : memref<1x!tpu.dma_semaphore, #tpu.memory_space<semaphore_mem>> -> memref<!tpu.dma_semaphore, #tpu.memory_space<semaphore_mem>>
        tpu.wait_indirect_dma semaphore(%dma_wait3A_844 : memref<!tpu.dma_semaphore, #tpu.memory_space<semaphore_mem>>) src(%dma_wait3A_842 : memref<100000x128xf32, #tpu.memory_space<hbm>>) dst(%dma_wait3A_838 : memref<32x128xf32, #tpu.memory_space<vmem>>)
        %mul3A_845 = arith.constant 32 : i32
        %mul3A_846 = arith.muli %add3A_787, %mul3A_845 : i32
        %dma_start3A_847 = arith.constant 0 : i32
        %dma_start3A_848 = arith.constant 0 : i32
        %dma_start3A_849 = arith.constant 0 : i32
        %dma_start3A_850 = arith.constant 0 : i32
        %dma_start3A_851 = tpu.memref_slice %arg9[%dma_start3A_847, %dma_start3A_849, %dma_start3A_850] : memref<10x32x128xf32, #tpu.memory_space<vmem>> -> memref<1x32x128xf32, #tpu.memory_space<vmem>>
        %dma_start3A_852 = tpu.memref_squeeze %dma_start3A_851 : memref<1x32x128xf32, #tpu.memory_space<vmem>> -> memref<32x128xf32, #tpu.memory_space<vmem>>
        %dma_start3A_853 = tpu.memref_slice %arg8[%mul3A_846] : memref<6400xi32, #tpu.memory_space<vmem>> -> memref<32xi32, #tpu.memory_space<vmem>>
        %dma_start3A_854 = arith.constant 0 : i32
        %dma_start3A_855 = arith.constant 0 : i32
        %dma_start3A_856 = tpu.memref_slice %arg11[%dma_start3A_854, %dma_start3A_855] : memref<200x128xf32, #tpu.memory_space<vmem_shared>> -> memref<200x128xf32, #tpu.memory_space<vmem_shared>>
        %dma_start3A_857 = tpu.memref_slice %arg13[%dma_start3A_848] : memref<10x!tpu.dma_semaphore, #tpu.memory_space<semaphore_mem>> -> memref<1x!tpu.dma_semaphore, #tpu.memory_space<semaphore_mem>>
        %dma_start3A_858 = tpu.memref_squeeze %dma_start3A_857 : memref<1x!tpu.dma_semaphore, #tpu.memory_space<semaphore_mem>> -> memref<!tpu.dma_semaphore, #tpu.memory_space<semaphore_mem>>
        tpu.enqueue_indirect_dma source(%dma_start3A_856 : memref<200x128xf32, #tpu.memory_space<vmem_shared>>) target(%dma_start3A_852 : memref<32x128xf32, #tpu.memory_space<vmem>>) offsets(%dma_start3A_853 : memref<32xi32, #tpu.memory_space<vmem>>) semaphore(%dma_start3A_858 : memref<!tpu.dma_semaphore, #tpu.memory_space<semaphore_mem>>) {add = true}
      } else {
      }
      %mul3A_798 = arith.constant 32 : i32
      %mul3A_799 = arith.muli %add3A_783, %mul3A_798 : i32
      %dma_wait3A_800 = arith.constant 9 : i32
      %dma_wait3A_801 = arith.constant 9 : i32
      %dma_wait3A_802 = arith.constant 0 : i32
      %dma_wait3A_803 = arith.constant 0 : i32
      %dma_wait3A_804 = tpu.memref_slice %arg9[%dma_wait3A_800, %dma_wait3A_802, %dma_wait3A_803] : memref<10x32x128xf32, #tpu.memory_space<vmem>> -> memref<1x32x128xf32, #tpu.memory_space<vmem>>
      %dma_wait3A_805 = tpu.memref_squeeze %dma_wait3A_804 : memref<1x32x128xf32, #tpu.memory_space<vmem>> -> memref<32x128xf32, #tpu.memory_space<vmem>>
      %dma_wait3A_806 = tpu.memref_slice %arg8[%mul3A_799] : memref<6400xi32, #tpu.memory_space<vmem>> -> memref<32xi32, #tpu.memory_space<vmem>>
      %dma_wait3A_807 = arith.constant 0 : i32
      %dma_wait3A_808 = arith.constant 0 : i32
      %dma_wait3A_809 = tpu.memref_slice %arg11[%dma_wait3A_807, %dma_wait3A_808] : memref<200x128xf32, #tpu.memory_space<vmem_shared>> -> memref<200x128xf32, #tpu.memory_space<vmem_shared>>
      %dma_wait3A_810 = tpu.memref_slice %arg13[%dma_wait3A_801] : memref<10x!tpu.dma_semaphore, #tpu.memory_space<semaphore_mem>> -> memref<1x!tpu.dma_semaphore, #tpu.memory_space<semaphore_mem>>
      %dma_wait3A_811 = tpu.memref_squeeze %dma_wait3A_810 : memref<1x!tpu.dma_semaphore, #tpu.memory_space<semaphore_mem>> -> memref<!tpu.dma_semaphore, #tpu.memory_space<semaphore_mem>>
      tpu.wait_indirect_dma semaphore(%dma_wait3A_811 : memref<!tpu.dma_semaphore, #tpu.memory_space<semaphore_mem>>) src(%dma_wait3A_809 : memref<200x128xf32, #tpu.memory_space<vmem_shared>>) dst(%dma_wait3A_805 : memref<32x128xf32, #tpu.memory_space<vmem>>)
      %mul3A_812 = arith.constant 32 : i32
      %mul3A_813 = arith.muli %add3A_783, %mul3A_812 : i32
      %add3A_814 = arith.addi %mul3A_2, %mul3A_813 : i32
      %dma_start3A_815 = arith.constant 9 : i32
      %dma_start3A_816 = arith.constant 9 : i32
      %dma_start3A_817 = arith.constant 0 : i32
      %dma_start3A_818 = arith.constant 0 : i32
      %dma_start3A_819 = tpu.memref_slice %arg9[%dma_start3A_815, %dma_start3A_817, %dma_start3A_818] : memref<10x32x128xf32, #tpu.memory_space<vmem>> -> memref<1x32x128xf32, #tpu.memory_space<vmem>>
      %dma_start3A_820 = tpu.memref_squeeze %dma_start3A_819 : memref<1x32x128xf32, #tpu.memory_space<vmem>> -> memref<32x128xf32, #tpu.memory_space<vmem>>
      %dma_start3A_821 = arith.constant 0 : i32
      %dma_start3A_822 = tpu.memref_slice %arg6[%add3A_814, %dma_start3A_821] : memref<204800x128xf32, #tpu.memory_space<hbm>> -> memref<32x128xf32, #tpu.memory_space<hbm>>
      %dma_start3A_823 = tpu.memref_slice %arg14[%dma_start3A_816] : memref<10x!tpu.dma_semaphore, #tpu.memory_space<semaphore_mem>> -> memref<1x!tpu.dma_semaphore, #tpu.memory_space<semaphore_mem>>
      %dma_start3A_824 = tpu.memref_squeeze %dma_start3A_823 : memref<1x!tpu.dma_semaphore, #tpu.memory_space<semaphore_mem>> -> memref<!tpu.dma_semaphore, #tpu.memory_space<semaphore_mem>>
      %dma_start3A_825 = arith.constant 0 : i32
      %dma_start3A_826 = tpu.memref_slice %arg6[%add3A_814, %dma_start3A_825] : memref<204800x128xf32, #tpu.memory_space<hbm>> -> memref<32x128xf32, #tpu.memory_space<hbm>>
      %dma_start3A_827 = arith.constant 0 : i32
      %dma_start3A_828 = arith.constant 0 : i32
      %dma_start3A_829 = tpu.memref_slice %arg9[%dma_start3A_815, %dma_start3A_827, %dma_start3A_828] : memref<10x32x128xf32, #tpu.memory_space<vmem>> -> memref<1x32x128xf32, #tpu.memory_space<vmem>>
      %dma_start3A_830 = tpu.memref_squeeze %dma_start3A_829 : memref<1x32x128xf32, #tpu.memory_space<vmem>> -> memref<32x128xf32, #tpu.memory_space<vmem>>
      tpu.enqueue_dma source(%dma_start3A_830 : memref<32x128xf32, #tpu.memory_space<vmem>>) target(%dma_start3A_826 : memref<32x128xf32, #tpu.memory_space<hbm>>) target_semaphore(%dma_start3A_824 : memref<!tpu.dma_semaphore, #tpu.memory_space<semaphore_mem>>)
    }
    %scan3A_136 = arith.constant 20 : i32
    %add3A_137 = arith.constant 6080 : i32
    %add3A_138 = arith.addi %mul3A_2, %add3A_137 : i32
    %dma_wait3A_139 = arith.constant 0 : i32
    %dma_wait3A_140 = arith.constant 0 : i32
    %dma_wait3A_141 = arith.constant 0 : i32
    %dma_wait3A_142 = arith.constant 0 : i32
    %dma_wait3A_143 = tpu.memref_slice %arg9[%dma_wait3A_139, %dma_wait3A_141, %dma_wait3A_142] : memref<10x32x128xf32, #tpu.memory_space<vmem>> -> memref<1x32x128xf32, #tpu.memory_space<vmem>>
    %dma_wait3A_144 = tpu.memref_squeeze %dma_wait3A_143 : memref<1x32x128xf32, #tpu.memory_space<vmem>> -> memref<32x128xf32, #tpu.memory_space<vmem>>
    %dma_wait3A_145 = arith.constant 0 : i32
    %dma_wait3A_146 = tpu.memref_slice %arg6[%add3A_138, %dma_wait3A_145] : memref<204800x128xf32, #tpu.memory_space<hbm>> -> memref<32x128xf32, #tpu.memory_space<hbm>>
    %dma_wait3A_147 = tpu.memref_slice %arg14[%dma_wait3A_140] : memref<10x!tpu.dma_semaphore, #tpu.memory_space<semaphore_mem>> -> memref<1x!tpu.dma_semaphore, #tpu.memory_space<semaphore_mem>>
    %dma_wait3A_148 = tpu.memref_squeeze %dma_wait3A_147 : memref<1x!tpu.dma_semaphore, #tpu.memory_space<semaphore_mem>> -> memref<!tpu.dma_semaphore, #tpu.memory_space<semaphore_mem>>
    %dma_wait3A_149 = arith.constant 0 : i32
    %dma_wait3A_150 = tpu.memref_slice %arg6[%add3A_138, %dma_wait3A_149] : memref<204800x128xf32, #tpu.memory_space<hbm>> -> memref<32x128xf32, #tpu.memory_space<hbm>>
    %dma_wait3A_151 = arith.constant 0 : i32
    %dma_wait3A_152 = arith.constant 0 : i32
    %dma_wait3A_153 = tpu.memref_slice %arg9[%dma_wait3A_139, %dma_wait3A_151, %dma_wait3A_152] : memref<10x32x128xf32, #tpu.memory_space<vmem>> -> memref<1x32x128xf32, #tpu.memory_space<vmem>>
    %dma_wait3A_154 = tpu.memref_squeeze %dma_wait3A_153 : memref<1x32x128xf32, #tpu.memory_space<vmem>> -> memref<32x128xf32, #tpu.memory_space<vmem>>
    tpu.wait_dma2 semaphore(%dma_wait3A_148 : memref<!tpu.dma_semaphore, #tpu.memory_space<semaphore_mem>>) src(%dma_wait3A_154 : memref<32x128xf32, #tpu.memory_space<vmem>>) dst(%dma_wait3A_150 : memref<32x128xf32, #tpu.memory_space<hbm>>)
    %add3A_155 = arith.constant 6112 : i32
    %add3A_156 = arith.addi %mul3A_2, %add3A_155 : i32
    %dma_wait3A_157 = arith.constant 1 : i32
    %dma_wait3A_158 = arith.constant 1 : i32
    %dma_wait3A_159 = arith.constant 0 : i32
    %dma_wait3A_160 = arith.constant 0 : i32
    %dma_wait3A_161 = tpu.memref_slice %arg9[%dma_wait3A_157, %dma_wait3A_159, %dma_wait3A_160] : memref<10x32x128xf32, #tpu.memory_space<vmem>> -> memref<1x32x128xf32, #tpu.memory_space<vmem>>
    %dma_wait3A_162 = tpu.memref_squeeze %dma_wait3A_161 : memref<1x32x128xf32, #tpu.memory_space<vmem>> -> memref<32x128xf32, #tpu.memory_space<vmem>>
    %dma_wait3A_163 = arith.constant 0 : i32
    %dma_wait3A_164 = tpu.memref_slice %arg6[%add3A_156, %dma_wait3A_163] : memref<204800x128xf32, #tpu.memory_space<hbm>> -> memref<32x128xf32, #tpu.memory_space<hbm>>
    %dma_wait3A_165 = tpu.memref_slice %arg14[%dma_wait3A_158] : memref<10x!tpu.dma_semaphore, #tpu.memory_space<semaphore_mem>> -> memref<1x!tpu.dma_semaphore, #tpu.memory_space<semaphore_mem>>
    %dma_wait3A_166 = tpu.memref_squeeze %dma_wait3A_165 : memref<1x!tpu.dma_semaphore, #tpu.memory_space<semaphore_mem>> -> memref<!tpu.dma_semaphore, #tpu.memory_space<semaphore_mem>>
    %dma_wait3A_167 = arith.constant 0 : i32
    %dma_wait3A_168 = tpu.memref_slice %arg6[%add3A_156, %dma_wait3A_167] : memref<204800x128xf32, #tpu.memory_space<hbm>> -> memref<32x128xf32, #tpu.memory_space<hbm>>
    %dma_wait3A_169 = arith.constant 0 : i32
    %dma_wait3A_170 = arith.constant 0 : i32
    %dma_wait3A_171 = tpu.memref_slice %arg9[%dma_wait3A_157, %dma_wait3A_169, %dma_wait3A_170] : memref<10x32x128xf32, #tpu.memory_space<vmem>> -> memref<1x32x128xf32, #tpu.memory_space<vmem>>
    %dma_wait3A_172 = tpu.memref_squeeze %dma_wait3A_171 : memref<1x32x128xf32, #tpu.memory_space<vmem>> -> memref<32x128xf32, #tpu.memory_space<vmem>>
    tpu.wait_dma2 semaphore(%dma_wait3A_166 : memref<!tpu.dma_semaphore, #tpu.memory_space<semaphore_mem>>) src(%dma_wait3A_172 : memref<32x128xf32, #tpu.memory_space<vmem>>) dst(%dma_wait3A_168 : memref<32x128xf32, #tpu.memory_space<hbm>>)
    %add3A_173 = arith.constant 6144 : i32
    %add3A_174 = arith.addi %mul3A_2, %add3A_173 : i32
    %dma_wait3A_175 = arith.constant 2 : i32
    %dma_wait3A_176 = arith.constant 2 : i32
    %dma_wait3A_177 = arith.constant 0 : i32
    %dma_wait3A_178 = arith.constant 0 : i32
    %dma_wait3A_179 = tpu.memref_slice %arg9[%dma_wait3A_175, %dma_wait3A_177, %dma_wait3A_178] : memref<10x32x128xf32, #tpu.memory_space<vmem>> -> memref<1x32x128xf32, #tpu.memory_space<vmem>>
    %dma_wait3A_180 = tpu.memref_squeeze %dma_wait3A_179 : memref<1x32x128xf32, #tpu.memory_space<vmem>> -> memref<32x128xf32, #tpu.memory_space<vmem>>
    %dma_wait3A_181 = arith.constant 0 : i32
    %dma_wait3A_182 = tpu.memref_slice %arg6[%add3A_174, %dma_wait3A_181] : memref<204800x128xf32, #tpu.memory_space<hbm>> -> memref<32x128xf32, #tpu.memory_space<hbm>>
    %dma_wait3A_183 = tpu.memref_slice %arg14[%dma_wait3A_176] : memref<10x!tpu.dma_semaphore, #tpu.memory_space<semaphore_mem>> -> memref<1x!tpu.dma_semaphore, #tpu.memory_space<semaphore_mem>>
    %dma_wait3A_184 = tpu.memref_squeeze %dma_wait3A_183 : memref<1x!tpu.dma_semaphore, #tpu.memory_space<semaphore_mem>> -> memref<!tpu.dma_semaphore, #tpu.memory_space<semaphore_mem>>
    %dma_wait3A_185 = arith.constant 0 : i32
    %dma_wait3A_186 = tpu.memref_slice %arg6[%add3A_174, %dma_wait3A_185] : memref<204800x128xf32, #tpu.memory_space<hbm>> -> memref<32x128xf32, #tpu.memory_space<hbm>>
    %dma_wait3A_187 = arith.constant 0 : i32
    %dma_wait3A_188 = arith.constant 0 : i32
    %dma_wait3A_189 = tpu.memref_slice %arg9[%dma_wait3A_175, %dma_wait3A_187, %dma_wait3A_188] : memref<10x32x128xf32, #tpu.memory_space<vmem>> -> memref<1x32x128xf32, #tpu.memory_space<vmem>>
    %dma_wait3A_190 = tpu.memref_squeeze %dma_wait3A_189 : memref<1x32x128xf32, #tpu.memory_space<vmem>> -> memref<32x128xf32, #tpu.memory_space<vmem>>
    tpu.wait_dma2 semaphore(%dma_wait3A_184 : memref<!tpu.dma_semaphore, #tpu.memory_space<semaphore_mem>>) src(%dma_wait3A_190 : memref<32x128xf32, #tpu.memory_space<vmem>>) dst(%dma_wait3A_186 : memref<32x128xf32, #tpu.memory_space<hbm>>)
    %add3A_191 = arith.constant 6176 : i32
    %add3A_192 = arith.addi %mul3A_2, %add3A_191 : i32
    %dma_wait3A_193 = arith.constant 3 : i32
    %dma_wait3A_194 = arith.constant 3 : i32
    %dma_wait3A_195 = arith.constant 0 : i32
    %dma_wait3A_196 = arith.constant 0 : i32
    %dma_wait3A_197 = tpu.memref_slice %arg9[%dma_wait3A_193, %dma_wait3A_195, %dma_wait3A_196] : memref<10x32x128xf32, #tpu.memory_space<vmem>> -> memref<1x32x128xf32, #tpu.memory_space<vmem>>
    %dma_wait3A_198 = tpu.memref_squeeze %dma_wait3A_197 : memref<1x32x128xf32, #tpu.memory_space<vmem>> -> memref<32x128xf32, #tpu.memory_space<vmem>>
    %dma_wait3A_199 = arith.constant 0 : i32
    %dma_wait3A_200 = tpu.memref_slice %arg6[%add3A_192, %dma_wait3A_199] : memref<204800x128xf32, #tpu.memory_space<hbm>> -> memref<32x128xf32, #tpu.memory_space<hbm>>
    %dma_wait3A_201 = tpu.memref_slice %arg14[%dma_wait3A_194] : memref<10x!tpu.dma_semaphore, #tpu.memory_space<semaphore_mem>> -> memref<1x!tpu.dma_semaphore, #tpu.memory_space<semaphore_mem>>
    %dma_wait3A_202 = tpu.memref_squeeze %dma_wait3A_201 : memref<1x!tpu.dma_semaphore, #tpu.memory_space<semaphore_mem>> -> memref<!tpu.dma_semaphore, #tpu.memory_space<semaphore_mem>>
    %dma_wait3A_203 = arith.constant 0 : i32
    %dma_wait3A_204 = tpu.memref_slice %arg6[%add3A_192, %dma_wait3A_203] : memref<204800x128xf32, #tpu.memory_space<hbm>> -> memref<32x128xf32, #tpu.memory_space<hbm>>
    %dma_wait3A_205 = arith.constant 0 : i32
    %dma_wait3A_206 = arith.constant 0 : i32
    %dma_wait3A_207 = tpu.memref_slice %arg9[%dma_wait3A_193, %dma_wait3A_205, %dma_wait3A_206] : memref<10x32x128xf32, #tpu.memory_space<vmem>> -> memref<1x32x128xf32, #tpu.memory_space<vmem>>
    %dma_wait3A_208 = tpu.memref_squeeze %dma_wait3A_207 : memref<1x32x128xf32, #tpu.memory_space<vmem>> -> memref<32x128xf32, #tpu.memory_space<vmem>>
    tpu.wait_dma2 semaphore(%dma_wait3A_202 : memref<!tpu.dma_semaphore, #tpu.memory_space<semaphore_mem>>) src(%dma_wait3A_208 : memref<32x128xf32, #tpu.memory_space<vmem>>) dst(%dma_wait3A_204 : memref<32x128xf32, #tpu.memory_space<hbm>>)
    %add3A_209 = arith.constant 6208 : i32
    %add3A_210 = arith.addi %mul3A_2, %add3A_209 : i32
    %dma_wait3A_211 = arith.constant 4 : i32
    %dma_wait3A_212 = arith.constant 4 : i32
    %dma_wait3A_213 = arith.constant 0 : i32
    %dma_wait3A_214 = arith.constant 0 : i32
    %dma_wait3A_215 = tpu.memref_slice %arg9[%dma_wait3A_211, %dma_wait3A_213, %dma_wait3A_214] : memref<10x32x128xf32, #tpu.memory_space<vmem>> -> memref<1x32x128xf32, #tpu.memory_space<vmem>>
    %dma_wait3A_216 = tpu.memref_squeeze %dma_wait3A_215 : memref<1x32x128xf32, #tpu.memory_space<vmem>> -> memref<32x128xf32, #tpu.memory_space<vmem>>
    %dma_wait3A_217 = arith.constant 0 : i32
    %dma_wait3A_218 = tpu.memref_slice %arg6[%add3A_210, %dma_wait3A_217] : memref<204800x128xf32, #tpu.memory_space<hbm>> -> memref<32x128xf32, #tpu.memory_space<hbm>>
    %dma_wait3A_219 = tpu.memref_slice %arg14[%dma_wait3A_212] : memref<10x!tpu.dma_semaphore, #tpu.memory_space<semaphore_mem>> -> memref<1x!tpu.dma_semaphore, #tpu.memory_space<semaphore_mem>>
    %dma_wait3A_220 = tpu.memref_squeeze %dma_wait3A_219 : memref<1x!tpu.dma_semaphore, #tpu.memory_space<semaphore_mem>> -> memref<!tpu.dma_semaphore, #tpu.memory_space<semaphore_mem>>
    %dma_wait3A_221 = arith.constant 0 : i32
    %dma_wait3A_222 = tpu.memref_slice %arg6[%add3A_210, %dma_wait3A_221] : memref<204800x128xf32, #tpu.memory_space<hbm>> -> memref<32x128xf32, #tpu.memory_space<hbm>>
    %dma_wait3A_223 = arith.constant 0 : i32
    %dma_wait3A_224 = arith.constant 0 : i32
    %dma_wait3A_225 = tpu.memref_slice %arg9[%dma_wait3A_211, %dma_wait3A_223, %dma_wait3A_224] : memref<10x32x128xf32, #tpu.memory_space<vmem>> -> memref<1x32x128xf32, #tpu.memory_space<vmem>>
    %dma_wait3A_226 = tpu.memref_squeeze %dma_wait3A_225 : memref<1x32x128xf32, #tpu.memory_space<vmem>> -> memref<32x128xf32, #tpu.memory_space<vmem>>
    tpu.wait_dma2 semaphore(%dma_wait3A_220 : memref<!tpu.dma_semaphore, #tpu.memory_space<semaphore_mem>>) src(%dma_wait3A_226 : memref<32x128xf32, #tpu.memory_space<vmem>>) dst(%dma_wait3A_222 : memref<32x128xf32, #tpu.memory_space<hbm>>)
    %add3A_227 = arith.constant 6240 : i32
    %add3A_228 = arith.addi %mul3A_2, %add3A_227 : i32
    %dma_wait3A_229 = arith.constant 5 : i32
    %dma_wait3A_230 = arith.constant 5 : i32
    %dma_wait3A_231 = arith.constant 0 : i32
    %dma_wait3A_232 = arith.constant 0 : i32
    %dma_wait3A_233 = tpu.memref_slice %arg9[%dma_wait3A_229, %dma_wait3A_231, %dma_wait3A_232] : memref<10x32x128xf32, #tpu.memory_space<vmem>> -> memref<1x32x128xf32, #tpu.memory_space<vmem>>
    %dma_wait3A_234 = tpu.memref_squeeze %dma_wait3A_233 : memref<1x32x128xf32, #tpu.memory_space<vmem>> -> memref<32x128xf32, #tpu.memory_space<vmem>>
    %dma_wait3A_235 = arith.constant 0 : i32
    %dma_wait3A_236 = tpu.memref_slice %arg6[%add3A_228, %dma_wait3A_235] : memref<204800x128xf32, #tpu.memory_space<hbm>> -> memref<32x128xf32, #tpu.memory_space<hbm>>
    %dma_wait3A_237 = tpu.memref_slice %arg14[%dma_wait3A_230] : memref<10x!tpu.dma_semaphore, #tpu.memory_space<semaphore_mem>> -> memref<1x!tpu.dma_semaphore, #tpu.memory_space<semaphore_mem>>
    %dma_wait3A_238 = tpu.memref_squeeze %dma_wait3A_237 : memref<1x!tpu.dma_semaphore, #tpu.memory_space<semaphore_mem>> -> memref<!tpu.dma_semaphore, #tpu.memory_space<semaphore_mem>>
    %dma_wait3A_239 = arith.constant 0 : i32
    %dma_wait3A_240 = tpu.memref_slice %arg6[%add3A_228, %dma_wait3A_239] : memref<204800x128xf32, #tpu.memory_space<hbm>> -> memref<32x128xf32, #tpu.memory_space<hbm>>
    %dma_wait3A_241 = arith.constant 0 : i32
    %dma_wait3A_242 = arith.constant 0 : i32
    %dma_wait3A_243 = tpu.memref_slice %arg9[%dma_wait3A_229, %dma_wait3A_241, %dma_wait3A_242] : memref<10x32x128xf32, #tpu.memory_space<vmem>> -> memref<1x32x128xf32, #tpu.memory_space<vmem>>
    %dma_wait3A_244 = tpu.memref_squeeze %dma_wait3A_243 : memref<1x32x128xf32, #tpu.memory_space<vmem>> -> memref<32x128xf32, #tpu.memory_space<vmem>>
    tpu.wait_dma2 semaphore(%dma_wait3A_238 : memref<!tpu.dma_semaphore, #tpu.memory_space<semaphore_mem>>) src(%dma_wait3A_244 : memref<32x128xf32, #tpu.memory_space<vmem>>) dst(%dma_wait3A_240 : memref<32x128xf32, #tpu.memory_space<hbm>>)
    %add3A_245 = arith.constant 6272 : i32
    %add3A_246 = arith.addi %mul3A_2, %add3A_245 : i32
    %dma_wait3A_247 = arith.constant 6 : i32
    %dma_wait3A_248 = arith.constant 6 : i32
    %dma_wait3A_249 = arith.constant 0 : i32
    %dma_wait3A_250 = arith.constant 0 : i32
    %dma_wait3A_251 = tpu.memref_slice %arg9[%dma_wait3A_247, %dma_wait3A_249, %dma_wait3A_250] : memref<10x32x128xf32, #tpu.memory_space<vmem>> -> memref<1x32x128xf32, #tpu.memory_space<vmem>>
    %dma_wait3A_252 = tpu.memref_squeeze %dma_wait3A_251 : memref<1x32x128xf32, #tpu.memory_space<vmem>> -> memref<32x128xf32, #tpu.memory_space<vmem>>
    %dma_wait3A_253 = arith.constant 0 : i32
    %dma_wait3A_254 = tpu.memref_slice %arg6[%add3A_246, %dma_wait3A_253] : memref<204800x128xf32, #tpu.memory_space<hbm>> -> memref<32x128xf32, #tpu.memory_space<hbm>>
    %dma_wait3A_255 = tpu.memref_slice %arg14[%dma_wait3A_248] : memref<10x!tpu.dma_semaphore, #tpu.memory_space<semaphore_mem>> -> memref<1x!tpu.dma_semaphore, #tpu.memory_space<semaphore_mem>>
    %dma_wait3A_256 = tpu.memref_squeeze %dma_wait3A_255 : memref<1x!tpu.dma_semaphore, #tpu.memory_space<semaphore_mem>> -> memref<!tpu.dma_semaphore, #tpu.memory_space<semaphore_mem>>
    %dma_wait3A_257 = arith.constant 0 : i32
    %dma_wait3A_258 = tpu.memref_slice %arg6[%add3A_246, %dma_wait3A_257] : memref<204800x128xf32, #tpu.memory_space<hbm>> -> memref<32x128xf32, #tpu.memory_space<hbm>>
    %dma_wait3A_259 = arith.constant 0 : i32
    %dma_wait3A_260 = arith.constant 0 : i32
    %dma_wait3A_261 = tpu.memref_slice %arg9[%dma_wait3A_247, %dma_wait3A_259, %dma_wait3A_260] : memref<10x32x128xf32, #tpu.memory_space<vmem>> -> memref<1x32x128xf32, #tpu.memory_space<vmem>>
    %dma_wait3A_262 = tpu.memref_squeeze %dma_wait3A_261 : memref<1x32x128xf32, #tpu.memory_space<vmem>> -> memref<32x128xf32, #tpu.memory_space<vmem>>
    tpu.wait_dma2 semaphore(%dma_wait3A_256 : memref<!tpu.dma_semaphore, #tpu.memory_space<semaphore_mem>>) src(%dma_wait3A_262 : memref<32x128xf32, #tpu.memory_space<vmem>>) dst(%dma_wait3A_258 : memref<32x128xf32, #tpu.memory_space<hbm>>)
    %add3A_263 = arith.constant 6304 : i32
    %add3A_264 = arith.addi %mul3A_2, %add3A_263 : i32
    %dma_wait3A_265 = arith.constant 7 : i32
    %dma_wait3A_266 = arith.constant 7 : i32
    %dma_wait3A_267 = arith.constant 0 : i32
    %dma_wait3A_268 = arith.constant 0 : i32
    %dma_wait3A_269 = tpu.memref_slice %arg9[%dma_wait3A_265, %dma_wait3A_267, %dma_wait3A_268] : memref<10x32x128xf32, #tpu.memory_space<vmem>> -> memref<1x32x128xf32, #tpu.memory_space<vmem>>
    %dma_wait3A_270 = tpu.memref_squeeze %dma_wait3A_269 : memref<1x32x128xf32, #tpu.memory_space<vmem>> -> memref<32x128xf32, #tpu.memory_space<vmem>>
    %dma_wait3A_271 = arith.constant 0 : i32
    %dma_wait3A_272 = tpu.memref_slice %arg6[%add3A_264, %dma_wait3A_271] : memref<204800x128xf32, #tpu.memory_space<hbm>> -> memref<32x128xf32, #tpu.memory_space<hbm>>
    %dma_wait3A_273 = tpu.memref_slice %arg14[%dma_wait3A_266] : memref<10x!tpu.dma_semaphore, #tpu.memory_space<semaphore_mem>> -> memref<1x!tpu.dma_semaphore, #tpu.memory_space<semaphore_mem>>
    %dma_wait3A_274 = tpu.memref_squeeze %dma_wait3A_273 : memref<1x!tpu.dma_semaphore, #tpu.memory_space<semaphore_mem>> -> memref<!tpu.dma_semaphore, #tpu.memory_space<semaphore_mem>>
    %dma_wait3A_275 = arith.constant 0 : i32
    %dma_wait3A_276 = tpu.memref_slice %arg6[%add3A_264, %dma_wait3A_275] : memref<204800x128xf32, #tpu.memory_space<hbm>> -> memref<32x128xf32, #tpu.memory_space<hbm>>
    %dma_wait3A_277 = arith.constant 0 : i32
    %dma_wait3A_278 = arith.constant 0 : i32
    %dma_wait3A_279 = tpu.memref_slice %arg9[%dma_wait3A_265, %dma_wait3A_277, %dma_wait3A_278] : memref<10x32x128xf32, #tpu.memory_space<vmem>> -> memref<1x32x128xf32, #tpu.memory_space<vmem>>
    %dma_wait3A_280 = tpu.memref_squeeze %dma_wait3A_279 : memref<1x32x128xf32, #tpu.memory_space<vmem>> -> memref<32x128xf32, #tpu.memory_space<vmem>>
    tpu.wait_dma2 semaphore(%dma_wait3A_274 : memref<!tpu.dma_semaphore, #tpu.memory_space<semaphore_mem>>) src(%dma_wait3A_280 : memref<32x128xf32, #tpu.memory_space<vmem>>) dst(%dma_wait3A_276 : memref<32x128xf32, #tpu.memory_space<hbm>>)
    %add3A_281 = arith.constant 6336 : i32
    %add3A_282 = arith.addi %mul3A_2, %add3A_281 : i32
    %dma_wait3A_283 = arith.constant 8 : i32
    %dma_wait3A_284 = arith.constant 8 : i32
    %dma_wait3A_285 = arith.constant 0 : i32
    %dma_wait3A_286 = arith.constant 0 : i32
    %dma_wait3A_287 = tpu.memref_slice %arg9[%dma_wait3A_283, %dma_wait3A_285, %dma_wait3A_286] : memref<10x32x128xf32, #tpu.memory_space<vmem>> -> memref<1x32x128xf32, #tpu.memory_space<vmem>>
    %dma_wait3A_288 = tpu.memref_squeeze %dma_wait3A_287 : memref<1x32x128xf32, #tpu.memory_space<vmem>> -> memref<32x128xf32, #tpu.memory_space<vmem>>
    %dma_wait3A_289 = arith.constant 0 : i32
    %dma_wait3A_290 = tpu.memref_slice %arg6[%add3A_282, %dma_wait3A_289] : memref<204800x128xf32, #tpu.memory_space<hbm>> -> memref<32x128xf32, #tpu.memory_space<hbm>>
    %dma_wait3A_291 = tpu.memref_slice %arg14[%dma_wait3A_284] : memref<10x!tpu.dma_semaphore, #tpu.memory_space<semaphore_mem>> -> memref<1x!tpu.dma_semaphore, #tpu.memory_space<semaphore_mem>>
    %dma_wait3A_292 = tpu.memref_squeeze %dma_wait3A_291 : memref<1x!tpu.dma_semaphore, #tpu.memory_space<semaphore_mem>> -> memref<!tpu.dma_semaphore, #tpu.memory_space<semaphore_mem>>
    %dma_wait3A_293 = arith.constant 0 : i32
    %dma_wait3A_294 = tpu.memref_slice %arg6[%add3A_282, %dma_wait3A_293] : memref<204800x128xf32, #tpu.memory_space<hbm>> -> memref<32x128xf32, #tpu.memory_space<hbm>>
    %dma_wait3A_295 = arith.constant 0 : i32
    %dma_wait3A_296 = arith.constant 0 : i32
    %dma_wait3A_297 = tpu.memref_slice %arg9[%dma_wait3A_283, %dma_wait3A_295, %dma_wait3A_296] : memref<10x32x128xf32, #tpu.memory_space<vmem>> -> memref<1x32x128xf32, #tpu.memory_space<vmem>>
    %dma_wait3A_298 = tpu.memref_squeeze %dma_wait3A_297 : memref<1x32x128xf32, #tpu.memory_space<vmem>> -> memref<32x128xf32, #tpu.memory_space<vmem>>
    tpu.wait_dma2 semaphore(%dma_wait3A_292 : memref<!tpu.dma_semaphore, #tpu.memory_space<semaphore_mem>>) src(%dma_wait3A_298 : memref<32x128xf32, #tpu.memory_space<vmem>>) dst(%dma_wait3A_294 : memref<32x128xf32, #tpu.memory_space<hbm>>)
    %add3A_299 = arith.constant 6368 : i32
    %add3A_300 = arith.addi %mul3A_2, %add3A_299 : i32
    %dma_wait3A_301 = arith.constant 9 : i32
    %dma_wait3A_302 = arith.constant 9 : i32
    %dma_wait3A_303 = arith.constant 0 : i32
    %dma_wait3A_304 = arith.constant 0 : i32
    %dma_wait3A_305 = tpu.memref_slice %arg9[%dma_wait3A_301, %dma_wait3A_303, %dma_wait3A_304] : memref<10x32x128xf32, #tpu.memory_space<vmem>> -> memref<1x32x128xf32, #tpu.memory_space<vmem>>
    %dma_wait3A_306 = tpu.memref_squeeze %dma_wait3A_305 : memref<1x32x128xf32, #tpu.memory_space<vmem>> -> memref<32x128xf32, #tpu.memory_space<vmem>>
    %dma_wait3A_307 = arith.constant 0 : i32
    %dma_wait3A_308 = tpu.memref_slice %arg6[%add3A_300, %dma_wait3A_307] : memref<204800x128xf32, #tpu.memory_space<hbm>> -> memref<32x128xf32, #tpu.memory_space<hbm>>
    %dma_wait3A_309 = tpu.memref_slice %arg14[%dma_wait3A_302] : memref<10x!tpu.dma_semaphore, #tpu.memory_space<semaphore_mem>> -> memref<1x!tpu.dma_semaphore, #tpu.memory_space<semaphore_mem>>
    %dma_wait3A_310 = tpu.memref_squeeze %dma_wait3A_309 : memref<1x!tpu.dma_semaphore, #tpu.memory_space<semaphore_mem>> -> memref<!tpu.dma_semaphore, #tpu.memory_space<semaphore_mem>>
    %dma_wait3A_311 = arith.constant 0 : i32
    %dma_wait3A_312 = tpu.memref_slice %arg6[%add3A_300, %dma_wait3A_311] : memref<204800x128xf32, #tpu.memory_space<hbm>> -> memref<32x128xf32, #tpu.memory_space<hbm>>
    %dma_wait3A_313 = arith.constant 0 : i32
    %dma_wait3A_314 = arith.constant 0 : i32
    %dma_wait3A_315 = tpu.memref_slice %arg9[%dma_wait3A_301, %dma_wait3A_313, %dma_wait3A_314] : memref<10x32x128xf32, #tpu.memory_space<vmem>> -> memref<1x32x128xf32, #tpu.memory_space<vmem>>
    %dma_wait3A_316 = tpu.memref_squeeze %dma_wait3A_315 : memref<1x32x128xf32, #tpu.memory_space<vmem>> -> memref<32x128xf32, #tpu.memory_space<vmem>>
    tpu.wait_dma2 semaphore(%dma_wait3A_310 : memref<!tpu.dma_semaphore, #tpu.memory_space<semaphore_mem>>) src(%dma_wait3A_316 : memref<32x128xf32, #tpu.memory_space<vmem>>) dst(%dma_wait3A_312 : memref<32x128xf32, #tpu.memory_space<hbm>>)
    return
  }
}

</mosaic_0001>

<sc_bundles>
// kernel: kernel.3.cloned.1.call-start
scs
__scs_entry_jumppad:
0x0: {  	(pc) =	sbr.rel $0x88, $3  }
0x1: {  	(tag) =	ssettag $0x0;
	lr =	simm.s32 $0x1  }
0x2: {  	[smem:$0x3F9D] =	sst lr;
	_ =	strace $0xD0000000  }
0x3: {  	_ = 	snop  }
0x4: {  	_ = 	snop  }
0x5: {  	_ = 	snop  }
0x6: {  	_ = 	snop  }
0x7: {  	_ = 	snop  }
__scs_overlays_trampoline_lowered:
0x8: {  	[smem:$0x3FAC] =	sst s0  }
0x9: {  	[smem:$0x3FAD] =	sst s1  }
0xa: {  	[smem:$0x3FAE] =	sst s2  }
0xb: {  	[smem:$0x3FAF] =	sst s3  }
0xc: {  	[smem:$0x3FB0] =	sst s4  }
0xd: {  	[smem:$0x3FB1] =	sst s5  }
0xe: {  	[smem:$0x3FB2] =	sst s6  }
0xf: {  	[smem:$0x3FB3] =	sst s7  }
0x10: {  	[smem:$0x3FB4] =	sst s8  }
0x11: {  	[smem:$0x3FB5] =	sst s9;
	s0 =	simm.s32 @!p0 $0x0  }
0x12: {  	s1 =	sld [smem:$0x3F9B];
	s0 =	simm.s32 @p0 $0x1  }
0x13: {  	[smem:$0x3FB6] =	sst s0;
	s0 =	simm.s32 @!p1 $0x0  }
0x14: {  	s2 =	sld [smem:$0x3F9A];
	s0 =	simm.s32 @p1 $0x1  }
0x15: {  	[smem:$0x3FB7] =	sst s0;
	s0 =	simm.s32 @!p2 $0x0  }
0x16: {  	s3 =	sld [smem:$0x3FDB];
	s0 =	simm.s32 @p2 $0x1  }
0x17: {  	s4 =	simm.s32 $0x1BF5;
	[smem:$0x3FB9] =	sst s0  }
0x18: {  	s0 =	sld [smem:$0x3F9C];
	_ =	swait.ge [sflag:s4], $0x0  }
0x19: {  	s7 =	sld [smem:$0x3F9D]  }
0x1a: {  	s8 =	sadd.s32 $0xFFFFE003, lr  }
0x1b: {  	s9 =	sadd.s32 $0xFFFFFEF7, lr;
	s5 =	simm.s32 $0xFFFFFFFF;
	p2 =	slt.u32 s8, $0xFFFFF086  }
0x1c: {  	p1 =	slt.u32 s9, $0xF7A;
	s5 =	simm.s32 @!p2 $0x0  }
0x1d: {  	s5 =	simm.s32 @p1 $0x1;
	p0 =	seq.s32 s7, s2  }
0x1e: {  	s7 =	smul.u32 @!p0 $0xF7A, s2;
	p2 =	seq.s32 @!p0 s5, $0x0  }
0x1f: {  	s9 =	smul.u32 $0xF7A, s1;
	s8 =	simm.s32 @!p0 $0x1BF5;
	p2 =	por !p2, p0  }
0x20: {  	[sflag:s8] =	ssyncset.s32 @!p0 $0xFFFFF086;
	s6 =	sadd.s32 @!p0 s3, s7;
	s7 =	simm.s32 @!p0 $0x108  }
0x21: {  	s3 =	sadd.s32 s3, s9;
	s6 =	sadd.s32 @!p0 $0x88, s6;
	s7 =	simm.s32 @p2 $0x1082  }
0x22: {  	[simem:s7], [sflag:s8] =	dma.local @!p0 [hbm:s6], $0xF7A  }
0x23: {  	s9 =	sor.u32 $0xD0000000, s2;
	s6 =	simm.s32 $0x108;
	_ =	swait.ge @!p0 [sflag:s8], $0x0  }
0x24: {  	s3 =	sadd.s32 $0x88, s3;
	s6 =	simm.s32 @!p1 $0x1082;
	[sflag:s4] =	ssyncset.s32 $0xFFFFF086  }
0x25: {  	[simem:s6], [sflag:s4] =	dma.local [hbm:s3], $0xF7A  }
0x26: {  	[smem:$0x3F9D] =	sst s1;
	(tag) =	ssettag s2;
	_ =	strace s9  }
0x27: {  	s1 =	sld [smem:$0x3FAD]  }
0x28: {  	s2 =	sld [smem:$0x3FAE]  }
0x29: {  	s4 =	sld [smem:$0x3FB0]  }
0x2a: {  	p0 =	seq.s32 s5, $0x0;
	s5 =	sld [smem:$0x3FB1]  }
0x2b: {  	s6 =	sld [smem:$0x3FB2]  }
0x2c: {  	s7 =	sld [smem:$0x3FB3]  }
0x2d: {  	s3 =	simm.s32 $0x108;
	s8 =	sld [smem:$0x3FB4]  }
0x2e: {  	s3 =	simm.s32 @!p0 $0x1082;
	s9 =	sld [smem:$0x3FB5]  }
0x2f: {  	lr =	sadd.s32 s0, s3;
	s0 =	sld [smem:$0x3FAC]  }
0x30: {  	s3 =	sld [smem:$0x3FAF]  }
0x31: {  	[smem:$0x3FB8] =	sst s10  }
0x32: {  	s10 =	sld [smem:$0x3FB6];
	_ =	sdelay $0x3  }
0x33: {  	p0 =	seq.s32 s10, $0x1;
	s10 =	sld [smem:$0x3FB8];
	_ =	sdelay $0x3  }
0x34: {  	[smem:$0x3FB8] =	sst s10  }
0x35: {  	s10 =	sld [smem:$0x3FB7];
	_ =	sdelay $0x3  }
0x36: {  	p1 =	seq.s32 s10, $0x1;
	s10 =	sld [smem:$0x3FB8];
	_ =	sdelay $0x3  }
0x37: {  	[smem:$0x3FB8] =	sst s10  }
0x38: {  	s10 =	sld [smem:$0x3FB9]  }
0x39: {  	_ = 	snop;
	(pc) =	sbr.ind lr, $3  }
0x3a: {  	_ = 	snop  }
0x3b: {  	_ = 	snop  }
0x3c: {  	p2 =	seq.s32 s10, $0x1;
	s10 =	sld [smem:$0x3FB8]  }
0x3d: {  	_ =	shalt  }
0x3e: {  	_ =	shalt  }
0x3f: {  	_ =	shalt  }
0x40: {  	_ =	shalt  }
0x41: {  	_ =	shalt  }
0x42: {  	_ =	shalt  }
0x43: {  	_ =	shalt  }
0x44: {  	_ =	shalt  }
0x45: {  	_ =	shalt  }
0x46: {  	_ =	shalt  }
0x47: {  	_ =	shalt  }
0x48: {  	_ =	shalt  }
0x49: {  	_ =	shalt  }
0x4a: {  	_ =	shalt  }
0x4b: {  	_ =	shalt  }
0x4c: {  	_ =	shalt  }
0x4d: {  	_ =	shalt  }
0x4e: {  	_ =	shalt  }
0x4f: {  	_ =	shalt  }
0x50: {  	_ =	shalt  }
0x51: {  	_ =	shalt  }
0x52: {  	_ =	shalt  }
0x53: {  	_ =	shalt  }
0x54: {  	_ =	shalt  }
0x55: {  	_ =	shalt  }
0x56: {  	_ =	shalt  }
0x57: {  	_ =	shalt  }
0x58: {  	_ =	shalt  }
0x59: {  	_ =	shalt  }
0x5a: {  	_ =	shalt  }
0x5b: {  	_ =	shalt  }
0x5c: {  	_ =	shalt  }
0x5d: {  	_ =	shalt  }
0x5e: {  	_ =	shalt  }
0x5f: {  	_ =	shalt  }
0x60: {  	_ =	shalt  }
0x61: {  	_ =	shalt  }
0x62: {  	_ =	shalt  }
0x63: {  	_ =	shalt  }
0x64: {  	_ =	shalt  }
0x65: {  	_ =	shalt  }
0x66: {  	_ =	shalt  }
0x67: {  	_ =	shalt  }
0x68: {  	_ =	shalt  }
0x69: {  	_ =	shalt  }
0x6a: {  	_ =	shalt  }
0x6b: {  	_ =	shalt  }
0x6c: {  	_ =	shalt  }
0x6d: {  	_ =	shalt  }
0x6e: {  	_ =	shalt  }
0x6f: {  	_ =	shalt  }
0x70: {  	_ =	shalt  }
0x71: {  	_ =	shalt  }
0x72: {  	_ =	shalt  }
0x73: {  	_ =	shalt  }
0x74: {  	_ =	shalt  }
0x75: {  	_ =	shalt  }
0x76: {  	_ =	shalt  }
0x77: {  	_ =	shalt  }
0x78: {  	_ =	shalt  }
0x79: {  	_ =	shalt  }
0x7a: {  	_ =	shalt  }
0x7b: {  	_ =	shalt  }
0x7c: {  	_ =	shalt  }
0x7d: {  	_ =	shalt  }
0x7e: {  	_ =	shalt  }
0x7f: {  	_ =	shalt  }
0x80: {  	_ =	shalt  }
0x81: {  	_ =	shalt  }
0x82: {  	_ =	shalt  }
0x83: {  	_ =	shalt  }
0x84: {  	_ =	shalt  }
0x85: {  	_ =	shalt  }
0x86: {  	_ =	shalt  }
0x87: {  	_ =	shalt  }
.Lfunc_end0:
.L_simem_size_0:
called_computation_lowered:
.L_overlay_start_0:
0x88: {  	s2 =	sld [smem:$0x3FD9]  }
0x89: {  	s3 =	sld [smem:$0x3FFE];
	_ =	sdelay $0x1  }
0x8a: {  	s1 =	srdreg.scid  }
0x8b: {  	s0 =	sand.u32 $0x1, s1  }
0x8c: {  	s17 =	sshll.u32 s0, $0xA;
	s2 =	sadd.s32 s3, s2  }
0x8d: {  	s2 =	sadd.s32 s2, s17  }
0x8e: {  	[smem:$0x3FC4] =	sst s2  }
0x8f: {  	_ = 	snop  }
0x90: {  	s2 =	sld [smem:$0x3FC7]  }
0x91: {  	s18 =	sld [smem:$0x3FC6]  }
0x92: {  	s4 =	sld [smem:$0x3FD0];
	(tm) =	ssettm $0x1  }
0x93: {  	s5 =	sld [smem:$0x3FFB];
	_ =	sdelay $0x3  }
0x94: {  	_ =	strace s5  }
0x95: {  	s5 =	sld [smem:$0x3FFC];
	_ =	sdelay $0x3  }
0x96: {  	_ =	strace s5  }
0x97: {  	s5 =	sld [smem:$0x3FFD];
	_ =	sdelay $0x3  }
0x98: {  	_ =	strace s5  }
0x99: {  	_ =	strace $0x8FFFFFFF  }
0x9a: {  	s19 =	sld [smem:$0x3FDB];
	_ =	sdelay $0x1  }
0x9b: {  	s6 =	simm.s32 $_scs_section_size  }
0x9c: {  	s7 =	simm.s32 $_size__tile_overlayer_lowered;
	s8 =	simm.s32 $_tile_overlayer_lowered  }
0x9d: {  	s22 =	simm.s32 $0x1BFF;
	s21 =	sshll.u32 s8, $0x1;
	s5 =	sadd.s32 s6, s19  }
0x9e: {  	s9 =	simm.s32 $0x0;
	s20 =	sshll.u32 s7, $0x1;
	s7 =	sadd.s32 s21, s5  }
0x9f: {  	[timem:s9], [sflag:s22] =	dma.local [hbm:s7], s20  }
0xa0: {  	_ =	swait.ge [sflag:s22], s20  }
0xa1: {  	s6 =	ssub.s32 $0x0, s20;
	[sflag:s22] =	ssyncset.done $0x0  }
0xa2: {  	[sflag:s22] =	ssyncadd.s32 s6;
	_ =	sdelay $0x1  }
0xa3: {  	s23 =	simm.s32 $0x1B8B  }
0xa4: {  	_ =	swait.ge [sflag:s23], $0x1  }
0xa5: {  	[sflag:s23] =	ssyncset.done $0x0  }
0xa6: {  	s25 =	simm.s32 $0x1B8E;
	s24 =	sld [smem:$0x3FFE];
	[sflag:s23] =	ssyncadd.s32 $0xFFFFFFFF  }
0xa7: {  	s26 =	simm.s32 $execute0_lowered;
	[smem:$0x3FD2] =	sst s25  }
0xa8: {  	s7 =	sshll.u32 s26, $0x1;
	_ =	strace $0x80000046;
	[dreg:$0x1] =	wrdreg $0xFFFFFFFF  }
0xa9: {  	s28 =	simm.s32 $_size_execute0_lowered;
	s5 =	sadd.s32 s5, s7;
	[dreg:$0x0] =	wrdreg $0x0  }
0xaa: {  	s7 =	sshll.u32 s28, $0x1;
	[dreg:$0x2] =	wrdreg s5  }
0xab: {  	[dreg:$0x3] =	wrdreg s7  }
0xac: {  	[dreg:$0x4] =	wrdreg $0xC0  }
0xad: {  	_ =	task [dreg:s9], $0x5FFFF  }
0xae: {  	[dreg:$0x1] =	wrdreg $0xFFFFFFFF  }
0xaf: {  	[dreg:$0x0] =	wrdreg $0x60  }
0xb0: {  	[dreg:$0x2] =	wrdreg s2  }
0xb1: {  	[dreg:$0x3] =	wrdreg s18  }
0xb2: {  	[dreg:$0x4] =	wrdreg s24  }
0xb3: {  	[dreg:$0x5] =	wrdreg s4  }
0xb4: {  	[dreg:$0x6] =	wrdreg $0x136000  }
0xb5: {  	[dreg:$0x7] =	wrdreg $0x9  }
0xb6: {  	_ =	task.clear_ibuf [dreg:s9], $0x8FFFF;
	_ =	strace $0x90000046  }
0xb7: {  	s29 =	simm.s32 $0x9;
	_ =	strace $0x80000048  }
0xb8: {  	_ =	swait.ge [sflag:s29], $0x1  }
0xb9: {  	[sflag:s29] =	ssyncadd.s32 $0xFFFFFFFF  }
0xba: {  	_ =	strace $0x90000048  }
0xbb: {  	_ =	sfence  }
0xbc: {  	s30 =	sld [smem:$0x0];
	_ =	sdelay $0x2  }
0xbd: {  	s31 =	sshll.u32 s1, $0xD;
	s1 =	sshrl.u32 s1, $0x2  }
0xbe: {  	s3 =	sand.u32 $0x4000, s31;
	s1 =	sadd.s32 s1, s30  }
0xbf: {  	s0 =	sor.u32 s3, s0;
	s1 =	sshll.u32 s1, $0x11  }
0xc0: {  	s0 =	sor.u32 s1, s0  }
0xc1: {  	s0 =	sadd.s32 $0x8F2B, s0  }
0xc2: {  	[sflag:s0] =	ssyncadd.remote.s32 $0x1  }
0xc3: {  	_ =	sfence.sel $0xFFFF  }
0xc4: {  	[dreg:$0x0] =	wrdreg $0xFFFFFFFF;
	(pc) =	sbr.abs _section_cstart, $3  }
0xc5: {  	[dreg:$0x1] =	wrdreg $0xFFFFFFFF  }
0xc6: {  	_ =	task.clear_ibuf [dreg:s9], $0x2FFFF;
	_ =	strace $0x9FFFFFFF  }
0xc7: {  	(tm) =	ssettm $0x7FFFFFFF  }
tec
execute0_lowered:
.L_overlay_start_1:
0x0: {  	(tag) =	ssettag $0x1  }
0x1: {  	s0 =	rddreg [dreg:$0x0]  }
0x2: {  	s1 =	srdreg.scid;
	s2 =	stileid.u32  }
0x3: {  	s3 =	rddreg [dreg:$0x2];
	s7 =	smul.u32 $0x32000, s2  }
0x4: {  	s1 =	sand.u32 $0x1, s1;
	s4 =	sshll.u32 s2, $0x1;
	s8 =	smul.u32 $0x190000, s2  }
0x5: {  	p0 =	sne.s32 s2, $0x0;
	s5 =	sor.u32 s1, s4;
	s9 =	smul.u32 $0xC8000, s1  }
0x6: {  	s4 =	rddreg [dreg:$0x4];
	s10 =	ssub.s32 $0x2, s1;
	s1 =	smul.u32 $0x19000, s1  }
0x7: {  	s6 =	smul.u32 $0x1900, s5;
	s5 =	simm.s32 $0x0;
	s31 =	sshrl.u32 s10, $0x1  }
0x8: {  	[smem:$0x7FF] =	sst s5;
	s8 =	sadd.s32 s9, s8;
	s1 =	sadd.s32 s1, s7  }
0x9: {  	s7 =	simm.s32 $0x8;
	s9 =	simm.s32 $0x12;
	_ =	strace $0x80000047  }
0xa: {  	s6 =	sshrl.u32 s6, $0x3;
	s11 =	sor.u32 $0x1000, s8;
	[dreg:$0x6] =	wrdreg s1  }
0xb: {  	s13 =	sor.u32 $0x7000, s8;
	s15 =	sor.u32 $0x6000, s8;
	s17 =	sor.u32 $0x5000, s8  }
0xc: {  	s19 =	sor.u32 $0x4000, s8;
	s21 =	sor.u32 $0x3000, s8;
	s12 =	sshrl.u32 s11, $0x3  }
0xd: {  	s23 =	sor.u32 $0x2000, s8;
	s14 =	sshrl.u32 s13, $0x3;
	[dreg:$0x7] =	wrdreg s12  }
0xe: {  	s25 =	sadd.s32 $0x9000, s8;
	s16 =	sshrl.u32 s15, $0x3;
	[dreg:$0x8] =	wrdreg s14  }
0xf: {  	s28 =	sadd.s32 $0x8000, s8;
	s18 =	sshrl.u32 s17, $0x3;
	[dreg:$0x9] =	wrdreg s16  }
0x10: {  	s8 =	simm.s32 $0x11;
	s20 =	sshrl.u32 s19, $0x3;
	[dreg:$0xa] =	wrdreg s18  }
0x11: {  	s3 =	sadd.s32 s6, s3;
	s22 =	sshrl.u32 s21, $0x3;
	[dreg:$0xb] =	wrdreg s20  }
0x12: {  	s6 =	ssub.s32 s10, s31;
	s24 =	sshrl.u32 s23, $0x3;
	[dreg:$0xc] =	wrdreg s22  }
0x13: {  	s26 =	sshrl.u32 s25, $0x3;
	s30 =	sshrl.u32 s28, $0x3;
	[dreg:$0xd] =	wrdreg s24  }
0x14: {  	s11 =	simm.s32 $0x20;
	s13 =	simm.s32 $0x14;
	[dreg:$0xe] =	wrdreg s26  }
0x15: {  	s29 =	sadd.s32 $0x400, s3;
	s3 =	sadd.s32 $0x6800, s3;
	[dreg:$0xf] =	wrdreg s30  }
0x16: {  	s31 =	smax.u32 s6, $0x1;
	s26 =	simm.s32 $0x9;
	[dreg:$0x10] =	wrdreg s29  }
0x17: {  	s12 =	simm.s32 $0x13;
	s6 =	simm.s32 $0x0;
	[dreg:$0x11] =	wrdreg s3  }
0x18: {  	s24 =	simm.s32 $0x6200;
	[dreg:$0x12] =	wrdreg s31;
	s3 =	simm.s32 $0xA  }
.LBB2_1:
0x19: {  	s1 =	simm.s32 @!p0 $0x0;
	s2 =	simm.s32 @!p0 $0xD200;
	s14 =	rddreg [dreg:$0x1]  }
0x1a: {  	[tilespmem:s2], [sflag:$0x1F] =	stream.linear.gather @!p0 [hbm4b:s14+s1], $0x6400, $0x38;
	[tilespmem:$0x13C40] =	vst v63  }
0x1b: {  	[dreg:$0x13] =	wrdreg s6;
	s1 =	simm.s32 @!p0 $0x1F  }
0x1c: {  	_ =	swait.ge @!p0 [sflag:s1], $0x6400  }
0x1d: {  	[sflag:s1] =	ssyncset.done @!p0 $0x0  }
0x1e: {  	[sflag:s1] =	ssyncadd.s32 @!p0 $0xFFFF9C00  }
0x1f: {  	[spmem:s4] =	stream.linear.scatter @!p0 [tilespmem:s2], [sflag:$0x1F], $0x6400, $0x38;
	[tilespmem:$0x13C40] =	vst v63  }
0x20: {  	_ =	swait.ge @!p0 [sflag:s1], $0x6400  }
0x21: {  	[sflag:s1] =	ssyncset.done @!p0 $0x0  }
0x22: {  	s22 =	simm.s32 $0x1F;
	s21 =	rddreg [dreg:$0x10];
	[sflag:s1] =	ssyncadd.s32 @!p0 $0xFFFF9C00  }
0x23: {  	[tilespmem:s5], [sflag:$0x1F] =	stream.linear.gather [hbm4b:s21+s5], $0x1900, $0x38;
	[tilespmem:$0x13C40] =	vst v63  }
0x24: {  	_ =	swait.ge [sflag:s22], $0x1900  }
0x25: {  	[sflag:s22] =	ssyncset.done $0x0  }
0x26: {  	s25 =	simm.s32 $0x1900;
	s23 =	rddreg [dreg:$0x11];
	[sflag:s22] =	ssyncadd.s32 $0xFFFFE700  }
0x27: {  	[tilespmem:s25], [sflag:$0x1F] =	stream.linear.gather [hbm4b:s23+s5], $0x1900, $0x38;
	[tilespmem:$0x13C40] =	vst v63  }
0x28: {  	_ =	swait.ge [sflag:s22], $0x1900  }
0x29: {  	[sflag:s22] =	ssyncset.done $0x0  }
0x2a: {  	s15 =	simm.s32 $0x3200;
	[sflag:s22] =	ssyncadd.s32 $0xFFFFE700  }
0x2b: {  	[tilespmem:s15], [sflag:$0x1] =	stream.indirect.gather [hbm4b:s0+s11], $0x80, s5, s11, $0xb8;
	[tilespmem:$0x13C40] =	vst v63  }
0x2c: {  	s16 =	simm.s32 $0x4200  }
0x2d: {  	[tilespmem:s16], [sflag:$0x2] =	stream.indirect.gather [hbm4b:s0+s11], $0x80, s11, s11, $0xb8;
	[tilespmem:$0x13C40] =	vst v63  }
0x2e: {  	s28 =	simm.s32 $0x40;
	s17 =	simm.s32 $0x5200  }
0x2f: {  	[tilespmem:s17], [sflag:$0x3] =	stream.indirect.gather [hbm4b:s0+s11], $0x80, s28, s11, $0xb8;
	[tilespmem:$0x13C40] =	vst v63  }
0x30: {  	s29 =	simm.s32 $0x60;
	s18 =	simm.s32 $0x6200  }
0x31: {  	[tilespmem:s18], [sflag:$0x4] =	stream.indirect.gather [hbm4b:s0+s11], $0x80, s29, s11, $0xb8;
	[tilespmem:$0x13C40] =	vst v63  }
0x32: {  	s30 =	simm.s32 $0x80;
	s19 =	simm.s32 $0x7200  }
0x33: {  	[tilespmem:s19], [sflag:$0x5] =	stream.indirect.gather [hbm4b:s0+s11], $0x80, s30, s11, $0xb8;
	[tilespmem:$0x13C40] =	vst v63  }
0x34: {  	s31 =	simm.s32 $0xA0;
	s20 =	simm.s32 $0x8200  }
0x35: {  	[tilespmem:s20], [sflag:$0x6] =	stream.indirect.gather [hbm4b:s0+s11], $0x80, s31, s11, $0xb8;
	[tilespmem:$0x13C40] =	vst v63  }
0x36: {  	s2 =	simm.s32 $0xC0;
	s22 =	simm.s32 $0x9200  }
0x37: {  	[tilespmem:s22], [sflag:$0x7] =	stream.indirect.gather [hbm4b:s0+s11], $0x80, s2, s11, $0xb8;
	[tilespmem:$0x13C40] =	vst v63  }
0x38: {  	s6 =	simm.s32 $0xE0;
	s23 =	simm.s32 $0xA200  }
0x39: {  	[tilespmem:s23], [sflag:$0x8] =	stream.indirect.gather [hbm4b:s0+s11], $0x80, s6, s11, $0xb8;
	[tilespmem:$0x13C40] =	vst v63  }
0x3a: {  	s10 =	simm.s32 $0x1;
	[bflag:$0x0] =	sbarrier.arrive $0xFFFF  }
0x3b: {  	p1 =	por $0x1, $0x1;
	_ =	swait.ge [sflag:s10], $0x1000  }
0x3c: {  	p1 =	por p1, p1;
	[sflag:s10] =	ssyncset.done $0x0  }
0x3d: {  	s1 =	simm.s32 @!p1 $0x1D;
	[sflag:s10] =	ssyncadd.s32 $0xFFFFF000  }
0x3e: {  	[tilespmem:s15], [sflag:$0xB] =	stream.indirect.gather.add.f32 [spmem:s4], $0x80, s25, s11, $0xb8;
	[tilespmem:$0x13C40] =	vst v63  }
0x3f: {  	_ =	swait.ge @!p1 [sflag:s1], $0x1000  }
0x40: {  	s21 =	simm.s32 $0x100;
	[sflag:s1] =	ssyncset.done @!p1 $0x0  }
0x41: {  	s10 =	simm.s32 $0xB200;
	s25 =	simm.s32 $0x2;
	[sflag:s1] =	ssyncadd.s32 @!p1 $0xFFFFF000  }
0x42: {  	[tilespmem:s10], [sflag:$0x9] =	stream.indirect.gather [hbm4b:s0+s11], $0x80, s21, s11, $0xb8;
	[tilespmem:$0x13C40] =	vst v63  }
0x43: {  	_ =	swait.ge [sflag:s25], $0x1000  }
0x44: {  	[sflag:s25] =	ssyncset.done $0x0  }
0x45: {  	s28 =	simm.s32 $0x1920;
	s29 =	simm.s32 $0xB;
	[sflag:s25] =	ssyncadd.s32 $0xFFFFF000  }
0x46: {  	[tilespmem:s16], [sflag:$0xC] =	stream.indirect.gather.add.f32 [spmem:s4], $0x80, s28, s11, $0xb8;
	[tilespmem:$0x13C40] =	vst v63  }
0x47: {  	_ =	swait.ge [sflag:s29], $0x1000  }
0x48: {  	[sflag:s29] =	ssyncset.done $0x0  }
0x49: {  	s30 =	rddreg [dreg:$0x6];
	[sflag:s29] =	ssyncadd.s32 $0xFFFFF000  }
0x4a: {  	s21 =	rddreg [dreg:$0x3]  }
0x4b: {  	s2 =	simm.s32 @!p1 $0x1E;
	s1 =	sadd.s32 s21, s30  }
0x4c: {  	[hbm4b:s1+s5] =	stream.linear.scatter [tilespmem:s15], [sflag:$0x15], $0x1000, $0x38;
	[tilespmem:$0x13C40] =	vst v63  }
0x4d: {  	_ =	swait.ge @!p1 [sflag:s2], $0x1000  }
0x4e: {  	s31 =	simm.s32 $0x120;
	[sflag:s2] =	ssyncset.done @!p1 $0x0  }
0x4f: {  	s6 =	simm.s32 $0xC200;
	[sflag:s2] =	ssyncadd.s32 @!p1 $0xFFFFF000;
	s2 =	simm.s32 $0x3  }
0x50: {  	[tilespmem:s6], [sflag:$0xA] =	stream.indirect.gather [hbm4b:s0+s11], $0x80, s31, s11, $0xb8;
	[tilespmem:$0x13C40] =	vst v63  }
0x51: {  	_ =	swait.ge [sflag:s2], $0x1000  }
0x52: {  	[sflag:s2] =	ssyncset.done $0x0  }
0x53: {  	s14 =	simm.s32 $0x1940;
	s15 =	simm.s32 $0xC;
	[sflag:s2] =	ssyncadd.s32 $0xFFFFF000  }
0x54: {  	[tilespmem:s17], [sflag:$0xD] =	stream.indirect.gather.add.f32 [spmem:s4], $0x80, s14, s11, $0xb8;
	[tilespmem:$0x13C40] =	vst v63  }
0x55: {  	_ =	swait.ge [sflag:s15], $0x1000  }
0x56: {  	s25 =	rddreg [dreg:$0x7];
	[sflag:s15] =	ssyncset.done $0x0  }
0x57: {  	p1 =	por $0x0, $0x0;
	[sflag:s15] =	ssyncadd.s32 $0xFFFFF000;
	s1 =	sadd.s32 s21, s25  }
0x58: {  	[hbm4b:s1+s5] =	stream.linear.scatter [tilespmem:s16], [sflag:$0x16], $0x1000, $0x38;
	[tilespmem:$0x13C40] =	vst v63  }
0x59: {  	s1 =	simm.s32 @!p1 $0x15  }
0x5a: {  	_ =	swait.ge @!p1 [sflag:s1], $0x1000  }
0x5b: {  	s28 =	simm.s32 $0x4;
	s2 =	simm.s32 @!p1 $0x3200;
	[sflag:s1] =	ssyncset.done @!p1 $0x0  }
0x5c: {  	s14 =	simm.s32 @!p1 $0x140;
	s15 =	simm.s32 @!p1 $0x20;
	[sflag:s1] =	ssyncadd.s32 @!p1 $0xFFFFF000  }
0x5d: {  	[tilespmem:s2], [sflag:$0x1] =	stream.indirect.gather @!p1 [hbm4b:s0+s15], $0x80, s14, s15, $0xb8;
	[tilespmem:$0x13C40] =	vst v63  }
0x5e: {  	_ =	swait.ge [sflag:s28], $0x1000  }
0x5f: {  	[sflag:s28] =	ssyncset.done $0x0  }
0x60: {  	s29 =	simm.s32 $0x1960;
	s30 =	simm.s32 $0xD;
	[sflag:s28] =	ssyncadd.s32 $0xFFFFF000  }
0x61: {  	[tilespmem:s18], [sflag:$0xE] =	stream.indirect.gather.add.f32 [spmem:s4], $0x80, s29, s11, $0xb8;
	[tilespmem:$0x13C40] =	vst v63  }
0x62: {  	_ =	swait.ge [sflag:s30], $0x1000  }
0x63: {  	s31 =	rddreg [dreg:$0xd];
	[sflag:s30] =	ssyncset.done $0x0  }
0x64: {  	s14 =	simm.s32 @!p1 $0x16;
	[sflag:s30] =	ssyncadd.s32 $0xFFFFF000;
	s1 =	sadd.s32 s21, s31  }
0x65: {  	[hbm4b:s1+s5] =	stream.linear.scatter [tilespmem:s17], [sflag:$0x17], $0x1000, $0x38;
	[tilespmem:$0x13C40] =	vst v63  }
0x66: {  	_ =	swait.ge @!p1 [sflag:s14], $0x1000  }
0x67: {  	[sflag:s14] =	ssyncset.done @!p1 $0x0  }
0x68: {  	s16 =	simm.s32 @!p1 $0x4200;
	s1 =	simm.s32 @!p1 $0x160;
	[sflag:s14] =	ssyncadd.s32 @!p1 $0xFFFFF000  }
0x69: {  	[tilespmem:s16], [sflag:$0x2] =	stream.indirect.gather @!p1 [hbm4b:s0+s15], $0x80, s1, s15, $0xb8;
	[tilespmem:$0x13C40] =	vst v63  }
0x6a: {  	s1 =	simm.s32 $0x5  }
0x6b: {  	_ =	swait.ge [sflag:s1], $0x1000  }
0x6c: {  	[sflag:s1] =	ssyncset.done $0x0  }
0x6d: {  	s17 =	simm.s32 $0xE;
	s16 =	simm.s32 $0x1980;
	[sflag:s1] =	ssyncadd.s32 $0xFFFFF000  }
0x6e: {  	[tilespmem:s19], [sflag:$0xF] =	stream.indirect.gather.add.f32 [spmem:s4], $0x80, s16, s11, $0xb8;
	[tilespmem:$0x13C40] =	vst v63  }
0x6f: {  	_ =	swait.ge [sflag:s17], $0x1000  }
0x70: {  	s25 =	rddreg [dreg:$0xc];
	[sflag:s17] =	ssyncset.done $0x0  }
0x71: {  	s14 =	simm.s32 @!p1 $0x17;
	[sflag:s17] =	ssyncadd.s32 $0xFFFFF000;
	s1 =	sadd.s32 s21, s25  }
0x72: {  	[hbm4b:s1+s5] =	stream.linear.scatter [tilespmem:s18], [sflag:$0x18], $0x1000, $0x38;
	[tilespmem:$0x13C40] =	vst v63  }
0x73: {  	_ =	swait.ge @!p1 [sflag:s14], $0x1000  }
0x74: {  	s28 =	simm.s32 $0x6;
	[sflag:s14] =	ssyncset.done @!p1 $0x0  }
0x75: {  	s16 =	simm.s32 @!p1 $0x5200;
	s1 =	simm.s32 @!p1 $0x180;
	[sflag:s14] =	ssyncadd.s32 @!p1 $0xFFFFF000  }
0x76: {  	[tilespmem:s16], [sflag:$0x3] =	stream.indirect.gather @!p1 [hbm4b:s0+s15], $0x80, s1, s15, $0xb8;
	[tilespmem:$0x13C40] =	vst v63  }
0x77: {  	_ =	swait.ge [sflag:s28], $0x1000  }
0x78: {  	[sflag:s28] =	ssyncset.done $0x0  }
0x79: {  	s29 =	simm.s32 $0x19A0;
	s30 =	simm.s32 $0xF;
	[sflag:s28] =	ssyncadd.s32 $0xFFFFF000  }
0x7a: {  	[tilespmem:s20], [sflag:$0x10] =	stream.indirect.gather.add.f32 [spmem:s4], $0x80, s29, s11, $0xb8;
	[tilespmem:$0x13C40] =	vst v63  }
0x7b: {  	_ =	swait.ge [sflag:s30], $0x1000  }
0x7c: {  	s31 =	rddreg [dreg:$0xb];
	[sflag:s30] =	ssyncset.done $0x0  }
0x7d: {  	s14 =	simm.s32 @!p1 $0x18;
	[sflag:s30] =	ssyncadd.s32 $0xFFFFF000;
	s1 =	sadd.s32 s21, s31  }
0x7e: {  	[hbm4b:s1+s5] =	stream.linear.scatter [tilespmem:s19], [sflag:$0x19], $0x1000, $0x38;
	[tilespmem:$0x13C40] =	vst v63  }
0x7f: {  	_ =	swait.ge @!p1 [sflag:s14], $0x1000  }
0x80: {  	[sflag:s14] =	ssyncset.done @!p1 $0x0  }
0x81: {  	s16 =	simm.s32 @!p1 $0x6200;
	s1 =	simm.s32 @!p1 $0x1A0;
	[sflag:s14] =	ssyncadd.s32 @!p1 $0xFFFFF000  }
0x82: {  	[tilespmem:s16], [sflag:$0x4] =	stream.indirect.gather @!p1 [hbm4b:s0+s15], $0x80, s1, s15, $0xb8;
	[tilespmem:$0x13C40] =	vst v63  }
0x83: {  	s16 =	simm.s32 $0x7  }
0x84: {  	_ =	swait.ge [sflag:s16], $0x1000  }
0x85: {  	[sflag:s16] =	ssyncset.done $0x0  }
0x86: {  	s17 =	simm.s32 $0x19C0;
	s18 =	simm.s32 $0x10;
	[sflag:s16] =	ssyncadd.s32 $0xFFFFF000  }
0x87: {  	[tilespmem:s22], [sflag:$0x11] =	stream.indirect.gather.add.f32 [spmem:s4], $0x80, s17, s11, $0xb8;
	[tilespmem:$0x13C40] =	vst v63  }
0x88: {  	_ =	swait.ge [sflag:s18], $0x1000  }
0x89: {  	s19 =	rddreg [dreg:$0xa];
	[sflag:s18] =	ssyncset.done $0x0  }
0x8a: {  	s14 =	simm.s32 @!p1 $0x19;
	[sflag:s18] =	ssyncadd.s32 $0xFFFFF000;
	s1 =	sadd.s32 s21, s19  }
0x8b: {  	[hbm4b:s1+s5] =	stream.linear.scatter [tilespmem:s20], [sflag:$0x1A], $0x1000, $0x38;
	[tilespmem:$0x13C40] =	vst v63  }
0x8c: {  	_ =	swait.ge @!p1 [sflag:s14], $0x1000  }
0x8d: {  	[sflag:s14] =	ssyncset.done @!p1 $0x0  }
0x8e: {  	s16 =	simm.s32 @!p1 $0x7200;
	s1 =	simm.s32 @!p1 $0x1C0;
	[sflag:s14] =	ssyncadd.s32 @!p1 $0xFFFFF000  }
0x8f: {  	[tilespmem:s16], [sflag:$0x5] =	stream.indirect.gather @!p1 [hbm4b:s0+s15], $0x80, s1, s15, $0xb8;
	[tilespmem:$0x13C40] =	vst v63  }
0x90: {  	_ =	swait.ge [sflag:s7], $0x1000  }
0x91: {  	[sflag:s7] =	ssyncset.done $0x0  }
0x92: {  	s20 =	simm.s32 $0x19E0;
	[sflag:s7] =	ssyncadd.s32 $0xFFFFF000  }
0x93: {  	[tilespmem:s23], [sflag:$0x12] =	stream.indirect.gather.add.f32 [spmem:s4], $0x80, s20, s11, $0xb8;
	[tilespmem:$0x13C40] =	vst v63  }
0x94: {  	_ =	swait.ge [sflag:s8], $0x1000  }
0x95: {  	s25 =	rddreg [dreg:$0x9];
	[sflag:s8] =	ssyncset.done $0x0  }
0x96: {  	s14 =	simm.s32 @!p1 $0x1A;
	[sflag:s8] =	ssyncadd.s32 $0xFFFFF000;
	s1 =	sadd.s32 s21, s25  }
0x97: {  	[hbm4b:s1+s5] =	stream.linear.scatter [tilespmem:s22], [sflag:$0x1B], $0x1000, $0x38;
	[tilespmem:$0x13C40] =	vst v63  }
0x98: {  	_ =	swait.ge @!p1 [sflag:s14], $0x1000  }
0x99: {  	[sflag:s14] =	ssyncset.done @!p1 $0x0  }
0x9a: {  	s16 =	simm.s32 @!p1 $0x8200;
	s1 =	simm.s32 @!p1 $0x1E0;
	[sflag:s14] =	ssyncadd.s32 @!p1 $0xFFFFF000  }
0x9b: {  	[tilespmem:s16], [sflag:$0x6] =	stream.indirect.gather @!p1 [hbm4b:s0+s15], $0x80, s1, s15, $0xb8;
	[tilespmem:$0x13C40] =	vst v63  }
0x9c: {  	_ =	swait.ge [sflag:s26], $0x1000  }
0x9d: {  	[sflag:s26] =	ssyncset.done $0x0  }
0x9e: {  	s28 =	simm.s32 $0x1A00;
	[sflag:s26] =	ssyncadd.s32 $0xFFFFF000  }
0x9f: {  	[tilespmem:s10], [sflag:$0x13] =	stream.indirect.gather.add.f32 [spmem:s4], $0x80, s28, s11, $0xb8;
	[tilespmem:$0x13C40] =	vst v63  }
0xa0: {  	_ =	swait.ge [sflag:s9], $0x1000  }
0xa1: {  	s29 =	rddreg [dreg:$0x8];
	[sflag:s9] =	ssyncset.done $0x0  }
0xa2: {  	s14 =	simm.s32 @!p1 $0x1B;
	[sflag:s9] =	ssyncadd.s32 $0xFFFFF000;
	s1 =	sadd.s32 s21, s29  }
0xa3: {  	[hbm4b:s1+s5] =	stream.linear.scatter [tilespmem:s23], [sflag:$0x1C], $0x1000, $0x38;
	[tilespmem:$0x13C40] =	vst v63  }
0xa4: {  	_ =	swait.ge @!p1 [sflag:s14], $0x1000  }
0xa5: {  	[sflag:s14] =	ssyncset.done @!p1 $0x0  }
0xa6: {  	s16 =	simm.s32 @!p1 $0x9200;
	s1 =	simm.s32 @!p1 $0x200;
	[sflag:s14] =	ssyncadd.s32 @!p1 $0xFFFFF000  }
0xa7: {  	[tilespmem:s16], [sflag:$0x7] =	stream.indirect.gather @!p1 [hbm4b:s0+s15], $0x80, s1, s15, $0xb8;
	[tilespmem:$0x13C40] =	vst v63  }
0xa8: {  	_ =	swait.ge [sflag:s3], $0x1000  }
0xa9: {  	[sflag:s3] =	ssyncset.done $0x0  }
0xaa: {  	s30 =	simm.s32 $0x1A20;
	[sflag:s3] =	ssyncadd.s32 $0xFFFFF000  }
0xab: {  	[tilespmem:s6], [sflag:$0x14] =	stream.indirect.gather.add.f32 [spmem:s4], $0x80, s30, s11, $0xb8;
	[tilespmem:$0x13C40] =	vst v63  }
0xac: {  	_ =	swait.ge [sflag:s12], $0x1000  }
0xad: {  	s31 =	rddreg [dreg:$0xf];
	[sflag:s12] =	ssyncset.done $0x0  }
0xae: {  	s14 =	simm.s32 @!p1 $0x1C;
	[sflag:s12] =	ssyncadd.s32 $0xFFFFF000;
	s1 =	sadd.s32 s21, s31  }
0xaf: {  	[hbm4b:s1+s5] =	stream.linear.scatter [tilespmem:s10], [sflag:$0x1D], $0x1000, $0x38;
	[tilespmem:$0x13C40] =	vst v63  }
0xb0: {  	_ =	swait.ge @!p1 [sflag:s14], $0x1000  }
0xb1: {  	s16 =	simm.s32 @!p1 $0xA200;
	[sflag:s14] =	ssyncset.done @!p1 $0x0  }
0xb2: {  	s1 =	simm.s32 @!p1 $0x220;
	[sflag:s14] =	ssyncadd.s32 @!p1 $0xFFFFF000;
	s14 =	simm.s32 @!p1 $0x1  }
0xb3: {  	[tilespmem:s16], [sflag:$0x8] =	stream.indirect.gather @!p1 [hbm4b:s0+s15], $0x80, s1, s15, $0xb8;
	[tilespmem:$0x13C40] =	vst v63  }
0xb4: {  	_ =	swait.ge @!p1 [sflag:s14], $0x1000  }
0xb5: {  	[sflag:s14] =	ssyncset.done @!p1 $0x0  }
0xb6: {  	p6 =	por $0x0, $0x0;
	s1 =	simm.s32 @!p1 $0x1A40;
	[sflag:s14] =	ssyncadd.s32 @!p1 $0xFFFFF000  }
0xb7: {  	[tilespmem:s2], [sflag:$0xB] =	stream.indirect.gather.add.f32 @!p1 [spmem:s4], $0x80, s1, s15, $0xb8;
	[tilespmem:$0x13C40] =	vst v63  }
0xb8: {  	s17 =	simm.s32 $0x500;
	s19 =	simm.s32 $0xA00;
	_ =	swait.ge [sflag:s13], $0x1000  }
0xb9: {  	p1 =	por p6, p6;
	s15 =	sadd.s32 $0x1400, s21;
	[sflag:s13] =	ssyncset.done $0x0  }
0xba: {  	s1 =	simm.s32 @!p1 $0x1D;
	s2 =	rddreg [dreg:$0xe];
	[sflag:s13] =	ssyncadd.s32 $0xFFFFF000  }
.LBB2_2:
0xbb: {  	s2 =	sadd.s32 s21, s2;
	s6 =	simm.s32 $0xC200  }
0xbc: {  	[hbm4b:s2+s5] =	stream.linear.scatter [tilespmem:s6], [sflag:$0x1E], $0x1000, $0x38;
	[tilespmem:$0x13C40] =	vst v63  }
0xbd: {  	_ =	swait.ge @!p1 [sflag:s1], $0x1000  }
0xbe: {  	s23 =	sshra.s32 s17, $0x2;
	s10 =	simm.s32 $0xB200;
	[sflag:s1] =	ssyncset.done @!p1 $0x0  }
0xbf: {  	s28 =	simm.s32 $0x2;
	s25 =	sadd.s32 $0x100, s23;
	[sflag:s1] =	ssyncadd.s32 @!p1 $0xFFFFF000  }
0xc0: {  	[tilespmem:s10], [sflag:$0x9] =	stream.indirect.gather [hbm4b:s0+s11], $0x80, s25, s11, $0xb8;
	[tilespmem:$0x13C40] =	vst v63  }
0xc1: {  	_ =	swait.ge [sflag:s28], $0x1000  }
0xc2: {  	s18 =	simm.s32 $0x4200;
	[sflag:s28] =	ssyncset.done $0x0  }
0xc3: {  	s30 =	simm.s32 $0xB;
	s29 =	sadd.s32 $0x1920, s23;
	[sflag:s28] =	ssyncadd.s32 $0xFFFFF000  }
0xc4: {  	[tilespmem:s18], [sflag:$0xC] =	stream.indirect.gather.add.f32 [spmem:s4], $0x80, s29, s11, $0xb8;
	[tilespmem:$0x13C40] =	vst v63  }
0xc5: {  	_ =	swait.ge [sflag:s30], $0x1000  }
0xc6: {  	s14 =	simm.s32 $0x3200;
	s31 =	rddreg [dreg:$0x6];
	[sflag:s30] =	ssyncset.done $0x0  }
0xc7: {  	s2 =	simm.s32 @!p1 $0x1E;
	[sflag:s30] =	ssyncadd.s32 $0xFFFFF000;
	s1 =	sadd.s32 s15, s31  }
0xc8: {  	[hbm4b:s1+s5] =	stream.linear.scatter [tilespmem:s14], [sflag:$0x15], $0x1000, $0x38;
	[tilespmem:$0x13C40] =	vst v63  }
0xc9: {  	_ =	swait.ge @!p1 [sflag:s2], $0x1000  }
0xca: {  	[sflag:s2] =	ssyncset.done @!p1 $0x0  }
0xcb: {  	s14 =	simm.s32 $0x3;
	[sflag:s2] =	ssyncadd.s32 @!p1 $0xFFFFF000;
	s2 =	sadd.s32 $0x120, s23  }
0xcc: {  	[tilespmem:s6], [sflag:$0xA] =	stream.indirect.gather [hbm4b:s0+s11], $0x80, s2, s11, $0xb8;
	[tilespmem:$0x13C40] =	vst v63  }
0xcd: {  	_ =	swait.ge [sflag:s14], $0x1000  }
0xce: {  	s22 =	simm.s32 $0x5200;
	[sflag:s14] =	ssyncset.done $0x0  }
0xcf: {  	s20 =	sadd.s32 $0x1940, s23;
	s25 =	simm.s32 $0xC;
	[sflag:s14] =	ssyncadd.s32 $0xFFFFF000  }
0xd0: {  	[tilespmem:s22], [sflag:$0xD] =	stream.indirect.gather.add.f32 [spmem:s4], $0x80, s20, s11, $0xb8;
	[tilespmem:$0x13C40] =	vst v63  }
0xd1: {  	p3 =	seq.s32 s19, $0x0;
	_ =	swait.ge [sflag:s25], $0x1000  }
0xd2: {  	p1 =	por p3, p3;
	s28 =	rddreg [dreg:$0x7];
	[sflag:s25] =	ssyncset.done $0x0  }
0xd3: {  	p3 =	seq.s32 s17, $0x5F00;
	[sflag:s25] =	ssyncadd.s32 $0xFFFFF000;
	s1 =	sadd.s32 s15, s28  }
0xd4: {  	[hbm4b:s1+s5] =	stream.linear.scatter [tilespmem:s18], [sflag:$0x16], $0x1000, $0x38;
	[tilespmem:$0x13C40] =	vst v63  }
0xd5: {  	s1 =	simm.s32 @!p3 $0x15  }
0xd6: {  	s14 =	sshra.s32 @!p3 s17, $0x2;
	_ =	swait.ge @!p3 [sflag:s1], $0x1000  }
0xd7: {  	s29 =	simm.s32 $0x4;
	s17 =	sadd.s32 @!p3 $0x140, s14;
	[sflag:s1] =	ssyncset.done @!p3 $0x0  }
0xd8: {  	s25 =	simm.s32 @!p3 $0x3200;
	s28 =	simm.s32 @!p3 $0x20;
	[sflag:s1] =	ssyncadd.s32 @!p3 $0xFFFFF000  }
0xd9: {  	[tilespmem:s25], [sflag:$0x1] =	stream.indirect.gather @!p3 [hbm4b:s0+s28], $0x80, s17, s28, $0xb8;
	[tilespmem:$0x13C40] =	vst v63  }
0xda: {  	_ =	swait.ge [sflag:s29], $0x1000  }
0xdb: {  	[sflag:s29] =	ssyncset.done $0x0  }
0xdc: {  	s20 =	sadd.s32 $0x1960, s23;
	[sflag:s29] =	ssyncadd.s32 $0xFFFFF000  }
0xdd: {  	[tilespmem:s24], [sflag:$0xE] =	stream.indirect.gather.add.f32 [spmem:s4], $0x80, s20, s11, $0xb8;
	[tilespmem:$0x13C40] =	vst v63  }
0xde: {  	s20 =	simm.s32 $0xD  }
0xdf: {  	s16 =	smov.u32 s19;
	_ =	swait.ge [sflag:s20], $0x1000  }
0xe0: {  	s17 =	smov.u32 s16;
	s16 =	rddreg [dreg:$0xd];
	[sflag:s20] =	ssyncset.done $0x0  }
0xe1: {  	[sflag:s20] =	ssyncadd.s32 $0xFFFFF000;
	s20 =	simm.s32 @!p3 $0x16;
	s16 =	sadd.s32 s15, s16  }
0xe2: {  	[hbm4b:s16+s5] =	stream.linear.scatter [tilespmem:s22], [sflag:$0x17], $0x1000, $0x38;
	[tilespmem:$0x13C40] =	vst v63  }
0xe3: {  	_ =	swait.ge @!p3 [sflag:s20], $0x1000  }
0xe4: {  	[sflag:s20] =	ssyncset.done @!p3 $0x0  }
0xe5: {  	s16 =	sadd.s32 @!p3 $0x160, s14;
	s22 =	simm.s32 @!p3 $0x4200;
	[sflag:s20] =	ssyncadd.s32 @!p3 $0xFFFFF000  }
0xe6: {  	[tilespmem:s22], [sflag:$0x2] =	stream.indirect.gather @!p3 [hbm4b:s0+s28], $0x80, s16, s28, $0xb8;
	[tilespmem:$0x13C40] =	vst v63  }
0xe7: {  	s22 =	simm.s32 $0x5  }
0xe8: {  	_ =	swait.ge [sflag:s22], $0x1000  }
0xe9: {  	s20 =	simm.s32 $0xE;
	[sflag:s22] =	ssyncset.done $0x0  }
0xea: {  	s16 =	sadd.s32 $0x1980, s23;
	[sflag:s22] =	ssyncadd.s32 $0xFFFFF000;
	s22 =	simm.s32 $0x7200  }
0xeb: {  	[tilespmem:s22], [sflag:$0xF] =	stream.indirect.gather.add.f32 [spmem:s4], $0x80, s16, s11, $0xb8;
	[tilespmem:$0x13C40] =	vst v63  }
0xec: {  	_ =	swait.ge [sflag:s20], $0x1000  }
0xed: {  	s16 =	rddreg [dreg:$0xc];
	[sflag:s20] =	ssyncset.done $0x0  }
0xee: {  	[sflag:s20] =	ssyncadd.s32 $0xFFFFF000;
	s20 =	simm.s32 @!p3 $0x17;
	s16 =	sadd.s32 s15, s16  }
0xef: {  	[hbm4b:s16+s5] =	stream.linear.scatter [tilespmem:s24], [sflag:$0x18], $0x1000, $0x38;
	[tilespmem:$0x13C40] =	vst v63  }
0xf0: {  	_ =	swait.ge @!p3 [sflag:s20], $0x1000  }
0xf1: {  	s18 =	sadd.s32 @!p3 $0x180, s14;
	[sflag:s20] =	ssyncset.done @!p3 $0x0  }
0xf2: {  	s16 =	simm.s32 @!p3 $0x5200;
	[sflag:s20] =	ssyncadd.s32 @!p3 $0xFFFFF000;
	s20 =	simm.s32 $0x6  }
0xf3: {  	[tilespmem:s16], [sflag:$0x3] =	stream.indirect.gather @!p3 [hbm4b:s0+s28], $0x80, s18, s28, $0xb8;
	[tilespmem:$0x13C40] =	vst v63  }
0xf4: {  	_ =	swait.ge [sflag:s20], $0x1000  }
0xf5: {  	s16 =	sadd.s32 $0x19A0, s23;
	[sflag:s20] =	ssyncset.done $0x0  }
0xf6: {  	s18 =	simm.s32 $0xF;
	[sflag:s20] =	ssyncadd.s32 $0xFFFFF000;
	s20 =	simm.s32 $0x8200  }
0xf7: {  	[tilespmem:s20], [sflag:$0x10] =	stream.indirect.gather.add.f32 [spmem:s4], $0x80, s16, s11, $0xb8;
	[tilespmem:$0x13C40] =	vst v63  }
0xf8: {  	s2 =	sadd.s32 @!p3 $0x1E0, s14;
	_ =	swait.ge [sflag:s18], $0x1000  }
0xf9: {  	s31 =	sadd.s32 @!p3 $0x200, s14;
	s16 =	rddreg [dreg:$0xb];
	[sflag:s18] =	ssyncset.done $0x0  }
0xfa: {  	[sflag:s18] =	ssyncadd.s32 $0xFFFFF000;
	s18 =	simm.s32 @!p3 $0x18;
	s16 =	sadd.s32 s15, s16  }
0xfb: {  	[hbm4b:s16+s5] =	stream.linear.scatter [tilespmem:s22], [sflag:$0x19], $0x1000, $0x38;
	[tilespmem:$0x13C40] =	vst v63  }
0xfc: {  	s30 =	sadd.s32 @!p3 $0x220, s14;
	s1 =	sadd.s32 @!p3 $0x1C0, s14;
	_ =	swait.ge @!p3 [sflag:s18], $0x1000  }
0xfd: {  	s29 =	sadd.s32 @!p3 $0x1A40, s14;
	s14 =	sadd.s32 @!p3 $0x1A0, s14;
	[sflag:s18] =	ssyncset.done @!p3 $0x0  }
0xfe: {  	s16 =	simm.s32 @!p3 $0x6200;
	[sflag:s18] =	ssyncadd.s32 @!p3 $0xFFFFF000;
	s18 =	simm.s32 $0x7  }
0xff: {  	[tilespmem:s16], [sflag:$0x4] =	stream.indirect.gather @!p3 [hbm4b:s0+s28], $0x80, s14, s28, $0xb8;
	[tilespmem:$0x13C40] =	vst v63  }
0x100: {  	_ =	swait.ge [sflag:s18], $0x1000  }
0x101: {  	s22 =	sadd.s32 $0x19C0, s23;
	[sflag:s18] =	ssyncset.done $0x0  }
0x102: {  	s14 =	simm.s32 $0x10;
	[sflag:s18] =	ssyncadd.s32 $0xFFFFF000;
	s18 =	simm.s32 $0x9200  }
0x103: {  	[tilespmem:s18], [sflag:$0x11] =	stream.indirect.gather.add.f32 [spmem:s4], $0x80, s22, s11, $0xb8;
	[tilespmem:$0x13C40] =	vst v63  }
0x104: {  	_ =	swait.ge [sflag:s14], $0x1000  }
0x105: {  	s22 =	rddreg [dreg:$0xa];
	[sflag:s14] =	ssyncset.done $0x0  }
0x106: {  	s16 =	simm.s32 @!p3 $0x19;
	[sflag:s14] =	ssyncadd.s32 $0xFFFFF000;
	s14 =	sadd.s32 s15, s22  }
0x107: {  	[hbm4b:s14+s5] =	stream.linear.scatter [tilespmem:s20], [sflag:$0x1A], $0x1000, $0x38;
	[tilespmem:$0x13C40] =	vst v63  }
0x108: {  	_ =	swait.ge @!p3 [sflag:s16], $0x1000  }
0x109: {  	[sflag:s16] =	ssyncset.done @!p3 $0x0  }
0x10a: {  	s14 =	simm.s32 @!p3 $0x7200;
	[sflag:s16] =	ssyncadd.s32 @!p3 $0xFFFFF000  }
0x10b: {  	[tilespmem:s14], [sflag:$0x5] =	stream.indirect.gather @!p3 [hbm4b:s0+s28], $0x80, s1, s28, $0xb8;
	[tilespmem:$0x13C40] =	vst v63  }
0x10c: {  	_ =	swait.ge [sflag:s7], $0x1000  }
0x10d: {  	[sflag:s7] =	ssyncset.done $0x0  }
0x10e: {  	s20 =	sadd.s32 $0x19E0, s23;
	s16 =	simm.s32 $0xA200;
	[sflag:s7] =	ssyncadd.s32 $0xFFFFF000  }
0x10f: {  	[tilespmem:s16], [sflag:$0x12] =	stream.indirect.gather.add.f32 [spmem:s4], $0x80, s20, s11, $0xb8;
	[tilespmem:$0x13C40] =	vst v63  }
0x110: {  	_ =	swait.ge [sflag:s8], $0x1000  }
0x111: {  	s22 =	rddreg [dreg:$0x9];
	[sflag:s8] =	ssyncset.done $0x0  }
0x112: {  	s14 =	simm.s32 @!p3 $0x1A;
	[sflag:s8] =	ssyncadd.s32 $0xFFFFF000;
	s1 =	sadd.s32 s15, s22  }
0x113: {  	[hbm4b:s1+s5] =	stream.linear.scatter [tilespmem:s18], [sflag:$0x1B], $0x1000, $0x38;
	[tilespmem:$0x13C40] =	vst v63  }
0x114: {  	_ =	swait.ge @!p3 [sflag:s14], $0x1000  }
0x115: {  	[sflag:s14] =	ssyncset.done @!p3 $0x0  }
0x116: {  	s1 =	simm.s32 @!p3 $0x8200;
	[sflag:s14] =	ssyncadd.s32 @!p3 $0xFFFFF000  }
0x117: {  	[tilespmem:s1], [sflag:$0x6] =	stream.indirect.gather @!p3 [hbm4b:s0+s28], $0x80, s2, s28, $0xb8;
	[tilespmem:$0x13C40] =	vst v63  }
0x118: {  	_ =	swait.ge [sflag:s26], $0x1000  }
0x119: {  	[sflag:s26] =	ssyncset.done $0x0  }
0x11a: {  	s20 =	sadd.s32 $0x1A00, s23;
	[sflag:s26] =	ssyncadd.s32 $0xFFFFF000  }
0x11b: {  	[tilespmem:s10], [sflag:$0x13] =	stream.indirect.gather.add.f32 [spmem:s4], $0x80, s20, s11, $0xb8;
	[tilespmem:$0x13C40] =	vst v63  }
0x11c: {  	_ =	swait.ge [sflag:s9], $0x1000  }
0x11d: {  	s22 =	rddreg [dreg:$0x8];
	[sflag:s9] =	ssyncset.done $0x0  }
0x11e: {  	s2 =	simm.s32 @!p3 $0x1B;
	[sflag:s9] =	ssyncadd.s32 $0xFFFFF000;
	s1 =	sadd.s32 s15, s22  }
0x11f: {  	[hbm4b:s1+s5] =	stream.linear.scatter [tilespmem:s16], [sflag:$0x1C], $0x1000, $0x38;
	[tilespmem:$0x13C40] =	vst v63  }
0x120: {  	_ =	swait.ge @!p3 [sflag:s2], $0x1000  }
0x121: {  	[sflag:s2] =	ssyncset.done @!p3 $0x0  }
0x122: {  	s1 =	simm.s32 @!p3 $0x9200;
	[sflag:s2] =	ssyncadd.s32 @!p3 $0xFFFFF000  }
0x123: {  	[tilespmem:s1], [sflag:$0x7] =	stream.indirect.gather @!p3 [hbm4b:s0+s28], $0x80, s31, s28, $0xb8;
	[tilespmem:$0x13C40] =	vst v63  }
0x124: {  	_ =	swait.ge [sflag:s3], $0x1000  }
0x125: {  	[sflag:s3] =	ssyncset.done $0x0  }
0x126: {  	s23 =	sadd.s32 $0x1A20, s23;
	[sflag:s3] =	ssyncadd.s32 $0xFFFFF000  }
0x127: {  	[tilespmem:s6], [sflag:$0x14] =	stream.indirect.gather.add.f32 [spmem:s4], $0x80, s23, s11, $0xb8;
	[tilespmem:$0x13C40] =	vst v63  }
0x128: {  	_ =	swait.ge [sflag:s12], $0x1000  }
0x129: {  	s31 =	rddreg [dreg:$0xf];
	[sflag:s12] =	ssyncset.done $0x0  }
0x12a: {  	s2 =	simm.s32 @!p3 $0x1C;
	[sflag:s12] =	ssyncadd.s32 $0xFFFFF000;
	s1 =	sadd.s32 s15, s31  }
0x12b: {  	[hbm4b:s1+s5] =	stream.linear.scatter [tilespmem:s10], [sflag:$0x1D], $0x1000, $0x38;
	[tilespmem:$0x13C40] =	vst v63  }
0x12c: {  	_ =	swait.ge @!p3 [sflag:s2], $0x1000  }
0x12d: {  	[sflag:s2] =	ssyncset.done @!p3 $0x0  }
0x12e: {  	s1 =	simm.s32 @!p3 $0xA200;
	[sflag:s2] =	ssyncadd.s32 @!p3 $0xFFFFF000;
	s2 =	simm.s32 @!p3 $0x1  }
0x12f: {  	[tilespmem:s1], [sflag:$0x8] =	stream.indirect.gather @!p3 [hbm4b:s0+s28], $0x80, s30, s28, $0xb8;
	[tilespmem:$0x13C40] =	vst v63  }
0x130: {  	s19 =	sadd.s32 $0x500, s19;
	_ =	swait.ge @!p3 [sflag:s2], $0x1000  }
0x131: {  	p2 =	sne.s32 s19, $0x6400;
	[sflag:s2] =	ssyncset.done @!p3 $0x0  }
.Ltmp0:
0x132: {  	[sflag:s2] =	ssyncadd.s32 @!p3 $0xFFFFF000;
	(pc) =	sbr.rel @p2 .LBB2_2-.Ltmp0, $4  }
0x133: {  	[tilespmem:s25], [sflag:$0xB] =	stream.indirect.gather.add.f32 @!p3 [spmem:s4], $0x80, s29, s28, $0xb8;
	[tilespmem:$0x13C40] =	vst v63  }
0x134: {  	_ =	swait.ge [sflag:s13], $0x1000  }
0x135: {  	s21 =	smov.u32 s15;
	s15 =	sadd.s32 $0x1400, s15;
	[sflag:s13] =	ssyncset.done $0x0  }
0x136: {  	s1 =	simm.s32 @!p1 $0x1D;
	s2 =	rddreg [dreg:$0xe];
	[sflag:s13] =	ssyncadd.s32 $0xFFFFF000  }
0x137: {  	s2 =	sadd.s32 s21, s2;
	s6 =	simm.s32 $0xC200  }
0x138: {  	[hbm4b:s2+s5] =	stream.linear.scatter [tilespmem:s6], [sflag:$0x1E], $0x1000, $0x38;
	[tilespmem:$0x13C40] =	vst v63  }
0x139: {  	_ =	swait.ge @!p1 [sflag:s1], $0x1000  }
0x13a: {  	s10 =	simm.s32 $0xB200;
	s2 =	sshra.s32 s17, $0x2;
	[sflag:s1] =	ssyncset.done @!p1 $0x0  }
0x13b: {  	s29 =	simm.s32 $0x2;
	s28 =	sadd.s32 $0x100, s2;
	[sflag:s1] =	ssyncadd.s32 @!p1 $0xFFFFF000  }
0x13c: {  	[tilespmem:s10], [sflag:$0x9] =	stream.indirect.gather [hbm4b:s0+s11], $0x80, s28, s11, $0xb8;
	[tilespmem:$0x13C40] =	vst v63  }
0x13d: {  	_ =	swait.ge [sflag:s29], $0x1000  }
0x13e: {  	s18 =	simm.s32 $0x4200;
	[sflag:s29] =	ssyncset.done $0x0  }
0x13f: {  	s14 =	simm.s32 $0xB;
	s30 =	sadd.s32 $0x1920, s2;
	[sflag:s29] =	ssyncadd.s32 $0xFFFFF000  }
0x140: {  	[tilespmem:s18], [sflag:$0xC] =	stream.indirect.gather.add.f32 [spmem:s4], $0x80, s30, s11, $0xb8;
	[tilespmem:$0x13C40] =	vst v63  }
0x141: {  	_ =	swait.ge [sflag:s14], $0x1000  }
0x142: {  	s16 =	simm.s32 $0x3200;
	s31 =	rddreg [dreg:$0x6];
	[sflag:s14] =	ssyncset.done $0x0  }
0x143: {  	[sflag:s14] =	ssyncadd.s32 $0xFFFFF000;
	s1 =	sadd.s32 s15, s31;
	s14 =	simm.s32 @!p1 $0x1E  }
0x144: {  	[hbm4b:s1+s5] =	stream.linear.scatter [tilespmem:s16], [sflag:$0x15], $0x1000, $0x38;
	[tilespmem:$0x13C40] =	vst v63  }
0x145: {  	_ =	swait.ge @!p1 [sflag:s14], $0x1000  }
0x146: {  	[sflag:s14] =	ssyncset.done @!p1 $0x0  }
0x147: {  	s16 =	simm.s32 $0x3;
	[sflag:s14] =	ssyncadd.s32 @!p1 $0xFFFFF000;
	s14 =	sadd.s32 $0x120, s2  }
0x148: {  	[tilespmem:s6], [sflag:$0xA] =	stream.indirect.gather [hbm4b:s0+s11], $0x80, s14, s11, $0xb8;
	[tilespmem:$0x13C40] =	vst v63  }
0x149: {  	_ =	swait.ge [sflag:s16], $0x1000  }
0x14a: {  	s20 =	simm.s32 $0x5200;
	[sflag:s16] =	ssyncset.done $0x0  }
0x14b: {  	s22 =	simm.s32 $0xC;
	s19 =	sadd.s32 $0x1940, s2;
	[sflag:s16] =	ssyncadd.s32 $0xFFFFF000  }
0x14c: {  	[tilespmem:s20], [sflag:$0xD] =	stream.indirect.gather.add.f32 [spmem:s4], $0x80, s19, s11, $0xb8;
	[tilespmem:$0x13C40] =	vst v63  }
0x14d: {  	_ =	swait.ge [sflag:s22], $0x1000  }
0x14e: {  	s23 =	rddreg [dreg:$0x7];
	[sflag:s22] =	ssyncset.done $0x0  }
0x14f: {  	p1 =	seq.s32 s17, $0x5F00;
	[sflag:s22] =	ssyncadd.s32 $0xFFFFF000;
	s1 =	sadd.s32 s15, s23  }
0x150: {  	[hbm4b:s1+s5] =	stream.linear.scatter [tilespmem:s18], [sflag:$0x16], $0x1000, $0x38;
	[tilespmem:$0x13C40] =	vst v63  }
0x151: {  	s1 =	simm.s32 @!p1 $0x15  }
0x152: {  	s25 =	simm.s32 $0x4;
	_ =	swait.ge @!p1 [sflag:s1], $0x1000  }
0x153: {  	s17 =	sshra.s32 @!p1 s17, $0x2;
	s21 =	simm.s32 @!p1 $0x20;
	[sflag:s1] =	ssyncset.done @!p1 $0x0  }
0x154: {  	s14 =	sadd.s32 @!p1 $0x140, s17;
	s19 =	simm.s32 @!p1 $0x3200;
	[sflag:s1] =	ssyncadd.s32 @!p1 $0xFFFFF000  }
0x155: {  	[tilespmem:s19], [sflag:$0x1] =	stream.indirect.gather @!p1 [hbm4b:s0+s21], $0x80, s14, s21, $0xb8;
	[tilespmem:$0x13C40] =	vst v63  }
0x156: {  	_ =	swait.ge [sflag:s25], $0x1000  }
0x157: {  	s28 =	sadd.s32 $0x1960, s2;
	[sflag:s25] =	ssyncset.done $0x0  }
0x158: {  	s29 =	simm.s32 $0x6200;
	s30 =	simm.s32 $0xD;
	[sflag:s25] =	ssyncadd.s32 $0xFFFFF000  }
0x159: {  	[tilespmem:s29], [sflag:$0xE] =	stream.indirect.gather.add.f32 [spmem:s4], $0x80, s28, s11, $0xb8;
	[tilespmem:$0x13C40] =	vst v63  }
0x15a: {  	_ =	swait.ge [sflag:s30], $0x1000  }
0x15b: {  	s31 =	rddreg [dreg:$0xd];
	[sflag:s30] =	ssyncset.done $0x0  }
0x15c: {  	s14 =	simm.s32 @!p1 $0x16;
	[sflag:s30] =	ssyncadd.s32 $0xFFFFF000;
	s1 =	sadd.s32 s15, s31  }
0x15d: {  	[hbm4b:s1+s5] =	stream.linear.scatter [tilespmem:s20], [sflag:$0x17], $0x1000, $0x38;
	[tilespmem:$0x13C40] =	vst v63  }
0x15e: {  	_ =	swait.ge @!p1 [sflag:s14], $0x1000  }
0x15f: {  	[sflag:s14] =	ssyncset.done @!p1 $0x0  }
0x160: {  	s1 =	sadd.s32 @!p1 $0x160, s17;
	[sflag:s14] =	ssyncadd.s32 @!p1 $0xFFFFF000;
	s14 =	simm.s32 @!p1 $0x4200  }
0x161: {  	[tilespmem:s14], [sflag:$0x2] =	stream.indirect.gather @!p1 [hbm4b:s0+s21], $0x80, s1, s21, $0xb8;
	[tilespmem:$0x13C40] =	vst v63  }
0x162: {  	s1 =	simm.s32 $0x5  }
0x163: {  	_ =	swait.ge [sflag:s1], $0x1000  }
0x164: {  	s16 =	sadd.s32 $0x1980, s2;
	[sflag:s1] =	ssyncset.done $0x0  }
0x165: {  	s22 =	simm.s32 $0xE;
	s20 =	simm.s32 $0x7200;
	[sflag:s1] =	ssyncadd.s32 $0xFFFFF000  }
0x166: {  	[tilespmem:s20], [sflag:$0xF] =	stream.indirect.gather.add.f32 [spmem:s4], $0x80, s16, s11, $0xb8;
	[tilespmem:$0x13C40] =	vst v63  }
0x167: {  	_ =	swait.ge [sflag:s22], $0x1000  }
0x168: {  	s23 =	rddreg [dreg:$0xc];
	[sflag:s22] =	ssyncset.done $0x0  }
0x169: {  	s14 =	simm.s32 @!p1 $0x17;
	[sflag:s22] =	ssyncadd.s32 $0xFFFFF000;
	s1 =	sadd.s32 s15, s23  }
0x16a: {  	[hbm4b:s1+s5] =	stream.linear.scatter [tilespmem:s29], [sflag:$0x18], $0x1000, $0x38;
	[tilespmem:$0x13C40] =	vst v63  }
0x16b: {  	_ =	swait.ge @!p1 [sflag:s14], $0x1000  }
0x16c: {  	s25 =	simm.s32 $0x6;
	[sflag:s14] =	ssyncset.done @!p1 $0x0  }
0x16d: {  	s1 =	sadd.s32 @!p1 $0x180, s17;
	[sflag:s14] =	ssyncadd.s32 @!p1 $0xFFFFF000;
	s14 =	simm.s32 @!p1 $0x5200  }
0x16e: {  	[tilespmem:s14], [sflag:$0x3] =	stream.indirect.gather @!p1 [hbm4b:s0+s21], $0x80, s1, s21, $0xb8;
	[tilespmem:$0x13C40] =	vst v63  }
0x16f: {  	_ =	swait.ge [sflag:s25], $0x1000  }
0x170: {  	s28 =	sadd.s32 $0x19A0, s2;
	[sflag:s25] =	ssyncset.done $0x0  }
0x171: {  	s30 =	simm.s32 $0xF;
	s29 =	simm.s32 $0x8200;
	[sflag:s25] =	ssyncadd.s32 $0xFFFFF000  }
0x172: {  	[tilespmem:s29], [sflag:$0x10] =	stream.indirect.gather.add.f32 [spmem:s4], $0x80, s28, s11, $0xb8;
	[tilespmem:$0x13C40] =	vst v63  }
0x173: {  	_ =	swait.ge [sflag:s30], $0x1000  }
0x174: {  	s31 =	rddreg [dreg:$0xb];
	[sflag:s30] =	ssyncset.done $0x0  }
0x175: {  	s14 =	simm.s32 @!p1 $0x18;
	[sflag:s30] =	ssyncadd.s32 $0xFFFFF000;
	s1 =	sadd.s32 s15, s31  }
0x176: {  	[hbm4b:s1+s5] =	stream.linear.scatter [tilespmem:s20], [sflag:$0x19], $0x1000, $0x38;
	[tilespmem:$0x13C40] =	vst v63  }
0x177: {  	_ =	swait.ge @!p1 [sflag:s14], $0x1000  }
0x178: {  	[sflag:s14] =	ssyncset.done @!p1 $0x0  }
0x179: {  	s1 =	sadd.s32 @!p1 $0x1A0, s17;
	[sflag:s14] =	ssyncadd.s32 @!p1 $0xFFFFF000;
	s14 =	simm.s32 @!p1 $0x6200  }
0x17a: {  	[tilespmem:s14], [sflag:$0x4] =	stream.indirect.gather @!p1 [hbm4b:s0+s21], $0x80, s1, s21, $0xb8;
	[tilespmem:$0x13C40] =	vst v63  }
0x17b: {  	s1 =	simm.s32 $0x7  }
0x17c: {  	_ =	swait.ge [sflag:s1], $0x1000  }
0x17d: {  	s16 =	sadd.s32 $0x19C0, s2;
	[sflag:s1] =	ssyncset.done $0x0  }
0x17e: {  	s22 =	simm.s32 $0x10;
	s20 =	simm.s32 $0x9200;
	[sflag:s1] =	ssyncadd.s32 $0xFFFFF000  }
0x17f: {  	[tilespmem:s20], [sflag:$0x11] =	stream.indirect.gather.add.f32 [spmem:s4], $0x80, s16, s11, $0xb8;
	[tilespmem:$0x13C40] =	vst v63  }
0x180: {  	_ =	swait.ge [sflag:s22], $0x1000  }
0x181: {  	s23 =	rddreg [dreg:$0xa];
	[sflag:s22] =	ssyncset.done $0x0  }
0x182: {  	s14 =	simm.s32 @!p1 $0x19;
	[sflag:s22] =	ssyncadd.s32 $0xFFFFF000;
	s1 =	sadd.s32 s15, s23  }
0x183: {  	[hbm4b:s1+s5] =	stream.linear.scatter [tilespmem:s29], [sflag:$0x1A], $0x1000, $0x38;
	[tilespmem:$0x13C40] =	vst v63  }
0x184: {  	_ =	swait.ge @!p1 [sflag:s14], $0x1000  }
0x185: {  	[sflag:s14] =	ssyncset.done @!p1 $0x0  }
0x186: {  	s1 =	sadd.s32 @!p1 $0x1C0, s17;
	[sflag:s14] =	ssyncadd.s32 @!p1 $0xFFFFF000;
	s14 =	simm.s32 @!p1 $0x7200  }
0x187: {  	[tilespmem:s14], [sflag:$0x5] =	stream.indirect.gather @!p1 [hbm4b:s0+s21], $0x80, s1, s21, $0xb8;
	[tilespmem:$0x13C40] =	vst v63  }
0x188: {  	_ =	swait.ge [sflag:s7], $0x1000  }
0x189: {  	[sflag:s7] =	ssyncset.done $0x0  }
0x18a: {  	s25 =	sadd.s32 $0x19E0, s2;
	s28 =	simm.s32 $0xA200;
	[sflag:s7] =	ssyncadd.s32 $0xFFFFF000  }
0x18b: {  	[tilespmem:s28], [sflag:$0x12] =	stream.indirect.gather.add.f32 [spmem:s4], $0x80, s25, s11, $0xb8;
	[tilespmem:$0x13C40] =	vst v63  }
0x18c: {  	_ =	swait.ge [sflag:s8], $0x1000  }
0x18d: {  	s29 =	rddreg [dreg:$0x9];
	[sflag:s8] =	ssyncset.done $0x0  }
0x18e: {  	s14 =	simm.s32 @!p1 $0x1A;
	[sflag:s8] =	ssyncadd.s32 $0xFFFFF000;
	s1 =	sadd.s32 s15, s29  }
0x18f: {  	[hbm4b:s1+s5] =	stream.linear.scatter [tilespmem:s20], [sflag:$0x1B], $0x1000, $0x38;
	[tilespmem:$0x13C40] =	vst v63  }
0x190: {  	_ =	swait.ge @!p1 [sflag:s14], $0x1000  }
0x191: {  	[sflag:s14] =	ssyncset.done @!p1 $0x0  }
0x192: {  	s1 =	sadd.s32 @!p1 $0x1E0, s17;
	[sflag:s14] =	ssyncadd.s32 @!p1 $0xFFFFF000;
	s14 =	simm.s32 @!p1 $0x8200  }
0x193: {  	[tilespmem:s14], [sflag:$0x6] =	stream.indirect.gather @!p1 [hbm4b:s0+s21], $0x80, s1, s21, $0xb8;
	[tilespmem:$0x13C40] =	vst v63  }
0x194: {  	_ =	swait.ge [sflag:s26], $0x1000  }
0x195: {  	[sflag:s26] =	ssyncset.done $0x0  }
0x196: {  	s30 =	sadd.s32 $0x1A00, s2;
	[sflag:s26] =	ssyncadd.s32 $0xFFFFF000  }
0x197: {  	[tilespmem:s10], [sflag:$0x13] =	stream.indirect.gather.add.f32 [spmem:s4], $0x80, s30, s11, $0xb8;
	[tilespmem:$0x13C40] =	vst v63  }
0x198: {  	_ =	swait.ge [sflag:s9], $0x1000  }
0x199: {  	s31 =	rddreg [dreg:$0x8];
	[sflag:s9] =	ssyncset.done $0x0  }
0x19a: {  	s14 =	simm.s32 @!p1 $0x1B;
	[sflag:s9] =	ssyncadd.s32 $0xFFFFF000;
	s1 =	sadd.s32 s15, s31  }
0x19b: {  	[hbm4b:s1+s5] =	stream.linear.scatter [tilespmem:s28], [sflag:$0x1C], $0x1000, $0x38;
	[tilespmem:$0x13C40] =	vst v63  }
0x19c: {  	_ =	swait.ge @!p1 [sflag:s14], $0x1000  }
0x19d: {  	[sflag:s14] =	ssyncset.done @!p1 $0x0  }
0x19e: {  	s1 =	sadd.s32 @!p1 $0x200, s17;
	[sflag:s14] =	ssyncadd.s32 @!p1 $0xFFFFF000;
	s14 =	simm.s32 @!p1 $0x9200  }
0x19f: {  	[tilespmem:s14], [sflag:$0x7] =	stream.indirect.gather @!p1 [hbm4b:s0+s21], $0x80, s1, s21, $0xb8;
	[tilespmem:$0x13C40] =	vst v63  }
0x1a0: {  	_ =	swait.ge [sflag:s3], $0x1000  }
0x1a1: {  	[sflag:s3] =	ssyncset.done $0x0  }
0x1a2: {  	s2 =	sadd.s32 $0x1A20, s2;
	[sflag:s3] =	ssyncadd.s32 $0xFFFFF000  }
0x1a3: {  	[tilespmem:s6], [sflag:$0x14] =	stream.indirect.gather.add.f32 [spmem:s4], $0x80, s2, s11, $0xb8;
	[tilespmem:$0x13C40] =	vst v63  }
0x1a4: {  	_ =	swait.ge [sflag:s12], $0x1000  }
0x1a5: {  	s14 =	rddreg [dreg:$0xf];
	[sflag:s12] =	ssyncset.done $0x0  }
0x1a6: {  	s2 =	simm.s32 @!p1 $0x1C;
	[sflag:s12] =	ssyncadd.s32 $0xFFFFF000;
	s1 =	sadd.s32 s15, s14  }
0x1a7: {  	[hbm4b:s1+s5] =	stream.linear.scatter [tilespmem:s10], [sflag:$0x1D], $0x1000, $0x38;
	[tilespmem:$0x13C40] =	vst v63  }
0x1a8: {  	_ =	swait.ge @!p1 [sflag:s2], $0x1000  }
0x1a9: {  	[sflag:s2] =	ssyncset.done @!p1 $0x0  }
0x1aa: {  	s1 =	sadd.s32 @!p1 $0x220, s17;
	[sflag:s2] =	ssyncadd.s32 @!p1 $0xFFFFF000;
	s2 =	simm.s32 @!p1 $0xA200  }
0x1ab: {  	[tilespmem:s2], [sflag:$0x8] =	stream.indirect.gather @!p1 [hbm4b:s0+s21], $0x80, s1, s21, $0xb8;
	[tilespmem:$0x13C40] =	vst v63  }
0x1ac: {  	s1 =	simm.s32 @!p1 $0x1  }
0x1ad: {  	_ =	swait.ge @!p1 [sflag:s1], $0x1000  }
0x1ae: {  	[sflag:s1] =	ssyncset.done @!p1 $0x0  }
0x1af: {  	[sflag:s1] =	ssyncadd.s32 @!p1 $0xFFFFF000;
	s1 =	sadd.s32 @!p1 $0x1A40, s17  }
0x1b0: {  	[tilespmem:s19], [sflag:$0xB] =	stream.indirect.gather.add.f32 @!p1 [spmem:s4], $0x80, s1, s21, $0xb8;
	[tilespmem:$0x13C40] =	vst v63  }
0x1b1: {  	_ =	swait.ge [sflag:s13], $0x1000  }
0x1b2: {  	s16 =	rddreg [dreg:$0xe];
	[sflag:s13] =	ssyncset.done $0x0  }
0x1b3: {  	s17 =	simm.s32 $0x15;
	s1 =	sadd.s32 s15, s16;
	[sflag:s13] =	ssyncadd.s32 $0xFFFFF000  }
0x1b4: {  	[hbm4b:s1+s5] =	stream.linear.scatter [tilespmem:s6], [sflag:$0x1E], $0x1000, $0x38;
	[tilespmem:$0x13C40] =	vst v63  }
0x1b5: {  	_ =	swait.ge [sflag:s17], $0x1000  }
0x1b6: {  	[sflag:s17] =	ssyncset.done $0x0  }
0x1b7: {  	s18 =	simm.s32 $0x16;
	[sflag:s17] =	ssyncadd.s32 $0xFFFFF000  }
0x1b8: {  	_ =	swait.ge [sflag:s18], $0x1000  }
0x1b9: {  	[sflag:s18] =	ssyncset.done $0x0  }
0x1ba: {  	s19 =	simm.s32 $0x17;
	[sflag:s18] =	ssyncadd.s32 $0xFFFFF000  }
0x1bb: {  	_ =	swait.ge [sflag:s19], $0x1000  }
0x1bc: {  	[sflag:s19] =	ssyncset.done $0x0  }
0x1bd: {  	s20 =	simm.s32 $0x18;
	[sflag:s19] =	ssyncadd.s32 $0xFFFFF000  }
0x1be: {  	_ =	swait.ge [sflag:s20], $0x1000  }
0x1bf: {  	[sflag:s20] =	ssyncset.done $0x0  }
0x1c0: {  	s21 =	simm.s32 $0x19;
	[sflag:s20] =	ssyncadd.s32 $0xFFFFF000  }
0x1c1: {  	_ =	swait.ge [sflag:s21], $0x1000  }
0x1c2: {  	[sflag:s21] =	ssyncset.done $0x0  }
0x1c3: {  	s22 =	simm.s32 $0x1A;
	[sflag:s21] =	ssyncadd.s32 $0xFFFFF000  }
0x1c4: {  	_ =	swait.ge [sflag:s22], $0x1000  }
0x1c5: {  	[sflag:s22] =	ssyncset.done $0x0  }
0x1c6: {  	s23 =	simm.s32 $0x1B;
	[sflag:s22] =	ssyncadd.s32 $0xFFFFF000  }
0x1c7: {  	_ =	swait.ge [sflag:s23], $0x1000  }
0x1c8: {  	[sflag:s23] =	ssyncset.done $0x0  }
0x1c9: {  	s25 =	simm.s32 $0x1C;
	[sflag:s23] =	ssyncadd.s32 $0xFFFFF000  }
0x1ca: {  	_ =	swait.ge [sflag:s25], $0x1000  }
0x1cb: {  	[sflag:s25] =	ssyncset.done $0x0  }
0x1cc: {  	s28 =	simm.s32 $0x1D;
	[sflag:s25] =	ssyncadd.s32 $0xFFFFF000  }
0x1cd: {  	_ =	swait.ge [sflag:s28], $0x1000  }
0x1ce: {  	[sflag:s28] =	ssyncset.done $0x0  }
0x1cf: {  	s29 =	simm.s32 $0x1E;
	[sflag:s28] =	ssyncadd.s32 $0xFFFFF000  }
0x1d0: {  	_ =	swait.ge [sflag:s29], $0x1000  }
0x1d1: {  	s30 =	rddreg [dreg:$0x13]  }
0x1d2: {  	s31 =	rddreg [dreg:$0x12];
	s6 =	sadd.s32 $0x1, s30  }
0x1d3: {  	p1 =	sne.s32 s6, s31  }
.Ltmp1:
0x1d4: {  	_ = 	snop;
	(pc) =	sbr.rel @p1 .LBB2_1-.Ltmp1, $3  }
0x1d5: {  	_ =	sdelay $0x1  }
0x1d6: {  	[sflag:s29] =	ssyncset.done $0x0  }
0x1d7: {  	[sflag:s29] =	ssyncadd.s32 $0xFFFFF000  }
0x1d8: {  	_ =	sfence.sel $0x180000  }
0x1d9: {  	[bflag:$0x0] =	sbarrier.arrive $0xFFFF  }
0x1da: {  	_ =	strace $0x90000047  }
0x1db: {  	[bflag:$0x2] =	sbarrier.arrive $0xFFFF  }
0x1dc: {  	s0 =	rddreg [dreg:$0x5]  }
0x1dd: {  	s0 =	sadd.s32 @!p0 $0x100000, s0  }
0x1de: {  	[sflag:s0] =	ssyncadd.tile.s32 @!p0 $0x1;
	_ =	shalt  }
.Lfunc_end2:
_tile_overlayer_lowered:
.L_overlay_start_2:
0x1df: {  	(tag) =	ssettag $0x2  }
0x1e0: {  	s0 =	rddreg [dreg:$0x0];
	s2 =	stileid.u32  }
0x1e1: {  	s1 =	rddreg [dreg:$0x1];
	p0 =	sne.s32 s2, $0x0  }
0x1e2: {  	s3 =	rddreg [dreg:$0x2];
	[bflag:$0x3] =	sbarrier.arrive $0xFFFF;
	s2 =	simm.s32 @!p0 $0x1C1F  }
0x1e3: {  	[timem:s3], [sflag:s2] =	dma.local @!p0 [hbm:s0], s1  }
0x1e4: {  	s0 =	simm.s32 @!p0 $0x1F  }
0x1e5: {  	_ =	swait.ge @!p0 [sflag:s0], s1  }
0x1e6: {  	s1 =	ssub.s32 @!p0 $0x0, s1;
	[sflag:s0] =	ssyncset.done @!p0 $0x0  }
0x1e7: {  	[sflag:s0] =	ssyncadd.s32 @!p0 s1  }
0x1e8: {  	[bflag:$0x3] =	sbarrier.arrive $0xFFFF  }
0x1e9: {  	_ =	shalt  }

</sc_bundles>
